<compile_context>
chip_gen: v7x
topology: tpu7x:2x2x1
jax: 0.10.2.dev20260603
libtpu: 0.0.44.dev20260713+nightly
codegen_flags: <defaults>
</compile_context>

<pallas_src>
import functools

import jax
import jax.numpy as jnp
from jax import lax
from jax.experimental import pallas as pl
from jax.experimental.pallas import tpu as pltpu
from jax.experimental.pallas import tpu_sc as plsc

_N = 10000
_E = 320000
_DIN = 128
_DH = 256
_DOUT = 10

_NS = 16
_K = 128
_ETOT = _E + _N
_NB = 168
_CHUNK = _NB * _K
_EPAD = _CHUNK * _NS
_DEGN = 10240
_TRASH = _N


def _rsqrt16(v):
    xi = lax.bitcast_convert_type(v, jnp.int32)
    yi = jnp.int32(0x5F3759DF) - lax.shift_right_logical(xi, 1)
    y = lax.bitcast_convert_type(yi, jnp.float32)
    for _ in range(4):
        y = y * (1.5 - 0.5 * v * y * y)
    return y


def _sc_body(hperm, meta3, col2d, ew2d, out, mv, cs0, cs1, nv0, nv1,
             colv8, ewv8, rows0, rows1, outbuf, degchunk, dinv, acc, degt,
             sem0, sem1, dsem):
    cc = lax.axis_index("c")
    s = lax.axis_index("s")
    z16f = jnp.zeros((16,), jnp.float32)

    def zrow(i, _):
        for f in range(8):
            outbuf[i, pl.ds(f * 16, 16)] = z16f
        return 0
    lax.fori_loop(0, _K, zrow, 0)

    def zdeg(i, _):
        degchunk[pl.ds(i * 16, 16)] = z16f
        return 0
    lax.fori_loop(0, 1024 // 16, zdeg, 0)

    nacc = _DEGN // _NS
    for j in range(nacc // _K):
        pltpu.sync_copy(outbuf, acc.at[pl.ds(s * nacc + j * _K, _K)])
    pltpu.sync_copy(degchunk.at[:nacc], degt.at[pl.ds(s * nacc, nacc)])
    plsc.subcore_barrier()

    def deg_chunk(ci, _):
        c0 = s * _NB + ci * 8
        pltpu.sync_copy(col2d.at[pl.ds(c0, 8)], colv8)
        pltpu.sync_copy(ew2d.at[pl.ds(c0, 8)], ewv8)
        for j in range(8):
            pltpu.async_copy(ewv8.at[j], degt.at[colv8.at[j]], dsem,
                             add=True)
        for j in range(8):
            pltpu.make_async_copy(ewv8.at[j], degt.at[colv8.at[j]],
                                  dsem).wait()
        return 0
    lax.fori_loop(0, _NB // 8, deg_chunk, 0)
    plsc.subcore_barrier()

    for ch in range(_DEGN // 1024):
        pltpu.sync_copy(degt.at[pl.ds(ch * 1024, 1024)], degchunk)

        def rsq(r, _):
            d16 = degchunk[pl.ds(r * 16, 16)]
            dinv[pl.ds(ch * 1024 + r * 16, 16)] = _rsqrt16(d16)
            return 0
        lax.fori_loop(0, 1024 // 16, rsq, 0)

    ccn = cc * _N
    css = (cs0, cs1)
    nvs = (nv0, nv1)
    bufs = (rows0, rows1)
    sems = (sem0, sem1)
    himask = jnp.full((16,), -65536, jnp.int32)

    def prep(b, par):
        if par == 0:
            pltpu.sync_copy(meta3.at[pl.ds(s * _NB + b, 2)], mv)
        cs = css[par]
        nv = nvs[par]

        def norm16(i, _):
            sl = pl.ds(i * 16, 16)
            r16 = mv[par, 0, sl]
            c16 = mv[par, 1, sl]
            w16 = lax.bitcast_convert_type(mv[par, 2, sl], jnp.float32)
            dr = plsc.load_gather(dinv, [r16])
            dc = plsc.load_gather(dinv, [c16])
            cs[sl] = c16
            nv[sl] = dr * w16 * dc
            mv[par, 0, sl] = r16 + ccn
            return 0
        lax.fori_loop(0, _K // 16, norm16, 0)
        buf = bufs[par]
        for q in range(2):
            pltpu.async_copy(hperm.at[mv.at[par, 0, pl.ds(q * 64, 64)]],
                             buf.at[pl.ds(q * 64, 64)], sems[par])

    def do_batch(b, par):
        nv = nvs[par]
        buf = bufs[par]
        pltpu.make_async_copy(hperm.at[mv.at[par, 0]], buf,
                              sems[par]).wait()

        def scale(e, _):
            nb = plsc.load_gather(nv, [jnp.broadcast_to(e, (16,))])
            for f in range(4):
                x = buf[e, pl.ds(f * 16, 16)]
                lo = lax.bitcast_convert_type(
                    lax.shift_left(x, 16), jnp.float32)
                hi = lax.bitcast_convert_type(
                    lax.bitwise_and(x, himask), jnp.float32)
                outbuf[e, pl.ds(f * 16, 16)] = lo * nb
                outbuf[e, pl.ds(64 + f * 16, 16)] = hi * nb
            return 0
        lax.fori_loop(0, _K, scale, 0)
        pltpu.sync_copy(outbuf, acc.at[css[par]], add=True)

        @pl.when(b + 2 < _NB)
        def _next():
            prep(b + 2, par)

    prep(0, 0)
    prep(1, 1)

    def pair(bb, _):
        do_batch(2 * bb, 0)
        do_batch(2 * bb + 1, 1)
        return 0
    lax.fori_loop(0, _NB // 2, pair, 0)
    plsc.subcore_barrier()

    nout = 624
    pltpu.sync_copy(acc.at[pl.ds(s * nout, nout)],
                    out.at[pl.ds(cc * _N + s * nout, nout)])

    @pl.when(s == 0)
    def _tail():
        pltpu.sync_copy(acc.at[pl.ds(_NS * nout, _N - _NS * nout)],
                        out.at[pl.ds(cc * _N + _NS * nout, _N - _NS * nout)])


@jax.jit
def _sc_gcn(hperm, meta3, col2d, ew2d):
    mesh = plsc.VectorSubcoreMesh(core_axis_name="c", subcore_axis_name="s")
    return pl.kernel(
        _sc_body,
        out_type=jax.ShapeDtypeStruct((2 * _N, _DIN), jnp.float32),
        mesh=mesh,
        compiler_params=pltpu.CompilerParams(needs_layout_passes=False,
                                             use_tc_tiling_on_sc=False),
        scratch_types=[
            pltpu.VMEM((2, 3, _K), jnp.int32),
            pltpu.VMEM((_K,), jnp.int32),
            pltpu.VMEM((_K,), jnp.int32),
            pltpu.VMEM((_K,), jnp.float32),
            pltpu.VMEM((_K,), jnp.float32),
            pltpu.VMEM((8, _K), jnp.int32),
            pltpu.VMEM((8, _K), jnp.float32),
            pltpu.VMEM((_K, 64), jnp.int32),
            pltpu.VMEM((_K, 64), jnp.int32),
            pltpu.VMEM((_K, _DIN), jnp.float32),
            pltpu.VMEM((1024,), jnp.float32),
            pltpu.VMEM((_DEGN,), jnp.float32),
            pltpu.VMEM_SHARED((_DEGN, _DIN), jnp.float32),
            pltpu.VMEM_SHARED((_DEGN,), jnp.float32),
            pltpu.SemaphoreType.DMA,
            pltpu.SemaphoreType.DMA,
            pltpu.SemaphoreType.DMA,
        ],
    )(hperm, meta3, col2d, ew2d)


def _pre_body(x_ref, w_ref, o_ref):
    o_ref[0] = jnp.dot(x_ref[...], w_ref[...],
                       preferred_element_type=jnp.float32
                       ).astype(jnp.bfloat16)


def _post_body(g0_ref, g1_ref, b1_ref, a1_ref, w1_ref, bf1_ref, al_ref,
               w2_ref, bf2_ref, o_ref):
    h = jnp.concatenate([g0_ref[...], g1_ref[...]], axis=1) + b1_ref[...]
    h = jnp.where(h >= 0, h, a1_ref[...] * h)
    z = jnp.dot(h, w1_ref[...], preferred_element_type=jnp.float32)
    z = z + bf1_ref[...]
    z = jnp.where(z >= 0, z, al_ref[...] * z)
    l = jnp.dot(z, w2_ref[...], preferred_element_type=jnp.float32)
    l = l + bf2_ref[...]
    m = jnp.max(l, axis=1, keepdims=True)
    lse = jnp.log(jnp.sum(jnp.exp(l - m), axis=1, keepdims=True)) + m
    o_ref[...] = l - lse


_BN = 400


def kernel(x, edge_index, edge_weight, edge_type, W1, b1, a1, a_l,
           W_fc1, b_fc1, W_fc2, b_fc2):
    del edge_type
    f32 = jnp.float32

    hbf = pl.pallas_call(
        _pre_body,
        grid=(_N // _BN, 2),
        in_specs=[
            pl.BlockSpec((_BN, _DIN), lambda i, c: (i, 0)),
            pl.BlockSpec((_DIN, _DIN), lambda i, c: (0, c)),
        ],
        out_specs=pl.BlockSpec((1, _BN, _DIN), lambda i, c: (c, i, 0)),
        out_shape=jax.ShapeDtypeStruct((2, _N, _DIN), jnp.bfloat16),
    )(x, W1).reshape(2 * _N, _DIN)
    hperm = lax.bitcast_convert_type(
        jnp.stack([hbf[:, :64], hbf[:, 64:]], axis=-1), jnp.int32)

    pad = _EPAD - _ETOT
    loop = jnp.arange(_N, dtype=jnp.int32)
    row_all = jnp.concatenate(
        [edge_index[0], loop, jnp.zeros((pad,), jnp.int32)])
    col_all = jnp.concatenate(
        [edge_index[1], loop, jnp.full((pad,), _TRASH, jnp.int32)])
    ew_all = jnp.concatenate(
        [edge_weight, jnp.ones((_N,), f32), jnp.zeros((pad,), f32)])

    meta3 = jnp.stack(
        [row_all.reshape(_EPAD // _K, _K),
         col_all.reshape(_EPAD // _K, _K),
         lax.bitcast_convert_type(ew_all, jnp.int32).reshape(
             _EPAD // _K, _K)], axis=1)
    gcn = _sc_gcn(hperm, meta3,
                  col_all.reshape(_EPAD // _K, _K),
                  ew_all.reshape(_EPAD // _K, _K))
    g0 = gcn[:_N]
    g1 = gcn[_N:]

    W2p = jnp.pad(W_fc2, ((0, 0), (0, 128 - _DOUT)))
    b2p = jnp.concatenate([b_fc2, jnp.full((128 - _DOUT,), -1e30, f32)])

    outp = pl.pallas_call(
        _post_body,
        grid=(_N // _BN,),
        in_specs=[
            pl.BlockSpec((_BN, _DIN), lambda i: (i, 0)),
            pl.BlockSpec((_BN, _DIN), lambda i: (i, 0)),
            pl.BlockSpec((1, _DH), lambda i: (0, 0)),
            pl.BlockSpec((1, _DH), lambda i: (0, 0)),
            pl.BlockSpec((_DH, _DH), lambda i: (0, 0)),
            pl.BlockSpec((1, _DH), lambda i: (0, 0)),
            pl.BlockSpec((1, _DH), lambda i: (0, 0)),
            pl.BlockSpec((_DH, 128), lambda i: (0, 0)),
            pl.BlockSpec((1, 128), lambda i: (0, 0)),
        ],
        out_specs=pl.BlockSpec((_BN, 128), lambda i: (i, 0)),
        out_shape=jax.ShapeDtypeStruct((_N, 128), f32),
    )(g0, g1, b1.reshape(1, _DH), a1.reshape(1, _DH), W_fc1,
      b_fc1.reshape(1, _DH), a_l.reshape(1, _DH), W2p, b2p.reshape(1, 128))

    return outp[:, :_DOUT]

# --- scband reference (transcript-rebuilt; emitter-appended) ---
"""Pipeline reference for scband-net-91225105367680 (READ-ONLY COPY).

The authoritative reference and input builder live on the scoring server;
editing this copy changes nothing except your own understanding.
"""

import jax, jax.numpy as jnp
import numpy as np

N = 10000
E = 320000
D_IN = 128
D_H = 256
D_OUT = 10


def setup_inputs(seed: int = 0) -> dict:
    key = jax.random.key(seed)
    ks = jax.random.split(key, 8)
    x = jax.random.normal(ks[0], (N, D_IN), dtype=jnp.float32)
    edge_index = jax.random.randint(ks[1], (2, E), 0, N, dtype=jnp.int32)
    edge_weight = jax.random.uniform(ks[2], (E,), dtype=jnp.float32)
    edge_type = jax.random.randint(ks[3], (E,), 0, 1, dtype=jnp.int32)
    W1 = jax.random.normal(ks[4], (D_IN, D_H), dtype=jnp.float32) * (1.0 / np.sqrt(D_IN))
    b1 = jnp.zeros((D_H,), dtype=jnp.float32)
    a1 = jnp.full((D_H,), 0.25, dtype=jnp.float32)
    a_l = jnp.full((D_H,), 0.25, dtype=jnp.float32)
    W_fc1 = jax.random.normal(ks[5], (D_H, D_H), dtype=jnp.float32) * (1.0 / np.sqrt(D_H))
    b_fc1 = jnp.zeros((D_H,), dtype=jnp.float32)
    W_fc2 = jax.random.normal(ks[6], (D_H, D_OUT), dtype=jnp.float32) * (1.0 / np.sqrt(D_H))
    b_fc2 = jnp.zeros((D_OUT,), dtype=jnp.float32)
    return {"x": x, "edge_index": edge_index, "edge_weight": edge_weight, "edge_type": edge_type,
            "W1": W1, "b1": b1, "a1": a1, "a_l": a_l,
            "W_fc1": W_fc1, "b_fc1": b_fc1, "W_fc2": W_fc2, "b_fc2": b_fc2}


def _prelu(x, a):
    return jnp.where(x >= 0, x, a * x)


def _gcn_conv(x, edge_index, edge_weight, W, b):
    # GCNConv with add_self_loops=True, normalize=True (PyG semantics), eval mode (no dropedge)
    h = x @ W
    row = edge_index[0]
    col = edge_index[1]
    loop = jnp.arange(N, dtype=row.dtype)
    row = jnp.concatenate([row, loop])
    col = jnp.concatenate([col, loop])
    ew = jnp.concatenate([edge_weight, jnp.ones((N,), dtype=edge_weight.dtype)])
    deg = jax.ops.segment_sum(ew, col, num_segments=N)
    dinv = jnp.where(deg > 0, deg ** -0.5, 0.0)
    norm = dinv[row] * ew * dinv[col]
    msg = h[row] * norm[:, None]
    out = jax.ops.segment_sum(msg, col, num_segments=N)
    return out + b


def reference(x, edge_index, edge_weight, edge_type, W1, b1, a1, a_l, W_fc1, b_fc1, W_fc2, b_fc2):
    # eval mode: dropout and dropout_adj are identity
    h = _gcn_conv(x, edge_index, edge_weight, W1, b1)
    h = _prelu(h, a1)
    h = _prelu(h @ W_fc1 + b_fc1, a_l)
    h = h @ W_fc2 + b_fc2
    return jax.nn.log_softmax(h, axis=-1)

if __name__ == "__main__":
    import jax
    _d = setup_inputs()
    print(jax.jit(kernel)(*tuple(_d.values())))

</pallas_src>

<mosaic_0001>
#map = affine_map<(d0, d1) -> (0, 0)>
#map1 = affine_map<(d0, d1) -> (0, 0, 0)>
module attributes {stable_mosaic.version = 14 : i64} {
  func.func @_sc_body(%arg0: i32, %arg1: i32, %arg2: memref<20000x64xi32, #tpu.memory_space<hbm>>, %arg3: memref<2688x3x128xi32, #tpu.memory_space<hbm>>, %arg4: memref<2688x128xi32, #tpu.memory_space<hbm>>, %arg5: memref<2688x128xf32, #tpu.memory_space<hbm>>, %arg6: memref<20000x128xf32, #tpu.memory_space<hbm>>, %arg7: memref<2x3x128xi32, #tpu.memory_space<vmem>>, %arg8: memref<128xi32, #tpu.memory_space<vmem>>, %arg9: memref<128xi32, #tpu.memory_space<vmem>>, %arg10: memref<128xf32, #tpu.memory_space<vmem>>, %arg11: memref<128xf32, #tpu.memory_space<vmem>>, %arg12: memref<8x128xi32, #tpu.memory_space<vmem>>, %arg13: memref<8x128xf32, #tpu.memory_space<vmem>>, %arg14: memref<128x64xi32, #tpu.memory_space<vmem>>, %arg15: memref<128x64xi32, #tpu.memory_space<vmem>>, %arg16: memref<128x128xf32, #tpu.memory_space<vmem>>, %arg17: memref<1024xf32, #tpu.memory_space<vmem>>, %arg18: memref<10240xf32, #tpu.memory_space<vmem>>, %arg19: memref<10240x128xf32, #tpu.memory_space<vmem_shared>>, %arg20: memref<10240xf32, #tpu.memory_space<vmem_shared>>, %arg21: memref<!tpu.dma_semaphore, #tpu.memory_space<semaphore_mem>>, %arg22: memref<!tpu.dma_semaphore, #tpu.memory_space<semaphore_mem>>, %arg23: memref<!tpu.dma_semaphore, #tpu.memory_space<semaphore_mem>>) attributes {dimension_semantics = [#tpu.dimension_semantics<core_parallel>, #tpu.dimension_semantics<subcore_parallel>], iteration_bounds = array<i64: 2, 16>, scalar_prefetch = 0 : i64, scratch_operands = 17 : i64, tpu.core_type = #tpu.core_type<sc_vector_subcore>, window_params = [{transform_indices = #map}, {transform_indices = #map1}, {transform_indices = #map}, {transform_indices = #map}, {transform_indices = #map}]} {
    %broadcast_in_dim3A = arith.constant 0.000000e+00 : f32
    %broadcast_in_dim3A_0 = vector.broadcast %broadcast_in_dim3A : f32 to vector<16xf32>
    %scan3A = arith.constant 0 : i32
    %scan3A_1 = arith.constant 0 : i32
    %scan3A_2 = arith.constant 128 : i32
    %scan3A_3 = arith.addi %scan3A_1, %scan3A_2 : i32
    %scan3A_4 = arith.constant 1 : i32
    %scan3A_5 = scf.for %scan3A_194 = %scan3A_1 to %scan3A_3 step %scan3A_4 iter_args(%scan3A_195 = %scan3A) -> (i32)  : i32 {
      %swap3A = arith.index_cast %scan3A_194 : i32 to index
      %swap3A_196 = arith.constant 0 : index
      %swap3A_197 = tpu.vector_load %arg16[%swap3A, %swap3A_196] {strides = array<i32>} : memref<128x128xf32, #tpu.memory_space<vmem>>, vector<16xf32>,
      tpu.vector_store %arg16[%swap3A, %swap3A_196], %broadcast_in_dim3A_0 {strides = array<i32>} : memref<128x128xf32, #tpu.memory_space<vmem>>, vector<16xf32>,
      %swap3A_198 = arith.index_cast %scan3A_194 : i32 to index
      %swap3A_199 = arith.constant 16 : index
      %swap3A_200 = tpu.vector_load %arg16[%swap3A_198, %swap3A_199] {strides = array<i32>} : memref<128x128xf32, #tpu.memory_space<vmem>>, vector<16xf32>,
      tpu.vector_store %arg16[%swap3A_198, %swap3A_199], %broadcast_in_dim3A_0 {strides = array<i32>} : memref<128x128xf32, #tpu.memory_space<vmem>>, vector<16xf32>,
      %swap3A_201 = arith.index_cast %scan3A_194 : i32 to index
      %swap3A_202 = arith.constant 32 : index
      %swap3A_203 = tpu.vector_load %arg16[%swap3A_201, %swap3A_202] {strides = array<i32>} : memref<128x128xf32, #tpu.memory_space<vmem>>, vector<16xf32>,
      tpu.vector_store %arg16[%swap3A_201, %swap3A_202], %broadcast_in_dim3A_0 {strides = array<i32>} : memref<128x128xf32, #tpu.memory_space<vmem>>, vector<16xf32>,
      %swap3A_204 = arith.index_cast %scan3A_194 : i32 to index
      %swap3A_205 = arith.constant 48 : index
      %swap3A_206 = tpu.vector_load %arg16[%swap3A_204, %swap3A_205] {strides = array<i32>} : memref<128x128xf32, #tpu.memory_space<vmem>>, vector<16xf32>,
      tpu.vector_store %arg16[%swap3A_204, %swap3A_205], %broadcast_in_dim3A_0 {strides = array<i32>} : memref<128x128xf32, #tpu.memory_space<vmem>>, vector<16xf32>,
      %swap3A_207 = arith.index_cast %scan3A_194 : i32 to index
      %swap3A_208 = arith.constant 64 : index
      %swap3A_209 = tpu.vector_load %arg16[%swap3A_207, %swap3A_208] {strides = array<i32>} : memref<128x128xf32, #tpu.memory_space<vmem>>, vector<16xf32>,
      tpu.vector_store %arg16[%swap3A_207, %swap3A_208], %broadcast_in_dim3A_0 {strides = array<i32>} : memref<128x128xf32, #tpu.memory_space<vmem>>, vector<16xf32>,
      %swap3A_210 = arith.index_cast %scan3A_194 : i32 to index
      %swap3A_211 = arith.constant 80 : index
      %swap3A_212 = tpu.vector_load %arg16[%swap3A_210, %swap3A_211] {strides = array<i32>} : memref<128x128xf32, #tpu.memory_space<vmem>>, vector<16xf32>,
      tpu.vector_store %arg16[%swap3A_210, %swap3A_211], %broadcast_in_dim3A_0 {strides = array<i32>} : memref<128x128xf32, #tpu.memory_space<vmem>>, vector<16xf32>,
      %swap3A_213 = arith.index_cast %scan3A_194 : i32 to index
      %swap3A_214 = arith.constant 96 : index
      %swap3A_215 = tpu.vector_load %arg16[%swap3A_213, %swap3A_214] {strides = array<i32>} : memref<128x128xf32, #tpu.memory_space<vmem>>, vector<16xf32>,
      tpu.vector_store %arg16[%swap3A_213, %swap3A_214], %broadcast_in_dim3A_0 {strides = array<i32>} : memref<128x128xf32, #tpu.memory_space<vmem>>, vector<16xf32>,
      %swap3A_216 = arith.index_cast %scan3A_194 : i32 to index
      %swap3A_217 = arith.constant 112 : index
      %swap3A_218 = tpu.vector_load %arg16[%swap3A_216, %swap3A_217] {strides = array<i32>} : memref<128x128xf32, #tpu.memory_space<vmem>>, vector<16xf32>,
      tpu.vector_store %arg16[%swap3A_216, %swap3A_217], %broadcast_in_dim3A_0 {strides = array<i32>} : memref<128x128xf32, #tpu.memory_space<vmem>>, vector<16xf32>,
      %scan3A_219 = arith.constant 0 : i32
      scf.yield %scan3A_219 : i32
    }
    %scan3A_6 = arith.constant 128 : i32
    %scan3A_7 = arith.constant 0 : i32
    %scan3A_8 = arith.constant 0 : i32
    %scan3A_9 = arith.constant 64 : i32
    %scan3A_10 = arith.addi %scan3A_8, %scan3A_9 : i32
    %scan3A_11 = arith.constant 1 : i32
    %scan3A_12 = scf.for %scan3A_194 = %scan3A_8 to %scan3A_10 step %scan3A_11 iter_args(%scan3A_195 = %scan3A_7) -> (i32)  : i32 {
      %mul3A_196 = arith.constant 16 : i32
      %mul3A_197 = arith.muli %scan3A_194, %mul3A_196 : i32
      %swap3A = arith.index_cast %mul3A_197 : i32 to index
      %swap3A_198 = tpu.vector_load %arg17[%swap3A] {strides = array<i32>} : memref<1024xf32, #tpu.memory_space<vmem>>, vector<16xf32>,
      tpu.vector_store %arg17[%swap3A], %broadcast_in_dim3A_0 {strides = array<i32>} : memref<1024xf32, #tpu.memory_space<vmem>>, vector<16xf32>,
      %scan3A_199 = arith.constant 0 : i32
      scf.yield %scan3A_199 : i32
    }
    %scan3A_13 = arith.constant 64 : i32
    %mul3A = arith.constant 640 : i32
    %mul3A_14 = arith.muli %arg1, %mul3A : i32
    %add3A = arith.constant 0 : i32
    %add3A_15 = arith.addi %mul3A_14, %add3A : i32
    "tpu.region"() ({
      %run_scoped3A = tpu.sem_alloc : memref<!tpu.dma_semaphore, #tpu.memory_space<semaphore_mem>>
      %dma_start3A_194 = arith.constant 0 : i32
      %dma_start3A_195 = tpu.memref_slice %arg19[%add3A_15, %dma_start3A_194] : memref<10240x128xf32, #tpu.memory_space<vmem_shared>> -> memref<128x128xf32, #tpu.memory_space<vmem_shared>>
      %dma_start3A_196 = arith.constant 0 : i32
      %dma_start3A_197 = tpu.memref_slice %arg19[%add3A_15, %dma_start3A_196] : memref<10240x128xf32, #tpu.memory_space<vmem_shared>> -> memref<128x128xf32, #tpu.memory_space<vmem_shared>>
      tpu.enqueue_dma source(%arg16 : memref<128x128xf32, #tpu.memory_space<vmem>>) target(%dma_start3A_197 : memref<128x128xf32, #tpu.memory_space<vmem_shared>>) target_semaphore(%run_scoped3A : memref<!tpu.dma_semaphore, #tpu.memory_space<semaphore_mem>>)
      %dma_wait3A = arith.constant 0 : i32
      %dma_wait3A_198 = tpu.memref_slice %arg19[%add3A_15, %dma_wait3A] : memref<10240x128xf32, #tpu.memory_space<vmem_shared>> -> memref<128x128xf32, #tpu.memory_space<vmem_shared>>
      %dma_wait3A_199 = arith.constant 0 : i32
      %dma_wait3A_200 = tpu.memref_slice %arg19[%add3A_15, %dma_wait3A_199] : memref<10240x128xf32, #tpu.memory_space<vmem_shared>> -> memref<128x128xf32, #tpu.memory_space<vmem_shared>>
      tpu.wait_dma2 semaphore(%run_scoped3A : memref<!tpu.dma_semaphore, #tpu.memory_space<semaphore_mem>>) src(%arg16 : memref<128x128xf32, #tpu.memory_space<vmem>>) dst(%dma_wait3A_200 : memref<128x128xf32, #tpu.memory_space<vmem_shared>>)
      tpu.yield
    }) : () -> ()
    %mul3A_16 = arith.constant 640 : i32
    %mul3A_17 = arith.muli %arg1, %mul3A_16 : i32
    %add3A_18 = arith.constant 128 : i32
    %add3A_19 = arith.addi %mul3A_17, %add3A_18 : i32
    "tpu.region"() ({
      %run_scoped3A = tpu.sem_alloc : memref<!tpu.dma_semaphore, #tpu.memory_space<semaphore_mem>>
      %dma_start3A_194 = arith.constant 0 : i32
      %dma_start3A_195 = tpu.memref_slice %arg19[%add3A_19, %dma_start3A_194] : memref<10240x128xf32, #tpu.memory_space<vmem_shared>> -> memref<128x128xf32, #tpu.memory_space<vmem_shared>>
      %dma_start3A_196 = arith.constant 0 : i32
      %dma_start3A_197 = tpu.memref_slice %arg19[%add3A_19, %dma_start3A_196] : memref<10240x128xf32, #tpu.memory_space<vmem_shared>> -> memref<128x128xf32, #tpu.memory_space<vmem_shared>>
      tpu.enqueue_dma source(%arg16 : memref<128x128xf32, #tpu.memory_space<vmem>>) target(%dma_start3A_197 : memref<128x128xf32, #tpu.memory_space<vmem_shared>>) target_semaphore(%run_scoped3A : memref<!tpu.dma_semaphore, #tpu.memory_space<semaphore_mem>>)
      %dma_wait3A = arith.constant 0 : i32
      %dma_wait3A_198 = tpu.memref_slice %arg19[%add3A_19, %dma_wait3A] : memref<10240x128xf32, #tpu.memory_space<vmem_shared>> -> memref<128x128xf32, #tpu.memory_space<vmem_shared>>
      %dma_wait3A_199 = arith.constant 0 : i32
      %dma_wait3A_200 = tpu.memref_slice %arg19[%add3A_19, %dma_wait3A_199] : memref<10240x128xf32, #tpu.memory_space<vmem_shared>> -> memref<128x128xf32, #tpu.memory_space<vmem_shared>>
      tpu.wait_dma2 semaphore(%run_scoped3A : memref<!tpu.dma_semaphore, #tpu.memory_space<semaphore_mem>>) src(%arg16 : memref<128x128xf32, #tpu.memory_space<vmem>>) dst(%dma_wait3A_200 : memref<128x128xf32, #tpu.memory_space<vmem_shared>>)
      tpu.yield
    }) : () -> ()
    %mul3A_20 = arith.constant 640 : i32
    %mul3A_21 = arith.muli %arg1, %mul3A_20 : i32
    %add3A_22 = arith.constant 256 : i32
    %add3A_23 = arith.addi %mul3A_21, %add3A_22 : i32
    "tpu.region"() ({
      %run_scoped3A = tpu.sem_alloc : memref<!tpu.dma_semaphore, #tpu.memory_space<semaphore_mem>>
      %dma_start3A_194 = arith.constant 0 : i32
      %dma_start3A_195 = tpu.memref_slice %arg19[%add3A_23, %dma_start3A_194] : memref<10240x128xf32, #tpu.memory_space<vmem_shared>> -> memref<128x128xf32, #tpu.memory_space<vmem_shared>>
      %dma_start3A_196 = arith.constant 0 : i32
      %dma_start3A_197 = tpu.memref_slice %arg19[%add3A_23, %dma_start3A_196] : memref<10240x128xf32, #tpu.memory_space<vmem_shared>> -> memref<128x128xf32, #tpu.memory_space<vmem_shared>>
      tpu.enqueue_dma source(%arg16 : memref<128x128xf32, #tpu.memory_space<vmem>>) target(%dma_start3A_197 : memref<128x128xf32, #tpu.memory_space<vmem_shared>>) target_semaphore(%run_scoped3A : memref<!tpu.dma_semaphore, #tpu.memory_space<semaphore_mem>>)
      %dma_wait3A = arith.constant 0 : i32
      %dma_wait3A_198 = tpu.memref_slice %arg19[%add3A_23, %dma_wait3A] : memref<10240x128xf32, #tpu.memory_space<vmem_shared>> -> memref<128x128xf32, #tpu.memory_space<vmem_shared>>
      %dma_wait3A_199 = arith.constant 0 : i32
      %dma_wait3A_200 = tpu.memref_slice %arg19[%add3A_23, %dma_wait3A_199] : memref<10240x128xf32, #tpu.memory_space<vmem_shared>> -> memref<128x128xf32, #tpu.memory_space<vmem_shared>>
      tpu.wait_dma2 semaphore(%run_scoped3A : memref<!tpu.dma_semaphore, #tpu.memory_space<semaphore_mem>>) src(%arg16 : memref<128x128xf32, #tpu.memory_space<vmem>>) dst(%dma_wait3A_200 : memref<128x128xf32, #tpu.memory_space<vmem_shared>>)
      tpu.yield
    }) : () -> ()
    %mul3A_24 = arith.constant 640 : i32
    %mul3A_25 = arith.muli %arg1, %mul3A_24 : i32
    %add3A_26 = arith.constant 384 : i32
    %add3A_27 = arith.addi %mul3A_25, %add3A_26 : i32
    "tpu.region"() ({
      %run_scoped3A = tpu.sem_alloc : memref<!tpu.dma_semaphore, #tpu.memory_space<semaphore_mem>>
      %dma_start3A_194 = arith.constant 0 : i32
      %dma_start3A_195 = tpu.memref_slice %arg19[%add3A_27, %dma_start3A_194] : memref<10240x128xf32, #tpu.memory_space<vmem_shared>> -> memref<128x128xf32, #tpu.memory_space<vmem_shared>>
      %dma_start3A_196 = arith.constant 0 : i32
      %dma_start3A_197 = tpu.memref_slice %arg19[%add3A_27, %dma_start3A_196] : memref<10240x128xf32, #tpu.memory_space<vmem_shared>> -> memref<128x128xf32, #tpu.memory_space<vmem_shared>>
      tpu.enqueue_dma source(%arg16 : memref<128x128xf32, #tpu.memory_space<vmem>>) target(%dma_start3A_197 : memref<128x128xf32, #tpu.memory_space<vmem_shared>>) target_semaphore(%run_scoped3A : memref<!tpu.dma_semaphore, #tpu.memory_space<semaphore_mem>>)
      %dma_wait3A = arith.constant 0 : i32
      %dma_wait3A_198 = tpu.memref_slice %arg19[%add3A_27, %dma_wait3A] : memref<10240x128xf32, #tpu.memory_space<vmem_shared>> -> memref<128x128xf32, #tpu.memory_space<vmem_shared>>
      %dma_wait3A_199 = arith.constant 0 : i32
      %dma_wait3A_200 = tpu.memref_slice %arg19[%add3A_27, %dma_wait3A_199] : memref<10240x128xf32, #tpu.memory_space<vmem_shared>> -> memref<128x128xf32, #tpu.memory_space<vmem_shared>>
      tpu.wait_dma2 semaphore(%run_scoped3A : memref<!tpu.dma_semaphore, #tpu.memory_space<semaphore_mem>>) src(%arg16 : memref<128x128xf32, #tpu.memory_space<vmem>>) dst(%dma_wait3A_200 : memref<128x128xf32, #tpu.memory_space<vmem_shared>>)
      tpu.yield
    }) : () -> ()
    %mul3A_28 = arith.constant 640 : i32
    %mul3A_29 = arith.muli %arg1, %mul3A_28 : i32
    %add3A_30 = arith.constant 512 : i32
    %add3A_31 = arith.addi %mul3A_29, %add3A_30 : i32
    "tpu.region"() ({
      %run_scoped3A = tpu.sem_alloc : memref<!tpu.dma_semaphore, #tpu.memory_space<semaphore_mem>>
      %dma_start3A_194 = arith.constant 0 : i32
      %dma_start3A_195 = tpu.memref_slice %arg19[%add3A_31, %dma_start3A_194] : memref<10240x128xf32, #tpu.memory_space<vmem_shared>> -> memref<128x128xf32, #tpu.memory_space<vmem_shared>>
      %dma_start3A_196 = arith.constant 0 : i32
      %dma_start3A_197 = tpu.memref_slice %arg19[%add3A_31, %dma_start3A_196] : memref<10240x128xf32, #tpu.memory_space<vmem_shared>> -> memref<128x128xf32, #tpu.memory_space<vmem_shared>>
      tpu.enqueue_dma source(%arg16 : memref<128x128xf32, #tpu.memory_space<vmem>>) target(%dma_start3A_197 : memref<128x128xf32, #tpu.memory_space<vmem_shared>>) target_semaphore(%run_scoped3A : memref<!tpu.dma_semaphore, #tpu.memory_space<semaphore_mem>>)
      %dma_wait3A = arith.constant 0 : i32
      %dma_wait3A_198 = tpu.memref_slice %arg19[%add3A_31, %dma_wait3A] : memref<10240x128xf32, #tpu.memory_space<vmem_shared>> -> memref<128x128xf32, #tpu.memory_space<vmem_shared>>
      %dma_wait3A_199 = arith.constant 0 : i32
      %dma_wait3A_200 = tpu.memref_slice %arg19[%add3A_31, %dma_wait3A_199] : memref<10240x128xf32, #tpu.memory_space<vmem_shared>> -> memref<128x128xf32, #tpu.memory_space<vmem_shared>>
      tpu.wait_dma2 semaphore(%run_scoped3A : memref<!tpu.dma_semaphore, #tpu.memory_space<semaphore_mem>>) src(%arg16 : memref<128x128xf32, #tpu.memory_space<vmem>>) dst(%dma_wait3A_200 : memref<128x128xf32, #tpu.memory_space<vmem_shared>>)
      tpu.yield
    }) : () -> ()
    %mul3A_32 = arith.constant 640 : i32
    %mul3A_33 = arith.muli %arg1, %mul3A_32 : i32
    "tpu.region"() ({
      %run_scoped3A = tpu.sem_alloc : memref<!tpu.dma_semaphore, #tpu.memory_space<semaphore_mem>>
      %dma_start3A_194 = arith.constant 0 : i32
      %dma_start3A_195 = tpu.memref_slice %arg17[%dma_start3A_194] : memref<1024xf32, #tpu.memory_space<vmem>> -> memref<640xf32, #tpu.memory_space<vmem>>
      %dma_start3A_196 = tpu.memref_slice %arg20[%mul3A_33] : memref<10240xf32, #tpu.memory_space<vmem_shared>> -> memref<640xf32, #tpu.memory_space<vmem_shared>>
      %dma_start3A_197 = tpu.memref_slice %arg20[%mul3A_33] : memref<10240xf32, #tpu.memory_space<vmem_shared>> -> memref<640xf32, #tpu.memory_space<vmem_shared>>
      %dma_start3A_198 = arith.constant 0 : i32
      %dma_start3A_199 = tpu.memref_slice %arg17[%dma_start3A_198] : memref<1024xf32, #tpu.memory_space<vmem>> -> memref<640xf32, #tpu.memory_space<vmem>>
      tpu.enqueue_dma source(%dma_start3A_199 : memref<640xf32, #tpu.memory_space<vmem>>) target(%dma_start3A_197 : memref<640xf32, #tpu.memory_space<vmem_shared>>) target_semaphore(%run_scoped3A : memref<!tpu.dma_semaphore, #tpu.memory_space<semaphore_mem>>)
      %dma_wait3A = arith.constant 0 : i32
      %dma_wait3A_200 = tpu.memref_slice %arg17[%dma_wait3A] : memref<1024xf32, #tpu.memory_space<vmem>> -> memref<640xf32, #tpu.memory_space<vmem>>
      %dma_wait3A_201 = tpu.memref_slice %arg20[%mul3A_33] : memref<10240xf32, #tpu.memory_space<vmem_shared>> -> memref<640xf32, #tpu.memory_space<vmem_shared>>
      %dma_wait3A_202 = tpu.memref_slice %arg20[%mul3A_33] : memref<10240xf32, #tpu.memory_space<vmem_shared>> -> memref<640xf32, #tpu.memory_space<vmem_shared>>
      %dma_wait3A_203 = arith.constant 0 : i32
      %dma_wait3A_204 = tpu.memref_slice %arg17[%dma_wait3A_203] : memref<1024xf32, #tpu.memory_space<vmem>> -> memref<640xf32, #tpu.memory_space<vmem>>
      tpu.wait_dma2 semaphore(%run_scoped3A : memref<!tpu.dma_semaphore, #tpu.memory_space<semaphore_mem>>) src(%dma_wait3A_204 : memref<640xf32, #tpu.memory_space<vmem>>) dst(%dma_wait3A_202 : memref<640xf32, #tpu.memory_space<vmem_shared>>)
      tpu.yield
    }) : () -> ()
    %barrier3A = arith.constant 0 : index
    tpu.barrier barrier_id(%barrier3A)
    %scan3A_34 = arith.constant 0 : i32
    %scan3A_35 = arith.constant 0 : i32
    %scan3A_36 = arith.constant 21 : i32
    %scan3A_37 = arith.addi %scan3A_35, %scan3A_36 : i32
    %scan3A_38 = arith.constant 1 : i32
    %scan3A_39 = scf.for %scan3A_194 = %scan3A_35 to %scan3A_37 step %scan3A_38 iter_args(%scan3A_195 = %scan3A_34) -> (i32)  : i32 {
      %mul3A_196 = arith.constant 168 : i32
      %mul3A_197 = arith.muli %arg1, %mul3A_196 : i32
      %mul3A_198 = arith.constant 8 : i32
      %mul3A_199 = arith.muli %scan3A_194, %mul3A_198 : i32
      %add3A_200 = arith.addi %mul3A_197, %mul3A_199 : i32
      "tpu.region"() ({
        %run_scoped3A = tpu.sem_alloc : memref<!tpu.dma_semaphore, #tpu.memory_space<semaphore_mem>>
        %dma_start3A_361 = arith.constant 0 : i32
        %dma_start3A_362 = tpu.memref_slice %arg4[%add3A_200, %dma_start3A_361] : memref<2688x128xi32, #tpu.memory_space<hbm>> -> memref<8x128xi32, #tpu.memory_space<hbm>>
        %dma_start3A_363 = arith.constant 0 : i32
        %dma_start3A_364 = tpu.memref_slice %arg4[%add3A_200, %dma_start3A_363] : memref<2688x128xi32, #tpu.memory_space<hbm>> -> memref<8x128xi32, #tpu.memory_space<hbm>>
        tpu.enqueue_dma source(%dma_start3A_364 : memref<8x128xi32, #tpu.memory_space<hbm>>) target(%arg12 : memref<8x128xi32, #tpu.memory_space<vmem>>) target_semaphore(%run_scoped3A : memref<!tpu.dma_semaphore, #tpu.memory_space<semaphore_mem>>)
        %dma_wait3A_365 = arith.constant 0 : i32
        %dma_wait3A_366 = tpu.memref_slice %arg4[%add3A_200, %dma_wait3A_365] : memref<2688x128xi32, #tpu.memory_space<hbm>> -> memref<8x128xi32, #tpu.memory_space<hbm>>
        %dma_wait3A_367 = arith.constant 0 : i32
        %dma_wait3A_368 = tpu.memref_slice %arg4[%add3A_200, %dma_wait3A_367] : memref<2688x128xi32, #tpu.memory_space<hbm>> -> memref<8x128xi32, #tpu.memory_space<hbm>>
        tpu.wait_dma2 semaphore(%run_scoped3A : memref<!tpu.dma_semaphore, #tpu.memory_space<semaphore_mem>>) src(%dma_wait3A_368 : memref<8x128xi32, #tpu.memory_space<hbm>>) dst(%arg12 : memref<8x128xi32, #tpu.memory_space<vmem>>)
        tpu.yield
      }) : () -> ()
      "tpu.region"() ({
        %run_scoped3A = tpu.sem_alloc : memref<!tpu.dma_semaphore, #tpu.memory_space<semaphore_mem>>
        %dma_start3A_361 = arith.constant 0 : i32
        %dma_start3A_362 = tpu.memref_slice %arg5[%add3A_200, %dma_start3A_361] : memref<2688x128xf32, #tpu.memory_space<hbm>> -> memref<8x128xf32, #tpu.memory_space<hbm>>
        %dma_start3A_363 = arith.constant 0 : i32
        %dma_start3A_364 = tpu.memref_slice %arg5[%add3A_200, %dma_start3A_363] : memref<2688x128xf32, #tpu.memory_space<hbm>> -> memref<8x128xf32, #tpu.memory_space<hbm>>
        tpu.enqueue_dma source(%dma_start3A_364 : memref<8x128xf32, #tpu.memory_space<hbm>>) target(%arg13 : memref<8x128xf32, #tpu.memory_space<vmem>>) target_semaphore(%run_scoped3A : memref<!tpu.dma_semaphore, #tpu.memory_space<semaphore_mem>>)
        %dma_wait3A_365 = arith.constant 0 : i32
        %dma_wait3A_366 = tpu.memref_slice %arg5[%add3A_200, %dma_wait3A_365] : memref<2688x128xf32, #tpu.memory_space<hbm>> -> memref<8x128xf32, #tpu.memory_space<hbm>>
        %dma_wait3A_367 = arith.constant 0 : i32
        %dma_wait3A_368 = tpu.memref_slice %arg5[%add3A_200, %dma_wait3A_367] : memref<2688x128xf32, #tpu.memory_space<hbm>> -> memref<8x128xf32, #tpu.memory_space<hbm>>
        tpu.wait_dma2 semaphore(%run_scoped3A : memref<!tpu.dma_semaphore, #tpu.memory_space<semaphore_mem>>) src(%dma_wait3A_368 : memref<8x128xf32, #tpu.memory_space<hbm>>) dst(%arg13 : memref<8x128xf32, #tpu.memory_space<vmem>>)
        tpu.yield
      }) : () -> ()
      %dma_start3A_201 = arith.constant 0 : i32
      %dma_start3A_202 = arith.constant 0 : i32
      %dma_start3A_203 = arith.constant 0 : i32
      %dma_start3A_204 = tpu.memref_slice %arg13[%dma_start3A_201, %dma_start3A_203] : memref<8x128xf32, #tpu.memory_space<vmem>> -> memref<1x128xf32, #tpu.memory_space<vmem>>
      %dma_start3A_205 = tpu.memref_squeeze %dma_start3A_204 : memref<1x128xf32, #tpu.memory_space<vmem>> -> memref<128xf32, #tpu.memory_space<vmem>>
      %dma_start3A_206 = arith.constant 0 : i32
      %dma_start3A_207 = tpu.memref_slice %arg12[%dma_start3A_202, %dma_start3A_206] : memref<8x128xi32, #tpu.memory_space<vmem>> -> memref<1x128xi32, #tpu.memory_space<vmem>>
      %dma_start3A_208 = tpu.memref_squeeze %dma_start3A_207 : memref<1x128xi32, #tpu.memory_space<vmem>> -> memref<128xi32, #tpu.memory_space<vmem>>
      %dma_start3A_209 = arith.constant 0 : i32
      %dma_start3A_210 = tpu.memref_slice %arg20[%dma_start3A_209] : memref<10240xf32, #tpu.memory_space<vmem_shared>> -> memref<10240xf32, #tpu.memory_space<vmem_shared>>
      tpu.enqueue_indirect_dma source(%dma_start3A_205 : memref<128xf32, #tpu.memory_space<vmem>>) target(%dma_start3A_210 : memref<10240xf32, #tpu.memory_space<vmem_shared>>) offsets(%dma_start3A_208 : memref<128xi32, #tpu.memory_space<vmem>>) semaphore(%arg23 : memref<!tpu.dma_semaphore, #tpu.memory_space<semaphore_mem>>) {add = true}
      %dma_start3A_211 = arith.constant 1 : i32
      %dma_start3A_212 = arith.constant 1 : i32
      %dma_start3A_213 = arith.constant 0 : i32
      %dma_start3A_214 = tpu.memref_slice %arg13[%dma_start3A_211, %dma_start3A_213] : memref<8x128xf32, #tpu.memory_space<vmem>> -> memref<1x128xf32, #tpu.memory_space<vmem>>
      %dma_start3A_215 = tpu.memref_squeeze %dma_start3A_214 : memref<1x128xf32, #tpu.memory_space<vmem>> -> memref<128xf32, #tpu.memory_space<vmem>>
      %dma_start3A_216 = arith.constant 0 : i32
      %dma_start3A_217 = tpu.memref_slice %arg12[%dma_start3A_212, %dma_start3A_216] : memref<8x128xi32, #tpu.memory_space<vmem>> -> memref<1x128xi32, #tpu.memory_space<vmem>>
      %dma_start3A_218 = tpu.memref_squeeze %dma_start3A_217 : memref<1x128xi32, #tpu.memory_space<vmem>> -> memref<128xi32, #tpu.memory_space<vmem>>
      %dma_start3A_219 = arith.constant 0 : i32
      %dma_start3A_220 = tpu.memref_slice %arg20[%dma_start3A_219] : memref<10240xf32, #tpu.memory_space<vmem_shared>> -> memref<10240xf32, #tpu.memory_space<vmem_shared>>
      tpu.enqueue_indirect_dma source(%dma_start3A_215 : memref<128xf32, #tpu.memory_space<vmem>>) target(%dma_start3A_220 : memref<10240xf32, #tpu.memory_space<vmem_shared>>) offsets(%dma_start3A_218 : memref<128xi32, #tpu.memory_space<vmem>>) semaphore(%arg23 : memref<!tpu.dma_semaphore, #tpu.memory_space<semaphore_mem>>) {add = true}
      %dma_start3A_221 = arith.constant 2 : i32
      %dma_start3A_222 = arith.constant 2 : i32
      %dma_start3A_223 = arith.constant 0 : i32
      %dma_start3A_224 = tpu.memref_slice %arg13[%dma_start3A_221, %dma_start3A_223] : memref<8x128xf32, #tpu.memory_space<vmem>> -> memref<1x128xf32, #tpu.memory_space<vmem>>
      %dma_start3A_225 = tpu.memref_squeeze %dma_start3A_224 : memref<1x128xf32, #tpu.memory_space<vmem>> -> memref<128xf32, #tpu.memory_space<vmem>>
      %dma_start3A_226 = arith.constant 0 : i32
      %dma_start3A_227 = tpu.memref_slice %arg12[%dma_start3A_222, %dma_start3A_226] : memref<8x128xi32, #tpu.memory_space<vmem>> -> memref<1x128xi32, #tpu.memory_space<vmem>>
      %dma_start3A_228 = tpu.memref_squeeze %dma_start3A_227 : memref<1x128xi32, #tpu.memory_space<vmem>> -> memref<128xi32, #tpu.memory_space<vmem>>
      %dma_start3A_229 = arith.constant 0 : i32
      %dma_start3A_230 = tpu.memref_slice %arg20[%dma_start3A_229] : memref<10240xf32, #tpu.memory_space<vmem_shared>> -> memref<10240xf32, #tpu.memory_space<vmem_shared>>
      tpu.enqueue_indirect_dma source(%dma_start3A_225 : memref<128xf32, #tpu.memory_space<vmem>>) target(%dma_start3A_230 : memref<10240xf32, #tpu.memory_space<vmem_shared>>) offsets(%dma_start3A_228 : memref<128xi32, #tpu.memory_space<vmem>>) semaphore(%arg23 : memref<!tpu.dma_semaphore, #tpu.memory_space<semaphore_mem>>) {add = true}
      %dma_start3A_231 = arith.constant 3 : i32
      %dma_start3A_232 = arith.constant 3 : i32
      %dma_start3A_233 = arith.constant 0 : i32
      %dma_start3A_234 = tpu.memref_slice %arg13[%dma_start3A_231, %dma_start3A_233] : memref<8x128xf32, #tpu.memory_space<vmem>> -> memref<1x128xf32, #tpu.memory_space<vmem>>
      %dma_start3A_235 = tpu.memref_squeeze %dma_start3A_234 : memref<1x128xf32, #tpu.memory_space<vmem>> -> memref<128xf32, #tpu.memory_space<vmem>>
      %dma_start3A_236 = arith.constant 0 : i32
      %dma_start3A_237 = tpu.memref_slice %arg12[%dma_start3A_232, %dma_start3A_236] : memref<8x128xi32, #tpu.memory_space<vmem>> -> memref<1x128xi32, #tpu.memory_space<vmem>>
      %dma_start3A_238 = tpu.memref_squeeze %dma_start3A_237 : memref<1x128xi32, #tpu.memory_space<vmem>> -> memref<128xi32, #tpu.memory_space<vmem>>
      %dma_start3A_239 = arith.constant 0 : i32
      %dma_start3A_240 = tpu.memref_slice %arg20[%dma_start3A_239] : memref<10240xf32, #tpu.memory_space<vmem_shared>> -> memref<10240xf32, #tpu.memory_space<vmem_shared>>
      tpu.enqueue_indirect_dma source(%dma_start3A_235 : memref<128xf32, #tpu.memory_space<vmem>>) target(%dma_start3A_240 : memref<10240xf32, #tpu.memory_space<vmem_shared>>) offsets(%dma_start3A_238 : memref<128xi32, #tpu.memory_space<vmem>>) semaphore(%arg23 : memref<!tpu.dma_semaphore, #tpu.memory_space<semaphore_mem>>) {add = true}
      %dma_start3A_241 = arith.constant 4 : i32
      %dma_start3A_242 = arith.constant 4 : i32
      %dma_start3A_243 = arith.constant 0 : i32
      %dma_start3A_244 = tpu.memref_slice %arg13[%dma_start3A_241, %dma_start3A_243] : memref<8x128xf32, #tpu.memory_space<vmem>> -> memref<1x128xf32, #tpu.memory_space<vmem>>
      %dma_start3A_245 = tpu.memref_squeeze %dma_start3A_244 : memref<1x128xf32, #tpu.memory_space<vmem>> -> memref<128xf32, #tpu.memory_space<vmem>>
      %dma_start3A_246 = arith.constant 0 : i32
      %dma_start3A_247 = tpu.memref_slice %arg12[%dma_start3A_242, %dma_start3A_246] : memref<8x128xi32, #tpu.memory_space<vmem>> -> memref<1x128xi32, #tpu.memory_space<vmem>>
      %dma_start3A_248 = tpu.memref_squeeze %dma_start3A_247 : memref<1x128xi32, #tpu.memory_space<vmem>> -> memref<128xi32, #tpu.memory_space<vmem>>
      %dma_start3A_249 = arith.constant 0 : i32
      %dma_start3A_250 = tpu.memref_slice %arg20[%dma_start3A_249] : memref<10240xf32, #tpu.memory_space<vmem_shared>> -> memref<10240xf32, #tpu.memory_space<vmem_shared>>
      tpu.enqueue_indirect_dma source(%dma_start3A_245 : memref<128xf32, #tpu.memory_space<vmem>>) target(%dma_start3A_250 : memref<10240xf32, #tpu.memory_space<vmem_shared>>) offsets(%dma_start3A_248 : memref<128xi32, #tpu.memory_space<vmem>>) semaphore(%arg23 : memref<!tpu.dma_semaphore, #tpu.memory_space<semaphore_mem>>) {add = true}
      %dma_start3A_251 = arith.constant 5 : i32
      %dma_start3A_252 = arith.constant 5 : i32
      %dma_start3A_253 = arith.constant 0 : i32
      %dma_start3A_254 = tpu.memref_slice %arg13[%dma_start3A_251, %dma_start3A_253] : memref<8x128xf32, #tpu.memory_space<vmem>> -> memref<1x128xf32, #tpu.memory_space<vmem>>
      %dma_start3A_255 = tpu.memref_squeeze %dma_start3A_254 : memref<1x128xf32, #tpu.memory_space<vmem>> -> memref<128xf32, #tpu.memory_space<vmem>>
      %dma_start3A_256 = arith.constant 0 : i32
      %dma_start3A_257 = tpu.memref_slice %arg12[%dma_start3A_252, %dma_start3A_256] : memref<8x128xi32, #tpu.memory_space<vmem>> -> memref<1x128xi32, #tpu.memory_space<vmem>>
      %dma_start3A_258 = tpu.memref_squeeze %dma_start3A_257 : memref<1x128xi32, #tpu.memory_space<vmem>> -> memref<128xi32, #tpu.memory_space<vmem>>
      %dma_start3A_259 = arith.constant 0 : i32
      %dma_start3A_260 = tpu.memref_slice %arg20[%dma_start3A_259] : memref<10240xf32, #tpu.memory_space<vmem_shared>> -> memref<10240xf32, #tpu.memory_space<vmem_shared>>
      tpu.enqueue_indirect_dma source(%dma_start3A_255 : memref<128xf32, #tpu.memory_space<vmem>>) target(%dma_start3A_260 : memref<10240xf32, #tpu.memory_space<vmem_shared>>) offsets(%dma_start3A_258 : memref<128xi32, #tpu.memory_space<vmem>>) semaphore(%arg23 : memref<!tpu.dma_semaphore, #tpu.memory_space<semaphore_mem>>) {add = true}
      %dma_start3A_261 = arith.constant 6 : i32
      %dma_start3A_262 = arith.constant 6 : i32
      %dma_start3A_263 = arith.constant 0 : i32
      %dma_start3A_264 = tpu.memref_slice %arg13[%dma_start3A_261, %dma_start3A_263] : memref<8x128xf32, #tpu.memory_space<vmem>> -> memref<1x128xf32, #tpu.memory_space<vmem>>
      %dma_start3A_265 = tpu.memref_squeeze %dma_start3A_264 : memref<1x128xf32, #tpu.memory_space<vmem>> -> memref<128xf32, #tpu.memory_space<vmem>>
      %dma_start3A_266 = arith.constant 0 : i32
      %dma_start3A_267 = tpu.memref_slice %arg12[%dma_start3A_262, %dma_start3A_266] : memref<8x128xi32, #tpu.memory_space<vmem>> -> memref<1x128xi32, #tpu.memory_space<vmem>>
      %dma_start3A_268 = tpu.memref_squeeze %dma_start3A_267 : memref<1x128xi32, #tpu.memory_space<vmem>> -> memref<128xi32, #tpu.memory_space<vmem>>
      %dma_start3A_269 = arith.constant 0 : i32
      %dma_start3A_270 = tpu.memref_slice %arg20[%dma_start3A_269] : memref<10240xf32, #tpu.memory_space<vmem_shared>> -> memref<10240xf32, #tpu.memory_space<vmem_shared>>
      tpu.enqueue_indirect_dma source(%dma_start3A_265 : memref<128xf32, #tpu.memory_space<vmem>>) target(%dma_start3A_270 : memref<10240xf32, #tpu.memory_space<vmem_shared>>) offsets(%dma_start3A_268 : memref<128xi32, #tpu.memory_space<vmem>>) semaphore(%arg23 : memref<!tpu.dma_semaphore, #tpu.memory_space<semaphore_mem>>) {add = true}
      %dma_start3A_271 = arith.constant 7 : i32
      %dma_start3A_272 = arith.constant 7 : i32
      %dma_start3A_273 = arith.constant 0 : i32
      %dma_start3A_274 = tpu.memref_slice %arg13[%dma_start3A_271, %dma_start3A_273] : memref<8x128xf32, #tpu.memory_space<vmem>> -> memref<1x128xf32, #tpu.memory_space<vmem>>
      %dma_start3A_275 = tpu.memref_squeeze %dma_start3A_274 : memref<1x128xf32, #tpu.memory_space<vmem>> -> memref<128xf32, #tpu.memory_space<vmem>>
      %dma_start3A_276 = arith.constant 0 : i32
      %dma_start3A_277 = tpu.memref_slice %arg12[%dma_start3A_272, %dma_start3A_276] : memref<8x128xi32, #tpu.memory_space<vmem>> -> memref<1x128xi32, #tpu.memory_space<vmem>>
      %dma_start3A_278 = tpu.memref_squeeze %dma_start3A_277 : memref<1x128xi32, #tpu.memory_space<vmem>> -> memref<128xi32, #tpu.memory_space<vmem>>
      %dma_start3A_279 = arith.constant 0 : i32
      %dma_start3A_280 = tpu.memref_slice %arg20[%dma_start3A_279] : memref<10240xf32, #tpu.memory_space<vmem_shared>> -> memref<10240xf32, #tpu.memory_space<vmem_shared>>
      tpu.enqueue_indirect_dma source(%dma_start3A_275 : memref<128xf32, #tpu.memory_space<vmem>>) target(%dma_start3A_280 : memref<10240xf32, #tpu.memory_space<vmem_shared>>) offsets(%dma_start3A_278 : memref<128xi32, #tpu.memory_space<vmem>>) semaphore(%arg23 : memref<!tpu.dma_semaphore, #tpu.memory_space<semaphore_mem>>) {add = true}
      %dma_wait3A = arith.constant 0 : i32
      %dma_wait3A_281 = arith.constant 0 : i32
      %dma_wait3A_282 = arith.constant 0 : i32
      %dma_wait3A_283 = tpu.memref_slice %arg13[%dma_wait3A, %dma_wait3A_282] : memref<8x128xf32, #tpu.memory_space<vmem>> -> memref<1x128xf32, #tpu.memory_space<vmem>>
      %dma_wait3A_284 = tpu.memref_squeeze %dma_wait3A_283 : memref<1x128xf32, #tpu.memory_space<vmem>> -> memref<128xf32, #tpu.memory_space<vmem>>
      %dma_wait3A_285 = arith.constant 0 : i32
      %dma_wait3A_286 = tpu.memref_slice %arg12[%dma_wait3A_281, %dma_wait3A_285] : memref<8x128xi32, #tpu.memory_space<vmem>> -> memref<1x128xi32, #tpu.memory_space<vmem>>
      %dma_wait3A_287 = tpu.memref_squeeze %dma_wait3A_286 : memref<1x128xi32, #tpu.memory_space<vmem>> -> memref<128xi32, #tpu.memory_space<vmem>>
      %dma_wait3A_288 = arith.constant 0 : i32
      %dma_wait3A_289 = tpu.memref_slice %arg20[%dma_wait3A_288] : memref<10240xf32, #tpu.memory_space<vmem_shared>> -> memref<10240xf32, #tpu.memory_space<vmem_shared>>
      tpu.wait_indirect_dma semaphore(%arg23 : memref<!tpu.dma_semaphore, #tpu.memory_space<semaphore_mem>>) src(%dma_wait3A_284 : memref<128xf32, #tpu.memory_space<vmem>>) dst(%dma_wait3A_289 : memref<10240xf32, #tpu.memory_space<vmem_shared>>)
      %dma_wait3A_290 = arith.constant 1 : i32
      %dma_wait3A_291 = arith.constant 1 : i32
      %dma_wait3A_292 = arith.constant 0 : i32
      %dma_wait3A_293 = tpu.memref_slice %arg13[%dma_wait3A_290, %dma_wait3A_292] : memref<8x128xf32, #tpu.memory_space<vmem>> -> memref<1x128xf32, #tpu.memory_space<vmem>>
      %dma_wait3A_294 = tpu.memref_squeeze %dma_wait3A_293 : memref<1x128xf32, #tpu.memory_space<vmem>> -> memref<128xf32, #tpu.memory_space<vmem>>
      %dma_wait3A_295 = arith.constant 0 : i32
      %dma_wait3A_296 = tpu.memref_slice %arg12[%dma_wait3A_291, %dma_wait3A_295] : memref<8x128xi32, #tpu.memory_space<vmem>> -> memref<1x128xi32, #tpu.memory_space<vmem>>
      %dma_wait3A_297 = tpu.memref_squeeze %dma_wait3A_296 : memref<1x128xi32, #tpu.memory_space<vmem>> -> memref<128xi32, #tpu.memory_space<vmem>>
      %dma_wait3A_298 = arith.constant 0 : i32
      %dma_wait3A_299 = tpu.memref_slice %arg20[%dma_wait3A_298] : memref<10240xf32, #tpu.memory_space<vmem_shared>> -> memref<10240xf32, #tpu.memory_space<vmem_shared>>
      tpu.wait_indirect_dma semaphore(%arg23 : memref<!tpu.dma_semaphore, #tpu.memory_space<semaphore_mem>>) src(%dma_wait3A_294 : memref<128xf32, #tpu.memory_space<vmem>>) dst(%dma_wait3A_299 : memref<10240xf32, #tpu.memory_space<vmem_shared>>)
      %dma_wait3A_300 = arith.constant 2 : i32
      %dma_wait3A_301 = arith.constant 2 : i32
      %dma_wait3A_302 = arith.constant 0 : i32
      %dma_wait3A_303 = tpu.memref_slice %arg13[%dma_wait3A_300, %dma_wait3A_302] : memref<8x128xf32, #tpu.memory_space<vmem>> -> memref<1x128xf32, #tpu.memory_space<vmem>>
      %dma_wait3A_304 = tpu.memref_squeeze %dma_wait3A_303 : memref<1x128xf32, #tpu.memory_space<vmem>> -> memref<128xf32, #tpu.memory_space<vmem>>
      %dma_wait3A_305 = arith.constant 0 : i32
      %dma_wait3A_306 = tpu.memref_slice %arg12[%dma_wait3A_301, %dma_wait3A_305] : memref<8x128xi32, #tpu.memory_space<vmem>> -> memref<1x128xi32, #tpu.memory_space<vmem>>
      %dma_wait3A_307 = tpu.memref_squeeze %dma_wait3A_306 : memref<1x128xi32, #tpu.memory_space<vmem>> -> memref<128xi32, #tpu.memory_space<vmem>>
      %dma_wait3A_308 = arith.constant 0 : i32
      %dma_wait3A_309 = tpu.memref_slice %arg20[%dma_wait3A_308] : memref<10240xf32, #tpu.memory_space<vmem_shared>> -> memref<10240xf32, #tpu.memory_space<vmem_shared>>
      tpu.wait_indirect_dma semaphore(%arg23 : memref<!tpu.dma_semaphore, #tpu.memory_space<semaphore_mem>>) src(%dma_wait3A_304 : memref<128xf32, #tpu.memory_space<vmem>>) dst(%dma_wait3A_309 : memref<10240xf32, #tpu.memory_space<vmem_shared>>)
      %dma_wait3A_310 = arith.constant 3 : i32
      %dma_wait3A_311 = arith.constant 3 : i32
      %dma_wait3A_312 = arith.constant 0 : i32
      %dma_wait3A_313 = tpu.memref_slice %arg13[%dma_wait3A_310, %dma_wait3A_312] : memref<8x128xf32, #tpu.memory_space<vmem>> -> memref<1x128xf32, #tpu.memory_space<vmem>>
      %dma_wait3A_314 = tpu.memref_squeeze %dma_wait3A_313 : memref<1x128xf32, #tpu.memory_space<vmem>> -> memref<128xf32, #tpu.memory_space<vmem>>
      %dma_wait3A_315 = arith.constant 0 : i32
      %dma_wait3A_316 = tpu.memref_slice %arg12[%dma_wait3A_311, %dma_wait3A_315] : memref<8x128xi32, #tpu.memory_space<vmem>> -> memref<1x128xi32, #tpu.memory_space<vmem>>
      %dma_wait3A_317 = tpu.memref_squeeze %dma_wait3A_316 : memref<1x128xi32, #tpu.memory_space<vmem>> -> memref<128xi32, #tpu.memory_space<vmem>>
      %dma_wait3A_318 = arith.constant 0 : i32
      %dma_wait3A_319 = tpu.memref_slice %arg20[%dma_wait3A_318] : memref<10240xf32, #tpu.memory_space<vmem_shared>> -> memref<10240xf32, #tpu.memory_space<vmem_shared>>
      tpu.wait_indirect_dma semaphore(%arg23 : memref<!tpu.dma_semaphore, #tpu.memory_space<semaphore_mem>>) src(%dma_wait3A_314 : memref<128xf32, #tpu.memory_space<vmem>>) dst(%dma_wait3A_319 : memref<10240xf32, #tpu.memory_space<vmem_shared>>)
      %dma_wait3A_320 = arith.constant 4 : i32
      %dma_wait3A_321 = arith.constant 4 : i32
      %dma_wait3A_322 = arith.constant 0 : i32
      %dma_wait3A_323 = tpu.memref_slice %arg13[%dma_wait3A_320, %dma_wait3A_322] : memref<8x128xf32, #tpu.memory_space<vmem>> -> memref<1x128xf32, #tpu.memory_space<vmem>>
      %dma_wait3A_324 = tpu.memref_squeeze %dma_wait3A_323 : memref<1x128xf32, #tpu.memory_space<vmem>> -> memref<128xf32, #tpu.memory_space<vmem>>
      %dma_wait3A_325 = arith.constant 0 : i32
      %dma_wait3A_326 = tpu.memref_slice %arg12[%dma_wait3A_321, %dma_wait3A_325] : memref<8x128xi32, #tpu.memory_space<vmem>> -> memref<1x128xi32, #tpu.memory_space<vmem>>
      %dma_wait3A_327 = tpu.memref_squeeze %dma_wait3A_326 : memref<1x128xi32, #tpu.memory_space<vmem>> -> memref<128xi32, #tpu.memory_space<vmem>>
      %dma_wait3A_328 = arith.constant 0 : i32
      %dma_wait3A_329 = tpu.memref_slice %arg20[%dma_wait3A_328] : memref<10240xf32, #tpu.memory_space<vmem_shared>> -> memref<10240xf32, #tpu.memory_space<vmem_shared>>
      tpu.wait_indirect_dma semaphore(%arg23 : memref<!tpu.dma_semaphore, #tpu.memory_space<semaphore_mem>>) src(%dma_wait3A_324 : memref<128xf32, #tpu.memory_space<vmem>>) dst(%dma_wait3A_329 : memref<10240xf32, #tpu.memory_space<vmem_shared>>)
      %dma_wait3A_330 = arith.constant 5 : i32
      %dma_wait3A_331 = arith.constant 5 : i32
      %dma_wait3A_332 = arith.constant 0 : i32
      %dma_wait3A_333 = tpu.memref_slice %arg13[%dma_wait3A_330, %dma_wait3A_332] : memref<8x128xf32, #tpu.memory_space<vmem>> -> memref<1x128xf32, #tpu.memory_space<vmem>>
      %dma_wait3A_334 = tpu.memref_squeeze %dma_wait3A_333 : memref<1x128xf32, #tpu.memory_space<vmem>> -> memref<128xf32, #tpu.memory_space<vmem>>
      %dma_wait3A_335 = arith.constant 0 : i32
      %dma_wait3A_336 = tpu.memref_slice %arg12[%dma_wait3A_331, %dma_wait3A_335] : memref<8x128xi32, #tpu.memory_space<vmem>> -> memref<1x128xi32, #tpu.memory_space<vmem>>
      %dma_wait3A_337 = tpu.memref_squeeze %dma_wait3A_336 : memref<1x128xi32, #tpu.memory_space<vmem>> -> memref<128xi32, #tpu.memory_space<vmem>>
      %dma_wait3A_338 = arith.constant 0 : i32
      %dma_wait3A_339 = tpu.memref_slice %arg20[%dma_wait3A_338] : memref<10240xf32, #tpu.memory_space<vmem_shared>> -> memref<10240xf32, #tpu.memory_space<vmem_shared>>
      tpu.wait_indirect_dma semaphore(%arg23 : memref<!tpu.dma_semaphore, #tpu.memory_space<semaphore_mem>>) src(%dma_wait3A_334 : memref<128xf32, #tpu.memory_space<vmem>>) dst(%dma_wait3A_339 : memref<10240xf32, #tpu.memory_space<vmem_shared>>)
      %dma_wait3A_340 = arith.constant 6 : i32
      %dma_wait3A_341 = arith.constant 6 : i32
      %dma_wait3A_342 = arith.constant 0 : i32
      %dma_wait3A_343 = tpu.memref_slice %arg13[%dma_wait3A_340, %dma_wait3A_342] : memref<8x128xf32, #tpu.memory_space<vmem>> -> memref<1x128xf32, #tpu.memory_space<vmem>>
      %dma_wait3A_344 = tpu.memref_squeeze %dma_wait3A_343 : memref<1x128xf32, #tpu.memory_space<vmem>> -> memref<128xf32, #tpu.memory_space<vmem>>
      %dma_wait3A_345 = arith.constant 0 : i32
      %dma_wait3A_346 = tpu.memref_slice %arg12[%dma_wait3A_341, %dma_wait3A_345] : memref<8x128xi32, #tpu.memory_space<vmem>> -> memref<1x128xi32, #tpu.memory_space<vmem>>
      %dma_wait3A_347 = tpu.memref_squeeze %dma_wait3A_346 : memref<1x128xi32, #tpu.memory_space<vmem>> -> memref<128xi32, #tpu.memory_space<vmem>>
      %dma_wait3A_348 = arith.constant 0 : i32
      %dma_wait3A_349 = tpu.memref_slice %arg20[%dma_wait3A_348] : memref<10240xf32, #tpu.memory_space<vmem_shared>> -> memref<10240xf32, #tpu.memory_space<vmem_shared>>
      tpu.wait_indirect_dma semaphore(%arg23 : memref<!tpu.dma_semaphore, #tpu.memory_space<semaphore_mem>>) src(%dma_wait3A_344 : memref<128xf32, #tpu.memory_space<vmem>>) dst(%dma_wait3A_349 : memref<10240xf32, #tpu.memory_space<vmem_shared>>)
      %dma_wait3A_350 = arith.constant 7 : i32
      %dma_wait3A_351 = arith.constant 7 : i32
      %dma_wait3A_352 = arith.constant 0 : i32
      %dma_wait3A_353 = tpu.memref_slice %arg13[%dma_wait3A_350, %dma_wait3A_352] : memref<8x128xf32, #tpu.memory_space<vmem>> -> memref<1x128xf32, #tpu.memory_space<vmem>>
      %dma_wait3A_354 = tpu.memref_squeeze %dma_wait3A_353 : memref<1x128xf32, #tpu.memory_space<vmem>> -> memref<128xf32, #tpu.memory_space<vmem>>
      %dma_wait3A_355 = arith.constant 0 : i32
      %dma_wait3A_356 = tpu.memref_slice %arg12[%dma_wait3A_351, %dma_wait3A_355] : memref<8x128xi32, #tpu.memory_space<vmem>> -> memref<1x128xi32, #tpu.memory_space<vmem>>
      %dma_wait3A_357 = tpu.memref_squeeze %dma_wait3A_356 : memref<1x128xi32, #tpu.memory_space<vmem>> -> memref<128xi32, #tpu.memory_space<vmem>>
      %dma_wait3A_358 = arith.constant 0 : i32
      %dma_wait3A_359 = tpu.memref_slice %arg20[%dma_wait3A_358] : memref<10240xf32, #tpu.memory_space<vmem_shared>> -> memref<10240xf32, #tpu.memory_space<vmem_shared>>
      tpu.wait_indirect_dma semaphore(%arg23 : memref<!tpu.dma_semaphore, #tpu.memory_space<semaphore_mem>>) src(%dma_wait3A_354 : memref<128xf32, #tpu.memory_space<vmem>>) dst(%dma_wait3A_359 : memref<10240xf32, #tpu.memory_space<vmem_shared>>)
      %scan3A_360 = arith.constant 0 : i32
      scf.yield %scan3A_360 : i32
    }
    %scan3A_40 = arith.constant 21 : i32
    %barrier3A_41 = arith.constant 0 : index
    tpu.barrier barrier_id(%barrier3A_41)
    "tpu.region"() ({
      %run_scoped3A = tpu.sem_alloc : memref<!tpu.dma_semaphore, #tpu.memory_space<semaphore_mem>>
      %dma_start3A_194 = arith.constant 0 : i32
      %dma_start3A_195 = tpu.memref_slice %arg20[%dma_start3A_194] : memref<10240xf32, #tpu.memory_space<vmem_shared>> -> memref<1024xf32, #tpu.memory_space<vmem_shared>>
      %dma_start3A_196 = arith.constant 0 : i32
      %dma_start3A_197 = tpu.memref_slice %arg20[%dma_start3A_196] : memref<10240xf32, #tpu.memory_space<vmem_shared>> -> memref<1024xf32, #tpu.memory_space<vmem_shared>>
      tpu.enqueue_dma source(%dma_start3A_197 : memref<1024xf32, #tpu.memory_space<vmem_shared>>) target(%arg17 : memref<1024xf32, #tpu.memory_space<vmem>>) target_semaphore(%run_scoped3A : memref<!tpu.dma_semaphore, #tpu.memory_space<semaphore_mem>>)
      %dma_wait3A = arith.constant 0 : i32
      %dma_wait3A_198 = tpu.memref_slice %arg20[%dma_wait3A] : memref<10240xf32, #tpu.memory_space<vmem_shared>> -> memref<1024xf32, #tpu.memory_space<vmem_shared>>
      %dma_wait3A_199 = arith.constant 0 : i32
      %dma_wait3A_200 = tpu.memref_slice %arg20[%dma_wait3A_199] : memref<10240xf32, #tpu.memory_space<vmem_shared>> -> memref<1024xf32, #tpu.memory_space<vmem_shared>>
      tpu.wait_dma2 semaphore(%run_scoped3A : memref<!tpu.dma_semaphore, #tpu.memory_space<semaphore_mem>>) src(%dma_wait3A_200 : memref<1024xf32, #tpu.memory_space<vmem_shared>>) dst(%arg17 : memref<1024xf32, #tpu.memory_space<vmem>>)
      tpu.yield
    }) : () -> ()
    %scan3A_42 = arith.constant 0 : i32
    %scan3A_43 = arith.constant 0 : i32
    %scan3A_44 = arith.constant 64 : i32
    %scan3A_45 = arith.addi %scan3A_43, %scan3A_44 : i32
    %scan3A_46 = arith.constant 1 : i32
    %scan3A_47 = scf.for %scan3A_194 = %scan3A_43 to %scan3A_45 step %scan3A_46 iter_args(%scan3A_195 = %scan3A_42) -> (i32)  : i32 {
      %mul3A_196 = arith.constant 16 : i32
      %mul3A_197 = arith.muli %scan3A_194, %mul3A_196 : i32
      %get3A = arith.index_cast %mul3A_197 : i32 to index
      %get3A_198 = tpu.vector_load %arg17[%get3A] {strides = array<i32>} : memref<1024xf32, #tpu.memory_space<vmem>>, vector<16xf32>,
      %bitcast_convert_type3A = tpu.bitcast %get3A_198 : vector<16xf32> -> vector<16xi32>
      %shift_right_logical3A = arith.constant 1 : i32
      %shift_right_logical3A_199 = vector.broadcast %shift_right_logical3A : i32 to vector<16xi32>
      %shift_right_logical3A_200 = arith.shrui %bitcast_convert_type3A, %shift_right_logical3A_199 : vector<16xi32>
      %sub3A = arith.constant 1597463007 : i32
      %sub3A_201 = vector.broadcast %sub3A : i32 to vector<16xi32>
      %sub3A_202 = arith.subi %sub3A_201, %shift_right_logical3A_200 : vector<16xi32>
      %bitcast_convert_type3A_203 = tpu.bitcast %sub3A_202 : vector<16xi32> -> vector<16xf32>
      %mul3A_204 = arith.constant 5.000000e-01 : f32
      %mul3A_205 = vector.broadcast %mul3A_204 : f32 to vector<16xf32>
      %mul3A_206 = arith.mulf %mul3A_205, %get3A_198 : vector<16xf32>
      %mul3A_207 = arith.mulf %mul3A_206, %bitcast_convert_type3A_203 : vector<16xf32>
      %mul3A_208 = arith.mulf %mul3A_207, %bitcast_convert_type3A_203 : vector<16xf32>
      %sub3A_209 = arith.constant 1.500000e+00 : f32
      %sub3A_210 = vector.broadcast %sub3A_209 : f32 to vector<16xf32>
      %sub3A_211 = arith.subf %sub3A_210, %mul3A_208 : vector<16xf32>
      %mul3A_212 = arith.mulf %bitcast_convert_type3A_203, %sub3A_211 : vector<16xf32>
      %mul3A_213 = arith.constant 5.000000e-01 : f32
      %mul3A_214 = vector.broadcast %mul3A_213 : f32 to vector<16xf32>
      %mul3A_215 = arith.mulf %mul3A_214, %get3A_198 : vector<16xf32>
      %mul3A_216 = arith.mulf %mul3A_215, %mul3A_212 : vector<16xf32>
      %mul3A_217 = arith.mulf %mul3A_216, %mul3A_212 : vector<16xf32>
      %sub3A_218 = arith.constant 1.500000e+00 : f32
      %sub3A_219 = vector.broadcast %sub3A_218 : f32 to vector<16xf32>
      %sub3A_220 = arith.subf %sub3A_219, %mul3A_217 : vector<16xf32>
      %mul3A_221 = arith.mulf %mul3A_212, %sub3A_220 : vector<16xf32>
      %mul3A_222 = arith.constant 5.000000e-01 : f32
      %mul3A_223 = vector.broadcast %mul3A_222 : f32 to vector<16xf32>
      %mul3A_224 = arith.mulf %mul3A_223, %get3A_198 : vector<16xf32>
      %mul3A_225 = arith.mulf %mul3A_224, %mul3A_221 : vector<16xf32>
      %mul3A_226 = arith.mulf %mul3A_225, %mul3A_221 : vector<16xf32>
      %sub3A_227 = arith.constant 1.500000e+00 : f32
      %sub3A_228 = vector.broadcast %sub3A_227 : f32 to vector<16xf32>
      %sub3A_229 = arith.subf %sub3A_228, %mul3A_226 : vector<16xf32>
      %mul3A_230 = arith.mulf %mul3A_221, %sub3A_229 : vector<16xf32>
      %mul3A_231 = arith.constant 5.000000e-01 : f32
      %mul3A_232 = vector.broadcast %mul3A_231 : f32 to vector<16xf32>
      %mul3A_233 = arith.mulf %mul3A_232, %get3A_198 : vector<16xf32>
      %mul3A_234 = arith.mulf %mul3A_233, %mul3A_230 : vector<16xf32>
      %mul3A_235 = arith.mulf %mul3A_234, %mul3A_230 : vector<16xf32>
      %sub3A_236 = arith.constant 1.500000e+00 : f32
      %sub3A_237 = vector.broadcast %sub3A_236 : f32 to vector<16xf32>
      %sub3A_238 = arith.subf %sub3A_237, %mul3A_235 : vector<16xf32>
      %mul3A_239 = arith.mulf %mul3A_230, %sub3A_238 : vector<16xf32>
      %mul3A_240 = arith.constant 16 : i32
      %mul3A_241 = arith.muli %scan3A_194, %mul3A_240 : i32
      %add3A_242 = arith.constant 0 : i32
      %add3A_243 = arith.addi %add3A_242, %mul3A_241 : i32
      %swap3A = arith.index_cast %add3A_243 : i32 to index
      %swap3A_244 = tpu.vector_load %arg18[%swap3A] {strides = array<i32>} : memref<10240xf32, #tpu.memory_space<vmem>>, vector<16xf32>,
      tpu.vector_store %arg18[%swap3A], %mul3A_239 {strides = array<i32>} : memref<10240xf32, #tpu.memory_space<vmem>>, vector<16xf32>,
      %scan3A_245 = arith.constant 0 : i32
      scf.yield %scan3A_245 : i32
    }
    %scan3A_48 = arith.constant 64 : i32
    "tpu.region"() ({
      %run_scoped3A = tpu.sem_alloc : memref<!tpu.dma_semaphore, #tpu.memory_space<semaphore_mem>>
      %dma_start3A_194 = arith.constant 1024 : i32
      %dma_start3A_195 = tpu.memref_slice %arg20[%dma_start3A_194] : memref<10240xf32, #tpu.memory_space<vmem_shared>> -> memref<1024xf32, #tpu.memory_space<vmem_shared>>
      %dma_start3A_196 = arith.constant 1024 : i32
      %dma_start3A_197 = tpu.memref_slice %arg20[%dma_start3A_196] : memref<10240xf32, #tpu.memory_space<vmem_shared>> -> memref<1024xf32, #tpu.memory_space<vmem_shared>>
      tpu.enqueue_dma source(%dma_start3A_197 : memref<1024xf32, #tpu.memory_space<vmem_shared>>) target(%arg17 : memref<1024xf32, #tpu.memory_space<vmem>>) target_semaphore(%run_scoped3A : memref<!tpu.dma_semaphore, #tpu.memory_space<semaphore_mem>>)
      %dma_wait3A = arith.constant 1024 : i32
      %dma_wait3A_198 = tpu.memref_slice %arg20[%dma_wait3A] : memref<10240xf32, #tpu.memory_space<vmem_shared>> -> memref<1024xf32, #tpu.memory_space<vmem_shared>>
      %dma_wait3A_199 = arith.constant 1024 : i32
      %dma_wait3A_200 = tpu.memref_slice %arg20[%dma_wait3A_199] : memref<10240xf32, #tpu.memory_space<vmem_shared>> -> memref<1024xf32, #tpu.memory_space<vmem_shared>>
      tpu.wait_dma2 semaphore(%run_scoped3A : memref<!tpu.dma_semaphore, #tpu.memory_space<semaphore_mem>>) src(%dma_wait3A_200 : memref<1024xf32, #tpu.memory_space<vmem_shared>>) dst(%arg17 : memref<1024xf32, #tpu.memory_space<vmem>>)
      tpu.yield
    }) : () -> ()
    %scan3A_49 = arith.constant 0 : i32
    %scan3A_50 = arith.constant 0 : i32
    %scan3A_51 = arith.constant 64 : i32
    %scan3A_52 = arith.addi %scan3A_50, %scan3A_51 : i32
    %scan3A_53 = arith.constant 1 : i32
    %scan3A_54 = scf.for %scan3A_194 = %scan3A_50 to %scan3A_52 step %scan3A_53 iter_args(%scan3A_195 = %scan3A_49) -> (i32)  : i32 {
      %mul3A_196 = arith.constant 16 : i32
      %mul3A_197 = arith.muli %scan3A_194, %mul3A_196 : i32
      %get3A = arith.index_cast %mul3A_197 : i32 to index
      %get3A_198 = tpu.vector_load %arg17[%get3A] {strides = array<i32>} : memref<1024xf32, #tpu.memory_space<vmem>>, vector<16xf32>,
      %bitcast_convert_type3A = tpu.bitcast %get3A_198 : vector<16xf32> -> vector<16xi32>
      %shift_right_logical3A = arith.constant 1 : i32
      %shift_right_logical3A_199 = vector.broadcast %shift_right_logical3A : i32 to vector<16xi32>
      %shift_right_logical3A_200 = arith.shrui %bitcast_convert_type3A, %shift_right_logical3A_199 : vector<16xi32>
      %sub3A = arith.constant 1597463007 : i32
      %sub3A_201 = vector.broadcast %sub3A : i32 to vector<16xi32>
      %sub3A_202 = arith.subi %sub3A_201, %shift_right_logical3A_200 : vector<16xi32>
      %bitcast_convert_type3A_203 = tpu.bitcast %sub3A_202 : vector<16xi32> -> vector<16xf32>
      %mul3A_204 = arith.constant 5.000000e-01 : f32
      %mul3A_205 = vector.broadcast %mul3A_204 : f32 to vector<16xf32>
      %mul3A_206 = arith.mulf %mul3A_205, %get3A_198 : vector<16xf32>
      %mul3A_207 = arith.mulf %mul3A_206, %bitcast_convert_type3A_203 : vector<16xf32>
      %mul3A_208 = arith.mulf %mul3A_207, %bitcast_convert_type3A_203 : vector<16xf32>
      %sub3A_209 = arith.constant 1.500000e+00 : f32
      %sub3A_210 = vector.broadcast %sub3A_209 : f32 to vector<16xf32>
      %sub3A_211 = arith.subf %sub3A_210, %mul3A_208 : vector<16xf32>
      %mul3A_212 = arith.mulf %bitcast_convert_type3A_203, %sub3A_211 : vector<16xf32>
      %mul3A_213 = arith.constant 5.000000e-01 : f32
      %mul3A_214 = vector.broadcast %mul3A_213 : f32 to vector<16xf32>
      %mul3A_215 = arith.mulf %mul3A_214, %get3A_198 : vector<16xf32>
      %mul3A_216 = arith.mulf %mul3A_215, %mul3A_212 : vector<16xf32>
      %mul3A_217 = arith.mulf %mul3A_216, %mul3A_212 : vector<16xf32>
      %sub3A_218 = arith.constant 1.500000e+00 : f32
      %sub3A_219 = vector.broadcast %sub3A_218 : f32 to vector<16xf32>
      %sub3A_220 = arith.subf %sub3A_219, %mul3A_217 : vector<16xf32>
      %mul3A_221 = arith.mulf %mul3A_212, %sub3A_220 : vector<16xf32>
      %mul3A_222 = arith.constant 5.000000e-01 : f32
      %mul3A_223 = vector.broadcast %mul3A_222 : f32 to vector<16xf32>
      %mul3A_224 = arith.mulf %mul3A_223, %get3A_198 : vector<16xf32>
      %mul3A_225 = arith.mulf %mul3A_224, %mul3A_221 : vector<16xf32>
      %mul3A_226 = arith.mulf %mul3A_225, %mul3A_221 : vector<16xf32>
      %sub3A_227 = arith.constant 1.500000e+00 : f32
      %sub3A_228 = vector.broadcast %sub3A_227 : f32 to vector<16xf32>
      %sub3A_229 = arith.subf %sub3A_228, %mul3A_226 : vector<16xf32>
      %mul3A_230 = arith.mulf %mul3A_221, %sub3A_229 : vector<16xf32>
      %mul3A_231 = arith.constant 5.000000e-01 : f32
      %mul3A_232 = vector.broadcast %mul3A_231 : f32 to vector<16xf32>
      %mul3A_233 = arith.mulf %mul3A_232, %get3A_198 : vector<16xf32>
      %mul3A_234 = arith.mulf %mul3A_233, %mul3A_230 : vector<16xf32>
      %mul3A_235 = arith.mulf %mul3A_234, %mul3A_230 : vector<16xf32>
      %sub3A_236 = arith.constant 1.500000e+00 : f32
      %sub3A_237 = vector.broadcast %sub3A_236 : f32 to vector<16xf32>
      %sub3A_238 = arith.subf %sub3A_237, %mul3A_235 : vector<16xf32>
      %mul3A_239 = arith.mulf %mul3A_230, %sub3A_238 : vector<16xf32>
      %mul3A_240 = arith.constant 16 : i32
      %mul3A_241 = arith.muli %scan3A_194, %mul3A_240 : i32
      %add3A_242 = arith.constant 1024 : i32
      %add3A_243 = arith.addi %add3A_242, %mul3A_241 : i32
      %swap3A = arith.index_cast %add3A_243 : i32 to index
      %swap3A_244 = tpu.vector_load %arg18[%swap3A] {strides = array<i32>} : memref<10240xf32, #tpu.memory_space<vmem>>, vector<16xf32>,
      tpu.vector_store %arg18[%swap3A], %mul3A_239 {strides = array<i32>} : memref<10240xf32, #tpu.memory_space<vmem>>, vector<16xf32>,
      %scan3A_245 = arith.constant 0 : i32
      scf.yield %scan3A_245 : i32
    }
    %scan3A_55 = arith.constant 64 : i32
    "tpu.region"() ({
      %run_scoped3A = tpu.sem_alloc : memref<!tpu.dma_semaphore, #tpu.memory_space<semaphore_mem>>
      %dma_start3A_194 = arith.constant 2048 : i32
      %dma_start3A_195 = tpu.memref_slice %arg20[%dma_start3A_194] : memref<10240xf32, #tpu.memory_space<vmem_shared>> -> memref<1024xf32, #tpu.memory_space<vmem_shared>>
      %dma_start3A_196 = arith.constant 2048 : i32
      %dma_start3A_197 = tpu.memref_slice %arg20[%dma_start3A_196] : memref<10240xf32, #tpu.memory_space<vmem_shared>> -> memref<1024xf32, #tpu.memory_space<vmem_shared>>
      tpu.enqueue_dma source(%dma_start3A_197 : memref<1024xf32, #tpu.memory_space<vmem_shared>>) target(%arg17 : memref<1024xf32, #tpu.memory_space<vmem>>) target_semaphore(%run_scoped3A : memref<!tpu.dma_semaphore, #tpu.memory_space<semaphore_mem>>)
      %dma_wait3A = arith.constant 2048 : i32
      %dma_wait3A_198 = tpu.memref_slice %arg20[%dma_wait3A] : memref<10240xf32, #tpu.memory_space<vmem_shared>> -> memref<1024xf32, #tpu.memory_space<vmem_shared>>
      %dma_wait3A_199 = arith.constant 2048 : i32
      %dma_wait3A_200 = tpu.memref_slice %arg20[%dma_wait3A_199] : memref<10240xf32, #tpu.memory_space<vmem_shared>> -> memref<1024xf32, #tpu.memory_space<vmem_shared>>
      tpu.wait_dma2 semaphore(%run_scoped3A : memref<!tpu.dma_semaphore, #tpu.memory_space<semaphore_mem>>) src(%dma_wait3A_200 : memref<1024xf32, #tpu.memory_space<vmem_shared>>) dst(%arg17 : memref<1024xf32, #tpu.memory_space<vmem>>)
      tpu.yield
    }) : () -> ()
    %scan3A_56 = arith.constant 0 : i32
    %scan3A_57 = arith.constant 0 : i32
    %scan3A_58 = arith.constant 64 : i32
    %scan3A_59 = arith.addi %scan3A_57, %scan3A_58 : i32
    %scan3A_60 = arith.constant 1 : i32
    %scan3A_61 = scf.for %scan3A_194 = %scan3A_57 to %scan3A_59 step %scan3A_60 iter_args(%scan3A_195 = %scan3A_56) -> (i32)  : i32 {
      %mul3A_196 = arith.constant 16 : i32
      %mul3A_197 = arith.muli %scan3A_194, %mul3A_196 : i32
      %get3A = arith.index_cast %mul3A_197 : i32 to index
      %get3A_198 = tpu.vector_load %arg17[%get3A] {strides = array<i32>} : memref<1024xf32, #tpu.memory_space<vmem>>, vector<16xf32>,
      %bitcast_convert_type3A = tpu.bitcast %get3A_198 : vector<16xf32> -> vector<16xi32>
      %shift_right_logical3A = arith.constant 1 : i32
      %shift_right_logical3A_199 = vector.broadcast %shift_right_logical3A : i32 to vector<16xi32>
      %shift_right_logical3A_200 = arith.shrui %bitcast_convert_type3A, %shift_right_logical3A_199 : vector<16xi32>
      %sub3A = arith.constant 1597463007 : i32
      %sub3A_201 = vector.broadcast %sub3A : i32 to vector<16xi32>
      %sub3A_202 = arith.subi %sub3A_201, %shift_right_logical3A_200 : vector<16xi32>
      %bitcast_convert_type3A_203 = tpu.bitcast %sub3A_202 : vector<16xi32> -> vector<16xf32>
      %mul3A_204 = arith.constant 5.000000e-01 : f32
      %mul3A_205 = vector.broadcast %mul3A_204 : f32 to vector<16xf32>
      %mul3A_206 = arith.mulf %mul3A_205, %get3A_198 : vector<16xf32>
      %mul3A_207 = arith.mulf %mul3A_206, %bitcast_convert_type3A_203 : vector<16xf32>
      %mul3A_208 = arith.mulf %mul3A_207, %bitcast_convert_type3A_203 : vector<16xf32>
      %sub3A_209 = arith.constant 1.500000e+00 : f32
      %sub3A_210 = vector.broadcast %sub3A_209 : f32 to vector<16xf32>
      %sub3A_211 = arith.subf %sub3A_210, %mul3A_208 : vector<16xf32>
      %mul3A_212 = arith.mulf %bitcast_convert_type3A_203, %sub3A_211 : vector<16xf32>
      %mul3A_213 = arith.constant 5.000000e-01 : f32
      %mul3A_214 = vector.broadcast %mul3A_213 : f32 to vector<16xf32>
      %mul3A_215 = arith.mulf %mul3A_214, %get3A_198 : vector<16xf32>
      %mul3A_216 = arith.mulf %mul3A_215, %mul3A_212 : vector<16xf32>
      %mul3A_217 = arith.mulf %mul3A_216, %mul3A_212 : vector<16xf32>
      %sub3A_218 = arith.constant 1.500000e+00 : f32
      %sub3A_219 = vector.broadcast %sub3A_218 : f32 to vector<16xf32>
      %sub3A_220 = arith.subf %sub3A_219, %mul3A_217 : vector<16xf32>
      %mul3A_221 = arith.mulf %mul3A_212, %sub3A_220 : vector<16xf32>
      %mul3A_222 = arith.constant 5.000000e-01 : f32
      %mul3A_223 = vector.broadcast %mul3A_222 : f32 to vector<16xf32>
      %mul3A_224 = arith.mulf %mul3A_223, %get3A_198 : vector<16xf32>
      %mul3A_225 = arith.mulf %mul3A_224, %mul3A_221 : vector<16xf32>
      %mul3A_226 = arith.mulf %mul3A_225, %mul3A_221 : vector<16xf32>
      %sub3A_227 = arith.constant 1.500000e+00 : f32
      %sub3A_228 = vector.broadcast %sub3A_227 : f32 to vector<16xf32>
      %sub3A_229 = arith.subf %sub3A_228, %mul3A_226 : vector<16xf32>
      %mul3A_230 = arith.mulf %mul3A_221, %sub3A_229 : vector<16xf32>
      %mul3A_231 = arith.constant 5.000000e-01 : f32
      %mul3A_232 = vector.broadcast %mul3A_231 : f32 to vector<16xf32>
      %mul3A_233 = arith.mulf %mul3A_232, %get3A_198 : vector<16xf32>
      %mul3A_234 = arith.mulf %mul3A_233, %mul3A_230 : vector<16xf32>
      %mul3A_235 = arith.mulf %mul3A_234, %mul3A_230 : vector<16xf32>
      %sub3A_236 = arith.constant 1.500000e+00 : f32
      %sub3A_237 = vector.broadcast %sub3A_236 : f32 to vector<16xf32>
      %sub3A_238 = arith.subf %sub3A_237, %mul3A_235 : vector<16xf32>
      %mul3A_239 = arith.mulf %mul3A_230, %sub3A_238 : vector<16xf32>
      %mul3A_240 = arith.constant 16 : i32
      %mul3A_241 = arith.muli %scan3A_194, %mul3A_240 : i32
      %add3A_242 = arith.constant 2048 : i32
      %add3A_243 = arith.addi %add3A_242, %mul3A_241 : i32
      %swap3A = arith.index_cast %add3A_243 : i32 to index
      %swap3A_244 = tpu.vector_load %arg18[%swap3A] {strides = array<i32>} : memref<10240xf32, #tpu.memory_space<vmem>>, vector<16xf32>,
      tpu.vector_store %arg18[%swap3A], %mul3A_239 {strides = array<i32>} : memref<10240xf32, #tpu.memory_space<vmem>>, vector<16xf32>,
      %scan3A_245 = arith.constant 0 : i32
      scf.yield %scan3A_245 : i32
    }
    %scan3A_62 = arith.constant 64 : i32
    "tpu.region"() ({
      %run_scoped3A = tpu.sem_alloc : memref<!tpu.dma_semaphore, #tpu.memory_space<semaphore_mem>>
      %dma_start3A_194 = arith.constant 3072 : i32
      %dma_start3A_195 = tpu.memref_slice %arg20[%dma_start3A_194] : memref<10240xf32, #tpu.memory_space<vmem_shared>> -> memref<1024xf32, #tpu.memory_space<vmem_shared>>
      %dma_start3A_196 = arith.constant 3072 : i32
      %dma_start3A_197 = tpu.memref_slice %arg20[%dma_start3A_196] : memref<10240xf32, #tpu.memory_space<vmem_shared>> -> memref<1024xf32, #tpu.memory_space<vmem_shared>>
      tpu.enqueue_dma source(%dma_start3A_197 : memref<1024xf32, #tpu.memory_space<vmem_shared>>) target(%arg17 : memref<1024xf32, #tpu.memory_space<vmem>>) target_semaphore(%run_scoped3A : memref<!tpu.dma_semaphore, #tpu.memory_space<semaphore_mem>>)
      %dma_wait3A = arith.constant 3072 : i32
      %dma_wait3A_198 = tpu.memref_slice %arg20[%dma_wait3A] : memref<10240xf32, #tpu.memory_space<vmem_shared>> -> memref<1024xf32, #tpu.memory_space<vmem_shared>>
      %dma_wait3A_199 = arith.constant 3072 : i32
      %dma_wait3A_200 = tpu.memref_slice %arg20[%dma_wait3A_199] : memref<10240xf32, #tpu.memory_space<vmem_shared>> -> memref<1024xf32, #tpu.memory_space<vmem_shared>>
      tpu.wait_dma2 semaphore(%run_scoped3A : memref<!tpu.dma_semaphore, #tpu.memory_space<semaphore_mem>>) src(%dma_wait3A_200 : memref<1024xf32, #tpu.memory_space<vmem_shared>>) dst(%arg17 : memref<1024xf32, #tpu.memory_space<vmem>>)
      tpu.yield
    }) : () -> ()
    %scan3A_63 = arith.constant 0 : i32
    %scan3A_64 = arith.constant 0 : i32
    %scan3A_65 = arith.constant 64 : i32
    %scan3A_66 = arith.addi %scan3A_64, %scan3A_65 : i32
    %scan3A_67 = arith.constant 1 : i32
    %scan3A_68 = scf.for %scan3A_194 = %scan3A_64 to %scan3A_66 step %scan3A_67 iter_args(%scan3A_195 = %scan3A_63) -> (i32)  : i32 {
      %mul3A_196 = arith.constant 16 : i32
      %mul3A_197 = arith.muli %scan3A_194, %mul3A_196 : i32
      %get3A = arith.index_cast %mul3A_197 : i32 to index
      %get3A_198 = tpu.vector_load %arg17[%get3A] {strides = array<i32>} : memref<1024xf32, #tpu.memory_space<vmem>>, vector<16xf32>,
      %bitcast_convert_type3A = tpu.bitcast %get3A_198 : vector<16xf32> -> vector<16xi32>
      %shift_right_logical3A = arith.constant 1 : i32
      %shift_right_logical3A_199 = vector.broadcast %shift_right_logical3A : i32 to vector<16xi32>
      %shift_right_logical3A_200 = arith.shrui %bitcast_convert_type3A, %shift_right_logical3A_199 : vector<16xi32>
      %sub3A = arith.constant 1597463007 : i32
      %sub3A_201 = vector.broadcast %sub3A : i32 to vector<16xi32>
      %sub3A_202 = arith.subi %sub3A_201, %shift_right_logical3A_200 : vector<16xi32>
      %bitcast_convert_type3A_203 = tpu.bitcast %sub3A_202 : vector<16xi32> -> vector<16xf32>
      %mul3A_204 = arith.constant 5.000000e-01 : f32
      %mul3A_205 = vector.broadcast %mul3A_204 : f32 to vector<16xf32>
      %mul3A_206 = arith.mulf %mul3A_205, %get3A_198 : vector<16xf32>
      %mul3A_207 = arith.mulf %mul3A_206, %bitcast_convert_type3A_203 : vector<16xf32>
      %mul3A_208 = arith.mulf %mul3A_207, %bitcast_convert_type3A_203 : vector<16xf32>
      %sub3A_209 = arith.constant 1.500000e+00 : f32
      %sub3A_210 = vector.broadcast %sub3A_209 : f32 to vector<16xf32>
      %sub3A_211 = arith.subf %sub3A_210, %mul3A_208 : vector<16xf32>
      %mul3A_212 = arith.mulf %bitcast_convert_type3A_203, %sub3A_211 : vector<16xf32>
      %mul3A_213 = arith.constant 5.000000e-01 : f32
      %mul3A_214 = vector.broadcast %mul3A_213 : f32 to vector<16xf32>
      %mul3A_215 = arith.mulf %mul3A_214, %get3A_198 : vector<16xf32>
      %mul3A_216 = arith.mulf %mul3A_215, %mul3A_212 : vector<16xf32>
      %mul3A_217 = arith.mulf %mul3A_216, %mul3A_212 : vector<16xf32>
      %sub3A_218 = arith.constant 1.500000e+00 : f32
      %sub3A_219 = vector.broadcast %sub3A_218 : f32 to vector<16xf32>
      %sub3A_220 = arith.subf %sub3A_219, %mul3A_217 : vector<16xf32>
      %mul3A_221 = arith.mulf %mul3A_212, %sub3A_220 : vector<16xf32>
      %mul3A_222 = arith.constant 5.000000e-01 : f32
      %mul3A_223 = vector.broadcast %mul3A_222 : f32 to vector<16xf32>
      %mul3A_224 = arith.mulf %mul3A_223, %get3A_198 : vector<16xf32>
      %mul3A_225 = arith.mulf %mul3A_224, %mul3A_221 : vector<16xf32>
      %mul3A_226 = arith.mulf %mul3A_225, %mul3A_221 : vector<16xf32>
      %sub3A_227 = arith.constant 1.500000e+00 : f32
      %sub3A_228 = vector.broadcast %sub3A_227 : f32 to vector<16xf32>
      %sub3A_229 = arith.subf %sub3A_228, %mul3A_226 : vector<16xf32>
      %mul3A_230 = arith.mulf %mul3A_221, %sub3A_229 : vector<16xf32>
      %mul3A_231 = arith.constant 5.000000e-01 : f32
      %mul3A_232 = vector.broadcast %mul3A_231 : f32 to vector<16xf32>
      %mul3A_233 = arith.mulf %mul3A_232, %get3A_198 : vector<16xf32>
      %mul3A_234 = arith.mulf %mul3A_233, %mul3A_230 : vector<16xf32>
      %mul3A_235 = arith.mulf %mul3A_234, %mul3A_230 : vector<16xf32>
      %sub3A_236 = arith.constant 1.500000e+00 : f32
      %sub3A_237 = vector.broadcast %sub3A_236 : f32 to vector<16xf32>
      %sub3A_238 = arith.subf %sub3A_237, %mul3A_235 : vector<16xf32>
      %mul3A_239 = arith.mulf %mul3A_230, %sub3A_238 : vector<16xf32>
      %mul3A_240 = arith.constant 16 : i32
      %mul3A_241 = arith.muli %scan3A_194, %mul3A_240 : i32
      %add3A_242 = arith.constant 3072 : i32
      %add3A_243 = arith.addi %add3A_242, %mul3A_241 : i32
      %swap3A = arith.index_cast %add3A_243 : i32 to index
      %swap3A_244 = tpu.vector_load %arg18[%swap3A] {strides = array<i32>} : memref<10240xf32, #tpu.memory_space<vmem>>, vector<16xf32>,
      tpu.vector_store %arg18[%swap3A], %mul3A_239 {strides = array<i32>} : memref<10240xf32, #tpu.memory_space<vmem>>, vector<16xf32>,
      %scan3A_245 = arith.constant 0 : i32
      scf.yield %scan3A_245 : i32
    }
    %scan3A_69 = arith.constant 64 : i32
    "tpu.region"() ({
      %run_scoped3A = tpu.sem_alloc : memref<!tpu.dma_semaphore, #tpu.memory_space<semaphore_mem>>
      %dma_start3A_194 = arith.constant 4096 : i32
      %dma_start3A_195 = tpu.memref_slice %arg20[%dma_start3A_194] : memref<10240xf32, #tpu.memory_space<vmem_shared>> -> memref<1024xf32, #tpu.memory_space<vmem_shared>>
      %dma_start3A_196 = arith.constant 4096 : i32
      %dma_start3A_197 = tpu.memref_slice %arg20[%dma_start3A_196] : memref<10240xf32, #tpu.memory_space<vmem_shared>> -> memref<1024xf32, #tpu.memory_space<vmem_shared>>
      tpu.enqueue_dma source(%dma_start3A_197 : memref<1024xf32, #tpu.memory_space<vmem_shared>>) target(%arg17 : memref<1024xf32, #tpu.memory_space<vmem>>) target_semaphore(%run_scoped3A : memref<!tpu.dma_semaphore, #tpu.memory_space<semaphore_mem>>)
      %dma_wait3A = arith.constant 4096 : i32
      %dma_wait3A_198 = tpu.memref_slice %arg20[%dma_wait3A] : memref<10240xf32, #tpu.memory_space<vmem_shared>> -> memref<1024xf32, #tpu.memory_space<vmem_shared>>
      %dma_wait3A_199 = arith.constant 4096 : i32
      %dma_wait3A_200 = tpu.memref_slice %arg20[%dma_wait3A_199] : memref<10240xf32, #tpu.memory_space<vmem_shared>> -> memref<1024xf32, #tpu.memory_space<vmem_shared>>
      tpu.wait_dma2 semaphore(%run_scoped3A : memref<!tpu.dma_semaphore, #tpu.memory_space<semaphore_mem>>) src(%dma_wait3A_200 : memref<1024xf32, #tpu.memory_space<vmem_shared>>) dst(%arg17 : memref<1024xf32, #tpu.memory_space<vmem>>)
      tpu.yield
    }) : () -> ()
    %scan3A_70 = arith.constant 0 : i32
    %scan3A_71 = arith.constant 0 : i32
    %scan3A_72 = arith.constant 64 : i32
    %scan3A_73 = arith.addi %scan3A_71, %scan3A_72 : i32
    %scan3A_74 = arith.constant 1 : i32
    %scan3A_75 = scf.for %scan3A_194 = %scan3A_71 to %scan3A_73 step %scan3A_74 iter_args(%scan3A_195 = %scan3A_70) -> (i32)  : i32 {
      %mul3A_196 = arith.constant 16 : i32
      %mul3A_197 = arith.muli %scan3A_194, %mul3A_196 : i32
      %get3A = arith.index_cast %mul3A_197 : i32 to index
      %get3A_198 = tpu.vector_load %arg17[%get3A] {strides = array<i32>} : memref<1024xf32, #tpu.memory_space<vmem>>, vector<16xf32>,
      %bitcast_convert_type3A = tpu.bitcast %get3A_198 : vector<16xf32> -> vector<16xi32>
      %shift_right_logical3A = arith.constant 1 : i32
      %shift_right_logical3A_199 = vector.broadcast %shift_right_logical3A : i32 to vector<16xi32>
      %shift_right_logical3A_200 = arith.shrui %bitcast_convert_type3A, %shift_right_logical3A_199 : vector<16xi32>
      %sub3A = arith.constant 1597463007 : i32
      %sub3A_201 = vector.broadcast %sub3A : i32 to vector<16xi32>
      %sub3A_202 = arith.subi %sub3A_201, %shift_right_logical3A_200 : vector<16xi32>
      %bitcast_convert_type3A_203 = tpu.bitcast %sub3A_202 : vector<16xi32> -> vector<16xf32>
      %mul3A_204 = arith.constant 5.000000e-01 : f32
      %mul3A_205 = vector.broadcast %mul3A_204 : f32 to vector<16xf32>
      %mul3A_206 = arith.mulf %mul3A_205, %get3A_198 : vector<16xf32>
      %mul3A_207 = arith.mulf %mul3A_206, %bitcast_convert_type3A_203 : vector<16xf32>
      %mul3A_208 = arith.mulf %mul3A_207, %bitcast_convert_type3A_203 : vector<16xf32>
      %sub3A_209 = arith.constant 1.500000e+00 : f32
      %sub3A_210 = vector.broadcast %sub3A_209 : f32 to vector<16xf32>
      %sub3A_211 = arith.subf %sub3A_210, %mul3A_208 : vector<16xf32>
      %mul3A_212 = arith.mulf %bitcast_convert_type3A_203, %sub3A_211 : vector<16xf32>
      %mul3A_213 = arith.constant 5.000000e-01 : f32
      %mul3A_214 = vector.broadcast %mul3A_213 : f32 to vector<16xf32>
      %mul3A_215 = arith.mulf %mul3A_214, %get3A_198 : vector<16xf32>
      %mul3A_216 = arith.mulf %mul3A_215, %mul3A_212 : vector<16xf32>
      %mul3A_217 = arith.mulf %mul3A_216, %mul3A_212 : vector<16xf32>
      %sub3A_218 = arith.constant 1.500000e+00 : f32
      %sub3A_219 = vector.broadcast %sub3A_218 : f32 to vector<16xf32>
      %sub3A_220 = arith.subf %sub3A_219, %mul3A_217 : vector<16xf32>
      %mul3A_221 = arith.mulf %mul3A_212, %sub3A_220 : vector<16xf32>
      %mul3A_222 = arith.constant 5.000000e-01 : f32
      %mul3A_223 = vector.broadcast %mul3A_222 : f32 to vector<16xf32>
      %mul3A_224 = arith.mulf %mul3A_223, %get3A_198 : vector<16xf32>
      %mul3A_225 = arith.mulf %mul3A_224, %mul3A_221 : vector<16xf32>
      %mul3A_226 = arith.mulf %mul3A_225, %mul3A_221 : vector<16xf32>
      %sub3A_227 = arith.constant 1.500000e+00 : f32
      %sub3A_228 = vector.broadcast %sub3A_227 : f32 to vector<16xf32>
      %sub3A_229 = arith.subf %sub3A_228, %mul3A_226 : vector<16xf32>
      %mul3A_230 = arith.mulf %mul3A_221, %sub3A_229 : vector<16xf32>
      %mul3A_231 = arith.constant 5.000000e-01 : f32
      %mul3A_232 = vector.broadcast %mul3A_231 : f32 to vector<16xf32>
      %mul3A_233 = arith.mulf %mul3A_232, %get3A_198 : vector<16xf32>
      %mul3A_234 = arith.mulf %mul3A_233, %mul3A_230 : vector<16xf32>
      %mul3A_235 = arith.mulf %mul3A_234, %mul3A_230 : vector<16xf32>
      %sub3A_236 = arith.constant 1.500000e+00 : f32
      %sub3A_237 = vector.broadcast %sub3A_236 : f32 to vector<16xf32>
      %sub3A_238 = arith.subf %sub3A_237, %mul3A_235 : vector<16xf32>
      %mul3A_239 = arith.mulf %mul3A_230, %sub3A_238 : vector<16xf32>
      %mul3A_240 = arith.constant 16 : i32
      %mul3A_241 = arith.muli %scan3A_194, %mul3A_240 : i32
      %add3A_242 = arith.constant 4096 : i32
      %add3A_243 = arith.addi %add3A_242, %mul3A_241 : i32
      %swap3A = arith.index_cast %add3A_243 : i32 to index
      %swap3A_244 = tpu.vector_load %arg18[%swap3A] {strides = array<i32>} : memref<10240xf32, #tpu.memory_space<vmem>>, vector<16xf32>,
      tpu.vector_store %arg18[%swap3A], %mul3A_239 {strides = array<i32>} : memref<10240xf32, #tpu.memory_space<vmem>>, vector<16xf32>,
      %scan3A_245 = arith.constant 0 : i32
      scf.yield %scan3A_245 : i32
    }
    %scan3A_76 = arith.constant 64 : i32
    "tpu.region"() ({
      %run_scoped3A = tpu.sem_alloc : memref<!tpu.dma_semaphore, #tpu.memory_space<semaphore_mem>>
      %dma_start3A_194 = arith.constant 5120 : i32
      %dma_start3A_195 = tpu.memref_slice %arg20[%dma_start3A_194] : memref<10240xf32, #tpu.memory_space<vmem_shared>> -> memref<1024xf32, #tpu.memory_space<vmem_shared>>
      %dma_start3A_196 = arith.constant 5120 : i32
      %dma_start3A_197 = tpu.memref_slice %arg20[%dma_start3A_196] : memref<10240xf32, #tpu.memory_space<vmem_shared>> -> memref<1024xf32, #tpu.memory_space<vmem_shared>>
      tpu.enqueue_dma source(%dma_start3A_197 : memref<1024xf32, #tpu.memory_space<vmem_shared>>) target(%arg17 : memref<1024xf32, #tpu.memory_space<vmem>>) target_semaphore(%run_scoped3A : memref<!tpu.dma_semaphore, #tpu.memory_space<semaphore_mem>>)
      %dma_wait3A = arith.constant 5120 : i32
      %dma_wait3A_198 = tpu.memref_slice %arg20[%dma_wait3A] : memref<10240xf32, #tpu.memory_space<vmem_shared>> -> memref<1024xf32, #tpu.memory_space<vmem_shared>>
      %dma_wait3A_199 = arith.constant 5120 : i32
      %dma_wait3A_200 = tpu.memref_slice %arg20[%dma_wait3A_199] : memref<10240xf32, #tpu.memory_space<vmem_shared>> -> memref<1024xf32, #tpu.memory_space<vmem_shared>>
      tpu.wait_dma2 semaphore(%run_scoped3A : memref<!tpu.dma_semaphore, #tpu.memory_space<semaphore_mem>>) src(%dma_wait3A_200 : memref<1024xf32, #tpu.memory_space<vmem_shared>>) dst(%arg17 : memref<1024xf32, #tpu.memory_space<vmem>>)
      tpu.yield
    }) : () -> ()
    %scan3A_77 = arith.constant 0 : i32
    %scan3A_78 = arith.constant 0 : i32
    %scan3A_79 = arith.constant 64 : i32
    %scan3A_80 = arith.addi %scan3A_78, %scan3A_79 : i32
    %scan3A_81 = arith.constant 1 : i32
    %scan3A_82 = scf.for %scan3A_194 = %scan3A_78 to %scan3A_80 step %scan3A_81 iter_args(%scan3A_195 = %scan3A_77) -> (i32)  : i32 {
      %mul3A_196 = arith.constant 16 : i32
      %mul3A_197 = arith.muli %scan3A_194, %mul3A_196 : i32
      %get3A = arith.index_cast %mul3A_197 : i32 to index
      %get3A_198 = tpu.vector_load %arg17[%get3A] {strides = array<i32>} : memref<1024xf32, #tpu.memory_space<vmem>>, vector<16xf32>,
      %bitcast_convert_type3A = tpu.bitcast %get3A_198 : vector<16xf32> -> vector<16xi32>
      %shift_right_logical3A = arith.constant 1 : i32
      %shift_right_logical3A_199 = vector.broadcast %shift_right_logical3A : i32 to vector<16xi32>
      %shift_right_logical3A_200 = arith.shrui %bitcast_convert_type3A, %shift_right_logical3A_199 : vector<16xi32>
      %sub3A = arith.constant 1597463007 : i32
      %sub3A_201 = vector.broadcast %sub3A : i32 to vector<16xi32>
      %sub3A_202 = arith.subi %sub3A_201, %shift_right_logical3A_200 : vector<16xi32>
      %bitcast_convert_type3A_203 = tpu.bitcast %sub3A_202 : vector<16xi32> -> vector<16xf32>
      %mul3A_204 = arith.constant 5.000000e-01 : f32
      %mul3A_205 = vector.broadcast %mul3A_204 : f32 to vector<16xf32>
      %mul3A_206 = arith.mulf %mul3A_205, %get3A_198 : vector<16xf32>
      %mul3A_207 = arith.mulf %mul3A_206, %bitcast_convert_type3A_203 : vector<16xf32>
      %mul3A_208 = arith.mulf %mul3A_207, %bitcast_convert_type3A_203 : vector<16xf32>
      %sub3A_209 = arith.constant 1.500000e+00 : f32
      %sub3A_210 = vector.broadcast %sub3A_209 : f32 to vector<16xf32>
      %sub3A_211 = arith.subf %sub3A_210, %mul3A_208 : vector<16xf32>
      %mul3A_212 = arith.mulf %bitcast_convert_type3A_203, %sub3A_211 : vector<16xf32>
      %mul3A_213 = arith.constant 5.000000e-01 : f32
      %mul3A_214 = vector.broadcast %mul3A_213 : f32 to vector<16xf32>
      %mul3A_215 = arith.mulf %mul3A_214, %get3A_198 : vector<16xf32>
      %mul3A_216 = arith.mulf %mul3A_215, %mul3A_212 : vector<16xf32>
      %mul3A_217 = arith.mulf %mul3A_216, %mul3A_212 : vector<16xf32>
      %sub3A_218 = arith.constant 1.500000e+00 : f32
      %sub3A_219 = vector.broadcast %sub3A_218 : f32 to vector<16xf32>
      %sub3A_220 = arith.subf %sub3A_219, %mul3A_217 : vector<16xf32>
      %mul3A_221 = arith.mulf %mul3A_212, %sub3A_220 : vector<16xf32>
      %mul3A_222 = arith.constant 5.000000e-01 : f32
      %mul3A_223 = vector.broadcast %mul3A_222 : f32 to vector<16xf32>
      %mul3A_224 = arith.mulf %mul3A_223, %get3A_198 : vector<16xf32>
      %mul3A_225 = arith.mulf %mul3A_224, %mul3A_221 : vector<16xf32>
      %mul3A_226 = arith.mulf %mul3A_225, %mul3A_221 : vector<16xf32>
      %sub3A_227 = arith.constant 1.500000e+00 : f32
      %sub3A_228 = vector.broadcast %sub3A_227 : f32 to vector<16xf32>
      %sub3A_229 = arith.subf %sub3A_228, %mul3A_226 : vector<16xf32>
      %mul3A_230 = arith.mulf %mul3A_221, %sub3A_229 : vector<16xf32>
      %mul3A_231 = arith.constant 5.000000e-01 : f32
      %mul3A_232 = vector.broadcast %mul3A_231 : f32 to vector<16xf32>
      %mul3A_233 = arith.mulf %mul3A_232, %get3A_198 : vector<16xf32>
      %mul3A_234 = arith.mulf %mul3A_233, %mul3A_230 : vector<16xf32>
      %mul3A_235 = arith.mulf %mul3A_234, %mul3A_230 : vector<16xf32>
      %sub3A_236 = arith.constant 1.500000e+00 : f32
      %sub3A_237 = vector.broadcast %sub3A_236 : f32 to vector<16xf32>
      %sub3A_238 = arith.subf %sub3A_237, %mul3A_235 : vector<16xf32>
      %mul3A_239 = arith.mulf %mul3A_230, %sub3A_238 : vector<16xf32>
      %mul3A_240 = arith.constant 16 : i32
      %mul3A_241 = arith.muli %scan3A_194, %mul3A_240 : i32
      %add3A_242 = arith.constant 5120 : i32
      %add3A_243 = arith.addi %add3A_242, %mul3A_241 : i32
      %swap3A = arith.index_cast %add3A_243 : i32 to index
      %swap3A_244 = tpu.vector_load %arg18[%swap3A] {strides = array<i32>} : memref<10240xf32, #tpu.memory_space<vmem>>, vector<16xf32>,
      tpu.vector_store %arg18[%swap3A], %mul3A_239 {strides = array<i32>} : memref<10240xf32, #tpu.memory_space<vmem>>, vector<16xf32>,
      %scan3A_245 = arith.constant 0 : i32
      scf.yield %scan3A_245 : i32
    }
    %scan3A_83 = arith.constant 64 : i32
    "tpu.region"() ({
      %run_scoped3A = tpu.sem_alloc : memref<!tpu.dma_semaphore, #tpu.memory_space<semaphore_mem>>
      %dma_start3A_194 = arith.constant 6144 : i32
      %dma_start3A_195 = tpu.memref_slice %arg20[%dma_start3A_194] : memref<10240xf32, #tpu.memory_space<vmem_shared>> -> memref<1024xf32, #tpu.memory_space<vmem_shared>>
      %dma_start3A_196 = arith.constant 6144 : i32
      %dma_start3A_197 = tpu.memref_slice %arg20[%dma_start3A_196] : memref<10240xf32, #tpu.memory_space<vmem_shared>> -> memref<1024xf32, #tpu.memory_space<vmem_shared>>
      tpu.enqueue_dma source(%dma_start3A_197 : memref<1024xf32, #tpu.memory_space<vmem_shared>>) target(%arg17 : memref<1024xf32, #tpu.memory_space<vmem>>) target_semaphore(%run_scoped3A : memref<!tpu.dma_semaphore, #tpu.memory_space<semaphore_mem>>)
      %dma_wait3A = arith.constant 6144 : i32
      %dma_wait3A_198 = tpu.memref_slice %arg20[%dma_wait3A] : memref<10240xf32, #tpu.memory_space<vmem_shared>> -> memref<1024xf32, #tpu.memory_space<vmem_shared>>
      %dma_wait3A_199 = arith.constant 6144 : i32
      %dma_wait3A_200 = tpu.memref_slice %arg20[%dma_wait3A_199] : memref<10240xf32, #tpu.memory_space<vmem_shared>> -> memref<1024xf32, #tpu.memory_space<vmem_shared>>
      tpu.wait_dma2 semaphore(%run_scoped3A : memref<!tpu.dma_semaphore, #tpu.memory_space<semaphore_mem>>) src(%dma_wait3A_200 : memref<1024xf32, #tpu.memory_space<vmem_shared>>) dst(%arg17 : memref<1024xf32, #tpu.memory_space<vmem>>)
      tpu.yield
    }) : () -> ()
    %scan3A_84 = arith.constant 0 : i32
    %scan3A_85 = arith.constant 0 : i32
    %scan3A_86 = arith.constant 64 : i32
    %scan3A_87 = arith.addi %scan3A_85, %scan3A_86 : i32
    %scan3A_88 = arith.constant 1 : i32
    %scan3A_89 = scf.for %scan3A_194 = %scan3A_85 to %scan3A_87 step %scan3A_88 iter_args(%scan3A_195 = %scan3A_84) -> (i32)  : i32 {
      %mul3A_196 = arith.constant 16 : i32
      %mul3A_197 = arith.muli %scan3A_194, %mul3A_196 : i32
      %get3A = arith.index_cast %mul3A_197 : i32 to index
      %get3A_198 = tpu.vector_load %arg17[%get3A] {strides = array<i32>} : memref<1024xf32, #tpu.memory_space<vmem>>, vector<16xf32>,
      %bitcast_convert_type3A = tpu.bitcast %get3A_198 : vector<16xf32> -> vector<16xi32>
      %shift_right_logical3A = arith.constant 1 : i32
      %shift_right_logical3A_199 = vector.broadcast %shift_right_logical3A : i32 to vector<16xi32>
      %shift_right_logical3A_200 = arith.shrui %bitcast_convert_type3A, %shift_right_logical3A_199 : vector<16xi32>
      %sub3A = arith.constant 1597463007 : i32
      %sub3A_201 = vector.broadcast %sub3A : i32 to vector<16xi32>
      %sub3A_202 = arith.subi %sub3A_201, %shift_right_logical3A_200 : vector<16xi32>
      %bitcast_convert_type3A_203 = tpu.bitcast %sub3A_202 : vector<16xi32> -> vector<16xf32>
      %mul3A_204 = arith.constant 5.000000e-01 : f32
      %mul3A_205 = vector.broadcast %mul3A_204 : f32 to vector<16xf32>
      %mul3A_206 = arith.mulf %mul3A_205, %get3A_198 : vector<16xf32>
      %mul3A_207 = arith.mulf %mul3A_206, %bitcast_convert_type3A_203 : vector<16xf32>
      %mul3A_208 = arith.mulf %mul3A_207, %bitcast_convert_type3A_203 : vector<16xf32>
      %sub3A_209 = arith.constant 1.500000e+00 : f32
      %sub3A_210 = vector.broadcast %sub3A_209 : f32 to vector<16xf32>
      %sub3A_211 = arith.subf %sub3A_210, %mul3A_208 : vector<16xf32>
      %mul3A_212 = arith.mulf %bitcast_convert_type3A_203, %sub3A_211 : vector<16xf32>
      %mul3A_213 = arith.constant 5.000000e-01 : f32
      %mul3A_214 = vector.broadcast %mul3A_213 : f32 to vector<16xf32>
      %mul3A_215 = arith.mulf %mul3A_214, %get3A_198 : vector<16xf32>
      %mul3A_216 = arith.mulf %mul3A_215, %mul3A_212 : vector<16xf32>
      %mul3A_217 = arith.mulf %mul3A_216, %mul3A_212 : vector<16xf32>
      %sub3A_218 = arith.constant 1.500000e+00 : f32
      %sub3A_219 = vector.broadcast %sub3A_218 : f32 to vector<16xf32>
      %sub3A_220 = arith.subf %sub3A_219, %mul3A_217 : vector<16xf32>
      %mul3A_221 = arith.mulf %mul3A_212, %sub3A_220 : vector<16xf32>
      %mul3A_222 = arith.constant 5.000000e-01 : f32
      %mul3A_223 = vector.broadcast %mul3A_222 : f32 to vector<16xf32>
      %mul3A_224 = arith.mulf %mul3A_223, %get3A_198 : vector<16xf32>
      %mul3A_225 = arith.mulf %mul3A_224, %mul3A_221 : vector<16xf32>
      %mul3A_226 = arith.mulf %mul3A_225, %mul3A_221 : vector<16xf32>
      %sub3A_227 = arith.constant 1.500000e+00 : f32
      %sub3A_228 = vector.broadcast %sub3A_227 : f32 to vector<16xf32>
      %sub3A_229 = arith.subf %sub3A_228, %mul3A_226 : vector<16xf32>
      %mul3A_230 = arith.mulf %mul3A_221, %sub3A_229 : vector<16xf32>
      %mul3A_231 = arith.constant 5.000000e-01 : f32
      %mul3A_232 = vector.broadcast %mul3A_231 : f32 to vector<16xf32>
      %mul3A_233 = arith.mulf %mul3A_232, %get3A_198 : vector<16xf32>
      %mul3A_234 = arith.mulf %mul3A_233, %mul3A_230 : vector<16xf32>
      %mul3A_235 = arith.mulf %mul3A_234, %mul3A_230 : vector<16xf32>
      %sub3A_236 = arith.constant 1.500000e+00 : f32
      %sub3A_237 = vector.broadcast %sub3A_236 : f32 to vector<16xf32>
      %sub3A_238 = arith.subf %sub3A_237, %mul3A_235 : vector<16xf32>
      %mul3A_239 = arith.mulf %mul3A_230, %sub3A_238 : vector<16xf32>
      %mul3A_240 = arith.constant 16 : i32
      %mul3A_241 = arith.muli %scan3A_194, %mul3A_240 : i32
      %add3A_242 = arith.constant 6144 : i32
      %add3A_243 = arith.addi %add3A_242, %mul3A_241 : i32
      %swap3A = arith.index_cast %add3A_243 : i32 to index
      %swap3A_244 = tpu.vector_load %arg18[%swap3A] {strides = array<i32>} : memref<10240xf32, #tpu.memory_space<vmem>>, vector<16xf32>,
      tpu.vector_store %arg18[%swap3A], %mul3A_239 {strides = array<i32>} : memref<10240xf32, #tpu.memory_space<vmem>>, vector<16xf32>,
      %scan3A_245 = arith.constant 0 : i32
      scf.yield %scan3A_245 : i32
    }
    %scan3A_90 = arith.constant 64 : i32
    "tpu.region"() ({
      %run_scoped3A = tpu.sem_alloc : memref<!tpu.dma_semaphore, #tpu.memory_space<semaphore_mem>>
      %dma_start3A_194 = arith.constant 7168 : i32
      %dma_start3A_195 = tpu.memref_slice %arg20[%dma_start3A_194] : memref<10240xf32, #tpu.memory_space<vmem_shared>> -> memref<1024xf32, #tpu.memory_space<vmem_shared>>
      %dma_start3A_196 = arith.constant 7168 : i32
      %dma_start3A_197 = tpu.memref_slice %arg20[%dma_start3A_196] : memref<10240xf32, #tpu.memory_space<vmem_shared>> -> memref<1024xf32, #tpu.memory_space<vmem_shared>>
      tpu.enqueue_dma source(%dma_start3A_197 : memref<1024xf32, #tpu.memory_space<vmem_shared>>) target(%arg17 : memref<1024xf32, #tpu.memory_space<vmem>>) target_semaphore(%run_scoped3A : memref<!tpu.dma_semaphore, #tpu.memory_space<semaphore_mem>>)
      %dma_wait3A = arith.constant 7168 : i32
      %dma_wait3A_198 = tpu.memref_slice %arg20[%dma_wait3A] : memref<10240xf32, #tpu.memory_space<vmem_shared>> -> memref<1024xf32, #tpu.memory_space<vmem_shared>>
      %dma_wait3A_199 = arith.constant 7168 : i32
      %dma_wait3A_200 = tpu.memref_slice %arg20[%dma_wait3A_199] : memref<10240xf32, #tpu.memory_space<vmem_shared>> -> memref<1024xf32, #tpu.memory_space<vmem_shared>>
      tpu.wait_dma2 semaphore(%run_scoped3A : memref<!tpu.dma_semaphore, #tpu.memory_space<semaphore_mem>>) src(%dma_wait3A_200 : memref<1024xf32, #tpu.memory_space<vmem_shared>>) dst(%arg17 : memref<1024xf32, #tpu.memory_space<vmem>>)
      tpu.yield
    }) : () -> ()
    %scan3A_91 = arith.constant 0 : i32
    %scan3A_92 = arith.constant 0 : i32
    %scan3A_93 = arith.constant 64 : i32
    %scan3A_94 = arith.addi %scan3A_92, %scan3A_93 : i32
    %scan3A_95 = arith.constant 1 : i32
    %scan3A_96 = scf.for %scan3A_194 = %scan3A_92 to %scan3A_94 step %scan3A_95 iter_args(%scan3A_195 = %scan3A_91) -> (i32)  : i32 {
      %mul3A_196 = arith.constant 16 : i32
      %mul3A_197 = arith.muli %scan3A_194, %mul3A_196 : i32
      %get3A = arith.index_cast %mul3A_197 : i32 to index
      %get3A_198 = tpu.vector_load %arg17[%get3A] {strides = array<i32>} : memref<1024xf32, #tpu.memory_space<vmem>>, vector<16xf32>,
      %bitcast_convert_type3A = tpu.bitcast %get3A_198 : vector<16xf32> -> vector<16xi32>
      %shift_right_logical3A = arith.constant 1 : i32
      %shift_right_logical3A_199 = vector.broadcast %shift_right_logical3A : i32 to vector<16xi32>
      %shift_right_logical3A_200 = arith.shrui %bitcast_convert_type3A, %shift_right_logical3A_199 : vector<16xi32>
      %sub3A = arith.constant 1597463007 : i32
      %sub3A_201 = vector.broadcast %sub3A : i32 to vector<16xi32>
      %sub3A_202 = arith.subi %sub3A_201, %shift_right_logical3A_200 : vector<16xi32>
      %bitcast_convert_type3A_203 = tpu.bitcast %sub3A_202 : vector<16xi32> -> vector<16xf32>
      %mul3A_204 = arith.constant 5.000000e-01 : f32
      %mul3A_205 = vector.broadcast %mul3A_204 : f32 to vector<16xf32>
      %mul3A_206 = arith.mulf %mul3A_205, %get3A_198 : vector<16xf32>
      %mul3A_207 = arith.mulf %mul3A_206, %bitcast_convert_type3A_203 : vector<16xf32>
      %mul3A_208 = arith.mulf %mul3A_207, %bitcast_convert_type3A_203 : vector<16xf32>
      %sub3A_209 = arith.constant 1.500000e+00 : f32
      %sub3A_210 = vector.broadcast %sub3A_209 : f32 to vector<16xf32>
      %sub3A_211 = arith.subf %sub3A_210, %mul3A_208 : vector<16xf32>
      %mul3A_212 = arith.mulf %bitcast_convert_type3A_203, %sub3A_211 : vector<16xf32>
      %mul3A_213 = arith.constant 5.000000e-01 : f32
      %mul3A_214 = vector.broadcast %mul3A_213 : f32 to vector<16xf32>
      %mul3A_215 = arith.mulf %mul3A_214, %get3A_198 : vector<16xf32>
      %mul3A_216 = arith.mulf %mul3A_215, %mul3A_212 : vector<16xf32>
      %mul3A_217 = arith.mulf %mul3A_216, %mul3A_212 : vector<16xf32>
      %sub3A_218 = arith.constant 1.500000e+00 : f32
      %sub3A_219 = vector.broadcast %sub3A_218 : f32 to vector<16xf32>
      %sub3A_220 = arith.subf %sub3A_219, %mul3A_217 : vector<16xf32>
      %mul3A_221 = arith.mulf %mul3A_212, %sub3A_220 : vector<16xf32>
      %mul3A_222 = arith.constant 5.000000e-01 : f32
      %mul3A_223 = vector.broadcast %mul3A_222 : f32 to vector<16xf32>
      %mul3A_224 = arith.mulf %mul3A_223, %get3A_198 : vector<16xf32>
      %mul3A_225 = arith.mulf %mul3A_224, %mul3A_221 : vector<16xf32>
      %mul3A_226 = arith.mulf %mul3A_225, %mul3A_221 : vector<16xf32>
      %sub3A_227 = arith.constant 1.500000e+00 : f32
      %sub3A_228 = vector.broadcast %sub3A_227 : f32 to vector<16xf32>
      %sub3A_229 = arith.subf %sub3A_228, %mul3A_226 : vector<16xf32>
      %mul3A_230 = arith.mulf %mul3A_221, %sub3A_229 : vector<16xf32>
      %mul3A_231 = arith.constant 5.000000e-01 : f32
      %mul3A_232 = vector.broadcast %mul3A_231 : f32 to vector<16xf32>
      %mul3A_233 = arith.mulf %mul3A_232, %get3A_198 : vector<16xf32>
      %mul3A_234 = arith.mulf %mul3A_233, %mul3A_230 : vector<16xf32>
      %mul3A_235 = arith.mulf %mul3A_234, %mul3A_230 : vector<16xf32>
      %sub3A_236 = arith.constant 1.500000e+00 : f32
      %sub3A_237 = vector.broadcast %sub3A_236 : f32 to vector<16xf32>
      %sub3A_238 = arith.subf %sub3A_237, %mul3A_235 : vector<16xf32>
      %mul3A_239 = arith.mulf %mul3A_230, %sub3A_238 : vector<16xf32>
      %mul3A_240 = arith.constant 16 : i32
      %mul3A_241 = arith.muli %scan3A_194, %mul3A_240 : i32
      %add3A_242 = arith.constant 7168 : i32
      %add3A_243 = arith.addi %add3A_242, %mul3A_241 : i32
      %swap3A = arith.index_cast %add3A_243 : i32 to index
      %swap3A_244 = tpu.vector_load %arg18[%swap3A] {strides = array<i32>} : memref<10240xf32, #tpu.memory_space<vmem>>, vector<16xf32>,
      tpu.vector_store %arg18[%swap3A], %mul3A_239 {strides = array<i32>} : memref<10240xf32, #tpu.memory_space<vmem>>, vector<16xf32>,
      %scan3A_245 = arith.constant 0 : i32
      scf.yield %scan3A_245 : i32
    }
    %scan3A_97 = arith.constant 64 : i32
    "tpu.region"() ({
      %run_scoped3A = tpu.sem_alloc : memref<!tpu.dma_semaphore, #tpu.memory_space<semaphore_mem>>
      %dma_start3A_194 = arith.constant 8192 : i32
      %dma_start3A_195 = tpu.memref_slice %arg20[%dma_start3A_194] : memref<10240xf32, #tpu.memory_space<vmem_shared>> -> memref<1024xf32, #tpu.memory_space<vmem_shared>>
      %dma_start3A_196 = arith.constant 8192 : i32
      %dma_start3A_197 = tpu.memref_slice %arg20[%dma_start3A_196] : memref<10240xf32, #tpu.memory_space<vmem_shared>> -> memref<1024xf32, #tpu.memory_space<vmem_shared>>
      tpu.enqueue_dma source(%dma_start3A_197 : memref<1024xf32, #tpu.memory_space<vmem_shared>>) target(%arg17 : memref<1024xf32, #tpu.memory_space<vmem>>) target_semaphore(%run_scoped3A : memref<!tpu.dma_semaphore, #tpu.memory_space<semaphore_mem>>)
      %dma_wait3A = arith.constant 8192 : i32
      %dma_wait3A_198 = tpu.memref_slice %arg20[%dma_wait3A] : memref<10240xf32, #tpu.memory_space<vmem_shared>> -> memref<1024xf32, #tpu.memory_space<vmem_shared>>
      %dma_wait3A_199 = arith.constant 8192 : i32
      %dma_wait3A_200 = tpu.memref_slice %arg20[%dma_wait3A_199] : memref<10240xf32, #tpu.memory_space<vmem_shared>> -> memref<1024xf32, #tpu.memory_space<vmem_shared>>
      tpu.wait_dma2 semaphore(%run_scoped3A : memref<!tpu.dma_semaphore, #tpu.memory_space<semaphore_mem>>) src(%dma_wait3A_200 : memref<1024xf32, #tpu.memory_space<vmem_shared>>) dst(%arg17 : memref<1024xf32, #tpu.memory_space<vmem>>)
      tpu.yield
    }) : () -> ()
    %scan3A_98 = arith.constant 0 : i32
    %scan3A_99 = arith.constant 0 : i32
    %scan3A_100 = arith.constant 64 : i32
    %scan3A_101 = arith.addi %scan3A_99, %scan3A_100 : i32
    %scan3A_102 = arith.constant 1 : i32
    %scan3A_103 = scf.for %scan3A_194 = %scan3A_99 to %scan3A_101 step %scan3A_102 iter_args(%scan3A_195 = %scan3A_98) -> (i32)  : i32 {
      %mul3A_196 = arith.constant 16 : i32
      %mul3A_197 = arith.muli %scan3A_194, %mul3A_196 : i32
      %get3A = arith.index_cast %mul3A_197 : i32 to index
      %get3A_198 = tpu.vector_load %arg17[%get3A] {strides = array<i32>} : memref<1024xf32, #tpu.memory_space<vmem>>, vector<16xf32>,
      %bitcast_convert_type3A = tpu.bitcast %get3A_198 : vector<16xf32> -> vector<16xi32>
      %shift_right_logical3A = arith.constant 1 : i32
      %shift_right_logical3A_199 = vector.broadcast %shift_right_logical3A : i32 to vector<16xi32>
      %shift_right_logical3A_200 = arith.shrui %bitcast_convert_type3A, %shift_right_logical3A_199 : vector<16xi32>
      %sub3A = arith.constant 1597463007 : i32
      %sub3A_201 = vector.broadcast %sub3A : i32 to vector<16xi32>
      %sub3A_202 = arith.subi %sub3A_201, %shift_right_logical3A_200 : vector<16xi32>
      %bitcast_convert_type3A_203 = tpu.bitcast %sub3A_202 : vector<16xi32> -> vector<16xf32>
      %mul3A_204 = arith.constant 5.000000e-01 : f32
      %mul3A_205 = vector.broadcast %mul3A_204 : f32 to vector<16xf32>
      %mul3A_206 = arith.mulf %mul3A_205, %get3A_198 : vector<16xf32>
      %mul3A_207 = arith.mulf %mul3A_206, %bitcast_convert_type3A_203 : vector<16xf32>
      %mul3A_208 = arith.mulf %mul3A_207, %bitcast_convert_type3A_203 : vector<16xf32>
      %sub3A_209 = arith.constant 1.500000e+00 : f32
      %sub3A_210 = vector.broadcast %sub3A_209 : f32 to vector<16xf32>
      %sub3A_211 = arith.subf %sub3A_210, %mul3A_208 : vector<16xf32>
      %mul3A_212 = arith.mulf %bitcast_convert_type3A_203, %sub3A_211 : vector<16xf32>
      %mul3A_213 = arith.constant 5.000000e-01 : f32
      %mul3A_214 = vector.broadcast %mul3A_213 : f32 to vector<16xf32>
      %mul3A_215 = arith.mulf %mul3A_214, %get3A_198 : vector<16xf32>
      %mul3A_216 = arith.mulf %mul3A_215, %mul3A_212 : vector<16xf32>
      %mul3A_217 = arith.mulf %mul3A_216, %mul3A_212 : vector<16xf32>
      %sub3A_218 = arith.constant 1.500000e+00 : f32
      %sub3A_219 = vector.broadcast %sub3A_218 : f32 to vector<16xf32>
      %sub3A_220 = arith.subf %sub3A_219, %mul3A_217 : vector<16xf32>
      %mul3A_221 = arith.mulf %mul3A_212, %sub3A_220 : vector<16xf32>
      %mul3A_222 = arith.constant 5.000000e-01 : f32
      %mul3A_223 = vector.broadcast %mul3A_222 : f32 to vector<16xf32>
      %mul3A_224 = arith.mulf %mul3A_223, %get3A_198 : vector<16xf32>
      %mul3A_225 = arith.mulf %mul3A_224, %mul3A_221 : vector<16xf32>
      %mul3A_226 = arith.mulf %mul3A_225, %mul3A_221 : vector<16xf32>
      %sub3A_227 = arith.constant 1.500000e+00 : f32
      %sub3A_228 = vector.broadcast %sub3A_227 : f32 to vector<16xf32>
      %sub3A_229 = arith.subf %sub3A_228, %mul3A_226 : vector<16xf32>
      %mul3A_230 = arith.mulf %mul3A_221, %sub3A_229 : vector<16xf32>
      %mul3A_231 = arith.constant 5.000000e-01 : f32
      %mul3A_232 = vector.broadcast %mul3A_231 : f32 to vector<16xf32>
      %mul3A_233 = arith.mulf %mul3A_232, %get3A_198 : vector<16xf32>
      %mul3A_234 = arith.mulf %mul3A_233, %mul3A_230 : vector<16xf32>
      %mul3A_235 = arith.mulf %mul3A_234, %mul3A_230 : vector<16xf32>
      %sub3A_236 = arith.constant 1.500000e+00 : f32
      %sub3A_237 = vector.broadcast %sub3A_236 : f32 to vector<16xf32>
      %sub3A_238 = arith.subf %sub3A_237, %mul3A_235 : vector<16xf32>
      %mul3A_239 = arith.mulf %mul3A_230, %sub3A_238 : vector<16xf32>
      %mul3A_240 = arith.constant 16 : i32
      %mul3A_241 = arith.muli %scan3A_194, %mul3A_240 : i32
      %add3A_242 = arith.constant 8192 : i32
      %add3A_243 = arith.addi %add3A_242, %mul3A_241 : i32
      %swap3A = arith.index_cast %add3A_243 : i32 to index
      %swap3A_244 = tpu.vector_load %arg18[%swap3A] {strides = array<i32>} : memref<10240xf32, #tpu.memory_space<vmem>>, vector<16xf32>,
      tpu.vector_store %arg18[%swap3A], %mul3A_239 {strides = array<i32>} : memref<10240xf32, #tpu.memory_space<vmem>>, vector<16xf32>,
      %scan3A_245 = arith.constant 0 : i32
      scf.yield %scan3A_245 : i32
    }
    %scan3A_104 = arith.constant 64 : i32
    "tpu.region"() ({
      %run_scoped3A = tpu.sem_alloc : memref<!tpu.dma_semaphore, #tpu.memory_space<semaphore_mem>>
      %dma_start3A_194 = arith.constant 9216 : i32
      %dma_start3A_195 = tpu.memref_slice %arg20[%dma_start3A_194] : memref<10240xf32, #tpu.memory_space<vmem_shared>> -> memref<1024xf32, #tpu.memory_space<vmem_shared>>
      %dma_start3A_196 = arith.constant 9216 : i32
      %dma_start3A_197 = tpu.memref_slice %arg20[%dma_start3A_196] : memref<10240xf32, #tpu.memory_space<vmem_shared>> -> memref<1024xf32, #tpu.memory_space<vmem_shared>>
      tpu.enqueue_dma source(%dma_start3A_197 : memref<1024xf32, #tpu.memory_space<vmem_shared>>) target(%arg17 : memref<1024xf32, #tpu.memory_space<vmem>>) target_semaphore(%run_scoped3A : memref<!tpu.dma_semaphore, #tpu.memory_space<semaphore_mem>>)
      %dma_wait3A = arith.constant 9216 : i32
      %dma_wait3A_198 = tpu.memref_slice %arg20[%dma_wait3A] : memref<10240xf32, #tpu.memory_space<vmem_shared>> -> memref<1024xf32, #tpu.memory_space<vmem_shared>>
      %dma_wait3A_199 = arith.constant 9216 : i32
      %dma_wait3A_200 = tpu.memref_slice %arg20[%dma_wait3A_199] : memref<10240xf32, #tpu.memory_space<vmem_shared>> -> memref<1024xf32, #tpu.memory_space<vmem_shared>>
      tpu.wait_dma2 semaphore(%run_scoped3A : memref<!tpu.dma_semaphore, #tpu.memory_space<semaphore_mem>>) src(%dma_wait3A_200 : memref<1024xf32, #tpu.memory_space<vmem_shared>>) dst(%arg17 : memref<1024xf32, #tpu.memory_space<vmem>>)
      tpu.yield
    }) : () -> ()
    %scan3A_105 = arith.constant 0 : i32
    %scan3A_106 = arith.constant 0 : i32
    %scan3A_107 = arith.constant 64 : i32
    %scan3A_108 = arith.addi %scan3A_106, %scan3A_107 : i32
    %scan3A_109 = arith.constant 1 : i32
    %scan3A_110 = scf.for %scan3A_194 = %scan3A_106 to %scan3A_108 step %scan3A_109 iter_args(%scan3A_195 = %scan3A_105) -> (i32)  : i32 {
      %mul3A_196 = arith.constant 16 : i32
      %mul3A_197 = arith.muli %scan3A_194, %mul3A_196 : i32
      %get3A = arith.index_cast %mul3A_197 : i32 to index
      %get3A_198 = tpu.vector_load %arg17[%get3A] {strides = array<i32>} : memref<1024xf32, #tpu.memory_space<vmem>>, vector<16xf32>,
      %bitcast_convert_type3A = tpu.bitcast %get3A_198 : vector<16xf32> -> vector<16xi32>
      %shift_right_logical3A = arith.constant 1 : i32
      %shift_right_logical3A_199 = vector.broadcast %shift_right_logical3A : i32 to vector<16xi32>
      %shift_right_logical3A_200 = arith.shrui %bitcast_convert_type3A, %shift_right_logical3A_199 : vector<16xi32>
      %sub3A = arith.constant 1597463007 : i32
      %sub3A_201 = vector.broadcast %sub3A : i32 to vector<16xi32>
      %sub3A_202 = arith.subi %sub3A_201, %shift_right_logical3A_200 : vector<16xi32>
      %bitcast_convert_type3A_203 = tpu.bitcast %sub3A_202 : vector<16xi32> -> vector<16xf32>
      %mul3A_204 = arith.constant 5.000000e-01 : f32
      %mul3A_205 = vector.broadcast %mul3A_204 : f32 to vector<16xf32>
      %mul3A_206 = arith.mulf %mul3A_205, %get3A_198 : vector<16xf32>
      %mul3A_207 = arith.mulf %mul3A_206, %bitcast_convert_type3A_203 : vector<16xf32>
      %mul3A_208 = arith.mulf %mul3A_207, %bitcast_convert_type3A_203 : vector<16xf32>
      %sub3A_209 = arith.constant 1.500000e+00 : f32
      %sub3A_210 = vector.broadcast %sub3A_209 : f32 to vector<16xf32>
      %sub3A_211 = arith.subf %sub3A_210, %mul3A_208 : vector<16xf32>
      %mul3A_212 = arith.mulf %bitcast_convert_type3A_203, %sub3A_211 : vector<16xf32>
      %mul3A_213 = arith.constant 5.000000e-01 : f32
      %mul3A_214 = vector.broadcast %mul3A_213 : f32 to vector<16xf32>
      %mul3A_215 = arith.mulf %mul3A_214, %get3A_198 : vector<16xf32>
      %mul3A_216 = arith.mulf %mul3A_215, %mul3A_212 : vector<16xf32>
      %mul3A_217 = arith.mulf %mul3A_216, %mul3A_212 : vector<16xf32>
      %sub3A_218 = arith.constant 1.500000e+00 : f32
      %sub3A_219 = vector.broadcast %sub3A_218 : f32 to vector<16xf32>
      %sub3A_220 = arith.subf %sub3A_219, %mul3A_217 : vector<16xf32>
      %mul3A_221 = arith.mulf %mul3A_212, %sub3A_220 : vector<16xf32>
      %mul3A_222 = arith.constant 5.000000e-01 : f32
      %mul3A_223 = vector.broadcast %mul3A_222 : f32 to vector<16xf32>
      %mul3A_224 = arith.mulf %mul3A_223, %get3A_198 : vector<16xf32>
      %mul3A_225 = arith.mulf %mul3A_224, %mul3A_221 : vector<16xf32>
      %mul3A_226 = arith.mulf %mul3A_225, %mul3A_221 : vector<16xf32>
      %sub3A_227 = arith.constant 1.500000e+00 : f32
      %sub3A_228 = vector.broadcast %sub3A_227 : f32 to vector<16xf32>
      %sub3A_229 = arith.subf %sub3A_228, %mul3A_226 : vector<16xf32>
      %mul3A_230 = arith.mulf %mul3A_221, %sub3A_229 : vector<16xf32>
      %mul3A_231 = arith.constant 5.000000e-01 : f32
      %mul3A_232 = vector.broadcast %mul3A_231 : f32 to vector<16xf32>
      %mul3A_233 = arith.mulf %mul3A_232, %get3A_198 : vector<16xf32>
      %mul3A_234 = arith.mulf %mul3A_233, %mul3A_230 : vector<16xf32>
      %mul3A_235 = arith.mulf %mul3A_234, %mul3A_230 : vector<16xf32>
      %sub3A_236 = arith.constant 1.500000e+00 : f32
      %sub3A_237 = vector.broadcast %sub3A_236 : f32 to vector<16xf32>
      %sub3A_238 = arith.subf %sub3A_237, %mul3A_235 : vector<16xf32>
      %mul3A_239 = arith.mulf %mul3A_230, %sub3A_238 : vector<16xf32>
      %mul3A_240 = arith.constant 16 : i32
      %mul3A_241 = arith.muli %scan3A_194, %mul3A_240 : i32
      %add3A_242 = arith.constant 9216 : i32
      %add3A_243 = arith.addi %add3A_242, %mul3A_241 : i32
      %swap3A = arith.index_cast %add3A_243 : i32 to index
      %swap3A_244 = tpu.vector_load %arg18[%swap3A] {strides = array<i32>} : memref<10240xf32, #tpu.memory_space<vmem>>, vector<16xf32>,
      tpu.vector_store %arg18[%swap3A], %mul3A_239 {strides = array<i32>} : memref<10240xf32, #tpu.memory_space<vmem>>, vector<16xf32>,
      %scan3A_245 = arith.constant 0 : i32
      scf.yield %scan3A_245 : i32
    }
    %scan3A_111 = arith.constant 64 : i32
    %mul3A_112 = arith.constant 10000 : i32
    %mul3A_113 = arith.muli %arg0, %mul3A_112 : i32
    %broadcast_in_dim3A_114 = arith.constant -65536 : i32
    %broadcast_in_dim3A_115 = vector.broadcast %broadcast_in_dim3A_114 : i32 to vector<16xi32>
    %mul3A_116 = arith.constant 168 : i32
    %mul3A_117 = arith.muli %arg1, %mul3A_116 : i32
    %add3A_118 = arith.constant 0 : i32
    %add3A_119 = arith.addi %mul3A_117, %add3A_118 : i32
    "tpu.region"() ({
      %run_scoped3A = tpu.sem_alloc : memref<!tpu.dma_semaphore, #tpu.memory_space<semaphore_mem>>
      %dma_start3A_194 = arith.constant 0 : i32
      %dma_start3A_195 = arith.constant 0 : i32
      %dma_start3A_196 = tpu.memref_slice %arg3[%add3A_119, %dma_start3A_194, %dma_start3A_195] : memref<2688x3x128xi32, #tpu.memory_space<hbm>> -> memref<2x3x128xi32, #tpu.memory_space<hbm>>
      %dma_start3A_197 = arith.constant 0 : i32
      %dma_start3A_198 = arith.constant 0 : i32
      %dma_start3A_199 = tpu.memref_slice %arg3[%add3A_119, %dma_start3A_197, %dma_start3A_198] : memref<2688x3x128xi32, #tpu.memory_space<hbm>> -> memref<2x3x128xi32, #tpu.memory_space<hbm>>
      tpu.enqueue_dma source(%dma_start3A_199 : memref<2x3x128xi32, #tpu.memory_space<hbm>>) target(%arg7 : memref<2x3x128xi32, #tpu.memory_space<vmem>>) target_semaphore(%run_scoped3A : memref<!tpu.dma_semaphore, #tpu.memory_space<semaphore_mem>>)
      %dma_wait3A = arith.constant 0 : i32
      %dma_wait3A_200 = arith.constant 0 : i32
      %dma_wait3A_201 = tpu.memref_slice %arg3[%add3A_119, %dma_wait3A, %dma_wait3A_200] : memref<2688x3x128xi32, #tpu.memory_space<hbm>> -> memref<2x3x128xi32, #tpu.memory_space<hbm>>
      %dma_wait3A_202 = arith.constant 0 : i32
      %dma_wait3A_203 = arith.constant 0 : i32
      %dma_wait3A_204 = tpu.memref_slice %arg3[%add3A_119, %dma_wait3A_202, %dma_wait3A_203] : memref<2688x3x128xi32, #tpu.memory_space<hbm>> -> memref<2x3x128xi32, #tpu.memory_space<hbm>>
      tpu.wait_dma2 semaphore(%run_scoped3A : memref<!tpu.dma_semaphore, #tpu.memory_space<semaphore_mem>>) src(%dma_wait3A_204 : memref<2x3x128xi32, #tpu.memory_space<hbm>>) dst(%arg7 : memref<2x3x128xi32, #tpu.memory_space<vmem>>)
      tpu.yield
    }) : () -> ()
    %scan3A_120 = arith.constant 0 : i32
    %scan3A_121 = arith.constant 0 : i32
    %scan3A_122 = arith.constant 8 : i32
    %scan3A_123 = arith.addi %scan3A_121, %scan3A_122 : i32
    %scan3A_124 = arith.constant 1 : i32
    %scan3A_125 = scf.for %scan3A_194 = %scan3A_121 to %scan3A_123 step %scan3A_124 iter_args(%scan3A_195 = %scan3A_120) -> (i32)  : i32 {
      %mul3A_196 = arith.constant 16 : i32
      %mul3A_197 = arith.muli %scan3A_194, %mul3A_196 : i32
      %get3A = arith.constant 0 : i32
      %get3A_198 = arith.constant 0 : i32
      %get3A_199 = arith.index_cast %get3A : i32 to index
      %get3A_200 = arith.index_cast %get3A_198 : i32 to index
      %get3A_201 = arith.index_cast %mul3A_197 : i32 to index
      %get3A_202 = tpu.vector_load %arg7[%get3A_199, %get3A_200, %get3A_201] {strides = array<i32>} : memref<2x3x128xi32, #tpu.memory_space<vmem>>, vector<16xi32>,
      %get3A_203 = arith.constant 0 : i32
      %get3A_204 = arith.constant 1 : i32
      %get3A_205 = arith.index_cast %get3A_203 : i32 to index
      %get3A_206 = arith.index_cast %get3A_204 : i32 to index
      %get3A_207 = arith.index_cast %mul3A_197 : i32 to index
      %get3A_208 = tpu.vector_load %arg7[%get3A_205, %get3A_206, %get3A_207] {strides = array<i32>} : memref<2x3x128xi32, #tpu.memory_space<vmem>>, vector<16xi32>,
      %get3A_209 = arith.constant 0 : i32
      %get3A_210 = arith.constant 2 : i32
      %get3A_211 = arith.index_cast %get3A_209 : i32 to index
      %get3A_212 = arith.index_cast %get3A_210 : i32 to index
      %get3A_213 = arith.index_cast %mul3A_197 : i32 to index
      %get3A_214 = tpu.vector_load %arg7[%get3A_211, %get3A_212, %get3A_213] {strides = array<i32>} : memref<2x3x128xi32, #tpu.memory_space<vmem>>, vector<16xi32>,
      %bitcast_convert_type3A = tpu.bitcast %get3A_214 : vector<16xi32> -> vector<16xf32>
      %gather3A = tpu.vector_load_idx %arg18[%get3A_202] : memref<10240xf32, #tpu.memory_space<vmem>>[vector<16xi32>], vector<16xf32>,
      %gather3A_215 = tpu.vector_load_idx %arg18[%get3A_208] : memref<10240xf32, #tpu.memory_space<vmem>>[vector<16xi32>], vector<16xf32>,
      %swap3A = arith.index_cast %mul3A_197 : i32 to index
      %swap3A_216 = tpu.vector_load %arg8[%swap3A] {strides = array<i32>} : memref<128xi32, #tpu.memory_space<vmem>>, vector<16xi32>,
      tpu.vector_store %arg8[%swap3A], %get3A_208 {strides = array<i32>} : memref<128xi32, #tpu.memory_space<vmem>>, vector<16xi32>,
      %mul3A_217 = arith.mulf %gather3A, %bitcast_convert_type3A : vector<16xf32>
      %mul3A_218 = arith.mulf %mul3A_217, %gather3A_215 : vector<16xf32>
      %swap3A_219 = arith.index_cast %mul3A_197 : i32 to index
      %swap3A_220 = tpu.vector_load %arg10[%swap3A_219] {strides = array<i32>} : memref<128xf32, #tpu.memory_space<vmem>>, vector<16xf32>,
      tpu.vector_store %arg10[%swap3A_219], %mul3A_218 {strides = array<i32>} : memref<128xf32, #tpu.memory_space<vmem>>, vector<16xf32>,
      %add3A_221 = vector.broadcast %mul3A_113 : i32 to vector<16xi32>
      %add3A_222 = arith.addi %get3A_202, %add3A_221 : vector<16xi32>
      %swap3A_223 = arith.constant 0 : i32
      %swap3A_224 = arith.constant 0 : i32
      %swap3A_225 = arith.index_cast %swap3A_223 : i32 to index
      %swap3A_226 = arith.index_cast %swap3A_224 : i32 to index
      %swap3A_227 = arith.index_cast %mul3A_197 : i32 to index
      %swap3A_228 = tpu.vector_load %arg7[%swap3A_225, %swap3A_226, %swap3A_227] {strides = array<i32>} : memref<2x3x128xi32, #tpu.memory_space<vmem>>, vector<16xi32>,
      tpu.vector_store %arg7[%swap3A_225, %swap3A_226, %swap3A_227], %add3A_222 {strides = array<i32>} : memref<2x3x128xi32, #tpu.memory_space<vmem>>, vector<16xi32>,
      %scan3A_229 = arith.constant 0 : i32
      scf.yield %scan3A_229 : i32
    }
    %scan3A_126 = arith.constant 8 : i32
    %dma_start3A = arith.constant 0 : i32
    %dma_start3A_127 = arith.constant 0 : i32
    %dma_start3A_128 = arith.constant 0 : i32
    %dma_start3A_129 = arith.constant 0 : i32
    %dma_start3A_130 = tpu.memref_slice %arg14[%dma_start3A_128, %dma_start3A_129] : memref<128x64xi32, #tpu.memory_space<vmem>> -> memref<64x64xi32, #tpu.memory_space<vmem>>
    %dma_start3A_131 = arith.constant 0 : i32
    %dma_start3A_132 = tpu.memref_slice %arg7[%dma_start3A, %dma_start3A_127, %dma_start3A_131] : memref<2x3x128xi32, #tpu.memory_space<vmem>> -> memref<1x1x64xi32, #tpu.memory_space<vmem>>
    %dma_start3A_133 = tpu.memref_squeeze %dma_start3A_132 : memref<1x1x64xi32, #tpu.memory_space<vmem>> -> memref<64xi32, #tpu.memory_space<vmem>>
    %dma_start3A_134 = arith.constant 0 : i32
    %dma_start3A_135 = arith.constant 0 : i32
    %dma_start3A_136 = tpu.memref_slice %arg2[%dma_start3A_134, %dma_start3A_135] : memref<20000x64xi32, #tpu.memory_space<hbm>> -> memref<20000x64xi32, #tpu.memory_space<hbm>>
    tpu.enqueue_indirect_dma source(%dma_start3A_136 : memref<20000x64xi32, #tpu.memory_space<hbm>>) target(%dma_start3A_130 : memref<64x64xi32, #tpu.memory_space<vmem>>) offsets(%dma_start3A_133 : memref<64xi32, #tpu.memory_space<vmem>>) semaphore(%arg21 : memref<!tpu.dma_semaphore, #tpu.memory_space<semaphore_mem>>)
    %dma_start3A_137 = arith.constant 0 : i32
    %dma_start3A_138 = arith.constant 0 : i32
    %dma_start3A_139 = arith.constant 64 : i32
    %dma_start3A_140 = arith.constant 0 : i32
    %dma_start3A_141 = tpu.memref_slice %arg14[%dma_start3A_139, %dma_start3A_140] : memref<128x64xi32, #tpu.memory_space<vmem>> -> memref<64x64xi32, #tpu.memory_space<vmem>>
    %dma_start3A_142 = arith.constant 64 : i32
    %dma_start3A_143 = tpu.memref_slice %arg7[%dma_start3A_137, %dma_start3A_138, %dma_start3A_142] : memref<2x3x128xi32, #tpu.memory_space<vmem>> -> memref<1x1x64xi32, #tpu.memory_space<vmem>>
    %dma_start3A_144 = tpu.memref_squeeze %dma_start3A_143 : memref<1x1x64xi32, #tpu.memory_space<vmem>> -> memref<64xi32, #tpu.memory_space<vmem>>
    %dma_start3A_145 = arith.constant 0 : i32
    %dma_start3A_146 = arith.constant 0 : i32
    %dma_start3A_147 = tpu.memref_slice %arg2[%dma_start3A_145, %dma_start3A_146] : memref<20000x64xi32, #tpu.memory_space<hbm>> -> memref<20000x64xi32, #tpu.memory_space<hbm>>
    tpu.enqueue_indirect_dma source(%dma_start3A_147 : memref<20000x64xi32, #tpu.memory_space<hbm>>) target(%dma_start3A_141 : memref<64x64xi32, #tpu.memory_space<vmem>>) offsets(%dma_start3A_144 : memref<64xi32, #tpu.memory_space<vmem>>) semaphore(%arg21 : memref<!tpu.dma_semaphore, #tpu.memory_space<semaphore_mem>>)
    %scan3A_148 = arith.constant 0 : i32
    %scan3A_149 = arith.constant 0 : i32
    %scan3A_150 = arith.constant 8 : i32
    %scan3A_151 = arith.addi %scan3A_149, %scan3A_150 : i32
    %scan3A_152 = arith.constant 1 : i32
    %scan3A_153 = scf.for %scan3A_194 = %scan3A_149 to %scan3A_151 step %scan3A_152 iter_args(%scan3A_195 = %scan3A_148) -> (i32)  : i32 {
      %mul3A_196 = arith.constant 16 : i32
      %mul3A_197 = arith.muli %scan3A_194, %mul3A_196 : i32
      %get3A = arith.constant 1 : i32
      %get3A_198 = arith.constant 0 : i32
      %get3A_199 = arith.index_cast %get3A : i32 to index
      %get3A_200 = arith.index_cast %get3A_198 : i32 to index
      %get3A_201 = arith.index_cast %mul3A_197 : i32 to index
      %get3A_202 = tpu.vector_load %arg7[%get3A_199, %get3A_200, %get3A_201] {strides = array<i32>} : memref<2x3x128xi32, #tpu.memory_space<vmem>>, vector<16xi32>,
      %get3A_203 = arith.constant 1 : i32
      %get3A_204 = arith.constant 1 : i32
      %get3A_205 = arith.index_cast %get3A_203 : i32 to index
      %get3A_206 = arith.index_cast %get3A_204 : i32 to index
      %get3A_207 = arith.index_cast %mul3A_197 : i32 to index
      %get3A_208 = tpu.vector_load %arg7[%get3A_205, %get3A_206, %get3A_207] {strides = array<i32>} : memref<2x3x128xi32, #tpu.memory_space<vmem>>, vector<16xi32>,
      %get3A_209 = arith.constant 1 : i32
      %get3A_210 = arith.constant 2 : i32
      %get3A_211 = arith.index_cast %get3A_209 : i32 to index
      %get3A_212 = arith.index_cast %get3A_210 : i32 to index
      %get3A_213 = arith.index_cast %mul3A_197 : i32 to index
      %get3A_214 = tpu.vector_load %arg7[%get3A_211, %get3A_212, %get3A_213] {strides = array<i32>} : memref<2x3x128xi32, #tpu.memory_space<vmem>>, vector<16xi32>,
      %bitcast_convert_type3A = tpu.bitcast %get3A_214 : vector<16xi32> -> vector<16xf32>
      %gather3A = tpu.vector_load_idx %arg18[%get3A_202] : memref<10240xf32, #tpu.memory_space<vmem>>[vector<16xi32>], vector<16xf32>,
      %gather3A_215 = tpu.vector_load_idx %arg18[%get3A_208] : memref<10240xf32, #tpu.memory_space<vmem>>[vector<16xi32>], vector<16xf32>,
      %swap3A = arith.index_cast %mul3A_197 : i32 to index
      %swap3A_216 = tpu.vector_load %arg9[%swap3A] {strides = array<i32>} : memref<128xi32, #tpu.memory_space<vmem>>, vector<16xi32>,
      tpu.vector_store %arg9[%swap3A], %get3A_208 {strides = array<i32>} : memref<128xi32, #tpu.memory_space<vmem>>, vector<16xi32>,
      %mul3A_217 = arith.mulf %gather3A, %bitcast_convert_type3A : vector<16xf32>
      %mul3A_218 = arith.mulf %mul3A_217, %gather3A_215 : vector<16xf32>
      %swap3A_219 = arith.index_cast %mul3A_197 : i32 to index
      %swap3A_220 = tpu.vector_load %arg11[%swap3A_219] {strides = array<i32>} : memref<128xf32, #tpu.memory_space<vmem>>, vector<16xf32>,
      tpu.vector_store %arg11[%swap3A_219], %mul3A_218 {strides = array<i32>} : memref<128xf32, #tpu.memory_space<vmem>>, vector<16xf32>,
      %add3A_221 = vector.broadcast %mul3A_113 : i32 to vector<16xi32>
      %add3A_222 = arith.addi %get3A_202, %add3A_221 : vector<16xi32>
      %swap3A_223 = arith.constant 1 : i32
      %swap3A_224 = arith.constant 0 : i32
      %swap3A_225 = arith.index_cast %swap3A_223 : i32 to index
      %swap3A_226 = arith.index_cast %swap3A_224 : i32 to index
      %swap3A_227 = arith.index_cast %mul3A_197 : i32 to index
      %swap3A_228 = tpu.vector_load %arg7[%swap3A_225, %swap3A_226, %swap3A_227] {strides = array<i32>} : memref<2x3x128xi32, #tpu.memory_space<vmem>>, vector<16xi32>,
      tpu.vector_store %arg7[%swap3A_225, %swap3A_226, %swap3A_227], %add3A_222 {strides = array<i32>} : memref<2x3x128xi32, #tpu.memory_space<vmem>>, vector<16xi32>,
      %scan3A_229 = arith.constant 0 : i32
      scf.yield %scan3A_229 : i32
    }
    %scan3A_154 = arith.constant 8 : i32
    %dma_start3A_155 = arith.constant 1 : i32
    %dma_start3A_156 = arith.constant 0 : i32
    %dma_start3A_157 = arith.constant 0 : i32
    %dma_start3A_158 = arith.constant 0 : i32
    %dma_start3A_159 = tpu.memref_slice %arg15[%dma_start3A_157, %dma_start3A_158] : memref<128x64xi32, #tpu.memory_space<vmem>> -> memref<64x64xi32, #tpu.memory_space<vmem>>
    %dma_start3A_160 = arith.constant 0 : i32
    %dma_start3A_161 = tpu.memref_slice %arg7[%dma_start3A_155, %dma_start3A_156, %dma_start3A_160] : memref<2x3x128xi32, #tpu.memory_space<vmem>> -> memref<1x1x64xi32, #tpu.memory_space<vmem>>
    %dma_start3A_162 = tpu.memref_squeeze %dma_start3A_161 : memref<1x1x64xi32, #tpu.memory_space<vmem>> -> memref<64xi32, #tpu.memory_space<vmem>>
    %dma_start3A_163 = arith.constant 0 : i32
    %dma_start3A_164 = arith.constant 0 : i32
    %dma_start3A_165 = tpu.memref_slice %arg2[%dma_start3A_163, %dma_start3A_164] : memref<20000x64xi32, #tpu.memory_space<hbm>> -> memref<20000x64xi32, #tpu.memory_space<hbm>>
    tpu.enqueue_indirect_dma source(%dma_start3A_165 : memref<20000x64xi32, #tpu.memory_space<hbm>>) target(%dma_start3A_159 : memref<64x64xi32, #tpu.memory_space<vmem>>) offsets(%dma_start3A_162 : memref<64xi32, #tpu.memory_space<vmem>>) semaphore(%arg22 : memref<!tpu.dma_semaphore, #tpu.memory_space<semaphore_mem>>)
    %dma_start3A_166 = arith.constant 1 : i32
    %dma_start3A_167 = arith.constant 0 : i32
    %dma_start3A_168 = arith.constant 64 : i32
    %dma_start3A_169 = arith.constant 0 : i32
    %dma_start3A_170 = tpu.memref_slice %arg15[%dma_start3A_168, %dma_start3A_169] : memref<128x64xi32, #tpu.memory_space<vmem>> -> memref<64x64xi32, #tpu.memory_space<vmem>>
    %dma_start3A_171 = arith.constant 64 : i32
    %dma_start3A_172 = tpu.memref_slice %arg7[%dma_start3A_166, %dma_start3A_167, %dma_start3A_171] : memref<2x3x128xi32, #tpu.memory_space<vmem>> -> memref<1x1x64xi32, #tpu.memory_space<vmem>>
    %dma_start3A_173 = tpu.memref_squeeze %dma_start3A_172 : memref<1x1x64xi32, #tpu.memory_space<vmem>> -> memref<64xi32, #tpu.memory_space<vmem>>
    %dma_start3A_174 = arith.constant 0 : i32
    %dma_start3A_175 = arith.constant 0 : i32
    %dma_start3A_176 = tpu.memref_slice %arg2[%dma_start3A_174, %dma_start3A_175] : memref<20000x64xi32, #tpu.memory_space<hbm>> -> memref<20000x64xi32, #tpu.memory_space<hbm>>
    tpu.enqueue_indirect_dma source(%dma_start3A_176 : memref<20000x64xi32, #tpu.memory_space<hbm>>) target(%dma_start3A_170 : memref<64x64xi32, #tpu.memory_space<vmem>>) offsets(%dma_start3A_173 : memref<64xi32, #tpu.memory_space<vmem>>) semaphore(%arg22 : memref<!tpu.dma_semaphore, #tpu.memory_space<semaphore_mem>>)
    %scan3A_177 = arith.constant 0 : i32
    %scan3A_178 = arith.constant 0 : i32
    %scan3A_179 = arith.constant 84 : i32
    %scan3A_180 = arith.addi %scan3A_178, %scan3A_179 : i32
    %scan3A_181 = arith.constant 1 : i32
    %scan3A_182 = scf.for %scan3A_194 = %scan3A_178 to %scan3A_180 step %scan3A_181 iter_args(%scan3A_195 = %scan3A_177) -> (i32)  : i32 {
      %mul3A_196 = arith.constant 2 : i32
      %mul3A_197 = arith.muli %mul3A_196, %scan3A_194 : i32
      %dma_wait3A = arith.constant 0 : i32
      %dma_wait3A_198 = arith.constant 0 : i32
      %dma_wait3A_199 = arith.constant 0 : i32
      %dma_wait3A_200 = tpu.memref_slice %arg7[%dma_wait3A, %dma_wait3A_198, %dma_wait3A_199] : memref<2x3x128xi32, #tpu.memory_space<vmem>> -> memref<1x1x128xi32, #tpu.memory_space<vmem>>
      %dma_wait3A_201 = tpu.memref_squeeze %dma_wait3A_200 : memref<1x1x128xi32, #tpu.memory_space<vmem>> -> memref<128xi32, #tpu.memory_space<vmem>>
      %dma_wait3A_202 = arith.constant 0 : i32
      %dma_wait3A_203 = arith.constant 0 : i32
      %dma_wait3A_204 = tpu.memref_slice %arg2[%dma_wait3A_202, %dma_wait3A_203] : memref<20000x64xi32, #tpu.memory_space<hbm>> -> memref<20000x64xi32, #tpu.memory_space<hbm>>
      tpu.wait_indirect_dma semaphore(%arg21 : memref<!tpu.dma_semaphore, #tpu.memory_space<semaphore_mem>>) src(%dma_wait3A_204 : memref<20000x64xi32, #tpu.memory_space<hbm>>) dst(%arg14 : memref<128x64xi32, #tpu.memory_space<vmem>>)
      %scan3A_205 = arith.constant 0 : i32
      %scan3A_206 = arith.constant 0 : i32
      %scan3A_207 = arith.constant 128 : i32
      %scan3A_208 = arith.addi %scan3A_206, %scan3A_207 : i32
      %scan3A_209 = arith.constant 1 : i32
      %scan3A_210 = scf.for %scan3A_245 = %scan3A_206 to %scan3A_208 step %scan3A_209 iter_args(%scan3A_246 = %scan3A_205) -> (i32)  : i32 {
        %broadcast_in_dim3A_247 = vector.broadcast %scan3A_245 : i32 to vector<16xi32>
        %gather3A = tpu.vector_load_idx %arg10[%broadcast_in_dim3A_247] : memref<128xf32, #tpu.memory_space<vmem>>[vector<16xi32>], vector<16xf32>,
        %get3A = arith.index_cast %scan3A_245 : i32 to index
        %get3A_248 = arith.constant 0 : index
        %get3A_249 = tpu.vector_load %arg14[%get3A, %get3A_248] {strides = array<i32>} : memref<128x64xi32, #tpu.memory_space<vmem>>, vector<16xi32>,
        %shift_left3A = arith.constant 16 : i32
        %shift_left3A_250 = vector.broadcast %shift_left3A : i32 to vector<16xi32>
        %shift_left3A_251 = arith.shli %get3A_249, %shift_left3A_250 : vector<16xi32>
        %bitcast_convert_type3A = tpu.bitcast %shift_left3A_251 : vector<16xi32> -> vector<16xf32>
        %and3A = arith.andi %get3A_249, %broadcast_in_dim3A_115 : vector<16xi32>
        %bitcast_convert_type3A_252 = tpu.bitcast %and3A : vector<16xi32> -> vector<16xf32>
        %mul3A_253 = arith.mulf %bitcast_convert_type3A, %gather3A : vector<16xf32>
        %swap3A = arith.index_cast %scan3A_245 : i32 to index
        %swap3A_254 = arith.constant 0 : index
        %swap3A_255 = tpu.vector_load %arg16[%swap3A, %swap3A_254] {strides = array<i32>} : memref<128x128xf32, #tpu.memory_space<vmem>>, vector<16xf32>,
        tpu.vector_store %arg16[%swap3A, %swap3A_254], %mul3A_253 {strides = array<i32>} : memref<128x128xf32, #tpu.memory_space<vmem>>, vector<16xf32>,
        %mul3A_256 = arith.mulf %bitcast_convert_type3A_252, %gather3A : vector<16xf32>
        %swap3A_257 = arith.index_cast %scan3A_245 : i32 to index
        %swap3A_258 = arith.constant 64 : index
        %swap3A_259 = tpu.vector_load %arg16[%swap3A_257, %swap3A_258] {strides = array<i32>} : memref<128x128xf32, #tpu.memory_space<vmem>>, vector<16xf32>,
        tpu.vector_store %arg16[%swap3A_257, %swap3A_258], %mul3A_256 {strides = array<i32>} : memref<128x128xf32, #tpu.memory_space<vmem>>, vector<16xf32>,
        %get3A_260 = arith.index_cast %scan3A_245 : i32 to index
        %get3A_261 = arith.constant 16 : index
        %get3A_262 = tpu.vector_load %arg14[%get3A_260, %get3A_261] {strides = array<i32>} : memref<128x64xi32, #tpu.memory_space<vmem>>, vector<16xi32>,
        %shift_left3A_263 = arith.constant 16 : i32
        %shift_left3A_264 = vector.broadcast %shift_left3A_263 : i32 to vector<16xi32>
        %shift_left3A_265 = arith.shli %get3A_262, %shift_left3A_264 : vector<16xi32>
        %bitcast_convert_type3A_266 = tpu.bitcast %shift_left3A_265 : vector<16xi32> -> vector<16xf32>
        %and3A_267 = arith.andi %get3A_262, %broadcast_in_dim3A_115 : vector<16xi32>
        %bitcast_convert_type3A_268 = tpu.bitcast %and3A_267 : vector<16xi32> -> vector<16xf32>
        %mul3A_269 = arith.mulf %bitcast_convert_type3A_266, %gather3A : vector<16xf32>
        %swap3A_270 = arith.index_cast %scan3A_245 : i32 to index
        %swap3A_271 = arith.constant 16 : index
        %swap3A_272 = tpu.vector_load %arg16[%swap3A_270, %swap3A_271] {strides = array<i32>} : memref<128x128xf32, #tpu.memory_space<vmem>>, vector<16xf32>,
        tpu.vector_store %arg16[%swap3A_270, %swap3A_271], %mul3A_269 {strides = array<i32>} : memref<128x128xf32, #tpu.memory_space<vmem>>, vector<16xf32>,
        %mul3A_273 = arith.mulf %bitcast_convert_type3A_268, %gather3A : vector<16xf32>
        %swap3A_274 = arith.index_cast %scan3A_245 : i32 to index
        %swap3A_275 = arith.constant 80 : index
        %swap3A_276 = tpu.vector_load %arg16[%swap3A_274, %swap3A_275] {strides = array<i32>} : memref<128x128xf32, #tpu.memory_space<vmem>>, vector<16xf32>,
        tpu.vector_store %arg16[%swap3A_274, %swap3A_275], %mul3A_273 {strides = array<i32>} : memref<128x128xf32, #tpu.memory_space<vmem>>, vector<16xf32>,
        %get3A_277 = arith.index_cast %scan3A_245 : i32 to index
        %get3A_278 = arith.constant 32 : index
        %get3A_279 = tpu.vector_load %arg14[%get3A_277, %get3A_278] {strides = array<i32>} : memref<128x64xi32, #tpu.memory_space<vmem>>, vector<16xi32>,
        %shift_left3A_280 = arith.constant 16 : i32
        %shift_left3A_281 = vector.broadcast %shift_left3A_280 : i32 to vector<16xi32>
        %shift_left3A_282 = arith.shli %get3A_279, %shift_left3A_281 : vector<16xi32>
        %bitcast_convert_type3A_283 = tpu.bitcast %shift_left3A_282 : vector<16xi32> -> vector<16xf32>
        %and3A_284 = arith.andi %get3A_279, %broadcast_in_dim3A_115 : vector<16xi32>
        %bitcast_convert_type3A_285 = tpu.bitcast %and3A_284 : vector<16xi32> -> vector<16xf32>
        %mul3A_286 = arith.mulf %bitcast_convert_type3A_283, %gather3A : vector<16xf32>
        %swap3A_287 = arith.index_cast %scan3A_245 : i32 to index
        %swap3A_288 = arith.constant 32 : index
        %swap3A_289 = tpu.vector_load %arg16[%swap3A_287, %swap3A_288] {strides = array<i32>} : memref<128x128xf32, #tpu.memory_space<vmem>>, vector<16xf32>,
        tpu.vector_store %arg16[%swap3A_287, %swap3A_288], %mul3A_286 {strides = array<i32>} : memref<128x128xf32, #tpu.memory_space<vmem>>, vector<16xf32>,
        %mul3A_290 = arith.mulf %bitcast_convert_type3A_285, %gather3A : vector<16xf32>
        %swap3A_291 = arith.index_cast %scan3A_245 : i32 to index
        %swap3A_292 = arith.constant 96 : index
        %swap3A_293 = tpu.vector_load %arg16[%swap3A_291, %swap3A_292] {strides = array<i32>} : memref<128x128xf32, #tpu.memory_space<vmem>>, vector<16xf32>,
        tpu.vector_store %arg16[%swap3A_291, %swap3A_292], %mul3A_290 {strides = array<i32>} : memref<128x128xf32, #tpu.memory_space<vmem>>, vector<16xf32>,
        %get3A_294 = arith.index_cast %scan3A_245 : i32 to index
        %get3A_295 = arith.constant 48 : index
        %get3A_296 = tpu.vector_load %arg14[%get3A_294, %get3A_295] {strides = array<i32>} : memref<128x64xi32, #tpu.memory_space<vmem>>, vector<16xi32>,
        %shift_left3A_297 = arith.constant 16 : i32
        %shift_left3A_298 = vector.broadcast %shift_left3A_297 : i32 to vector<16xi32>
        %shift_left3A_299 = arith.shli %get3A_296, %shift_left3A_298 : vector<16xi32>
        %bitcast_convert_type3A_300 = tpu.bitcast %shift_left3A_299 : vector<16xi32> -> vector<16xf32>
        %and3A_301 = arith.andi %get3A_296, %broadcast_in_dim3A_115 : vector<16xi32>
        %bitcast_convert_type3A_302 = tpu.bitcast %and3A_301 : vector<16xi32> -> vector<16xf32>
        %mul3A_303 = arith.mulf %bitcast_convert_type3A_300, %gather3A : vector<16xf32>
        %swap3A_304 = arith.index_cast %scan3A_245 : i32 to index
        %swap3A_305 = arith.constant 48 : index
        %swap3A_306 = tpu.vector_load %arg16[%swap3A_304, %swap3A_305] {strides = array<i32>} : memref<128x128xf32, #tpu.memory_space<vmem>>, vector<16xf32>,
        tpu.vector_store %arg16[%swap3A_304, %swap3A_305], %mul3A_303 {strides = array<i32>} : memref<128x128xf32, #tpu.memory_space<vmem>>, vector<16xf32>,
        %mul3A_307 = arith.mulf %bitcast_convert_type3A_302, %gather3A : vector<16xf32>
        %swap3A_308 = arith.index_cast %scan3A_245 : i32 to index
        %swap3A_309 = arith.constant 112 : index
        %swap3A_310 = tpu.vector_load %arg16[%swap3A_308, %swap3A_309] {strides = array<i32>} : memref<128x128xf32, #tpu.memory_space<vmem>>, vector<16xf32>,
        tpu.vector_store %arg16[%swap3A_308, %swap3A_309], %mul3A_307 {strides = array<i32>} : memref<128x128xf32, #tpu.memory_space<vmem>>, vector<16xf32>,
        %scan3A_311 = arith.constant 0 : i32
        scf.yield %scan3A_311 : i32
      }
      %scan3A_211 = arith.constant 128 : i32
      "tpu.region"() ({
        %run_scoped3A = tpu.sem_alloc : memref<!tpu.dma_semaphore, #tpu.memory_space<semaphore_mem>>
        %dma_start3A_245 = arith.constant 0 : i32
        %dma_start3A_246 = arith.constant 0 : i32
        %dma_start3A_247 = tpu.memref_slice %arg19[%dma_start3A_245, %dma_start3A_246] : memref<10240x128xf32, #tpu.memory_space<vmem_shared>> -> memref<10240x128xf32, #tpu.memory_space<vmem_shared>>
        tpu.enqueue_indirect_dma source(%arg16 : memref<128x128xf32, #tpu.memory_space<vmem>>) target(%dma_start3A_247 : memref<10240x128xf32, #tpu.memory_space<vmem_shared>>) offsets(%arg8 : memref<128xi32, #tpu.memory_space<vmem>>) semaphore(%run_scoped3A : memref<!tpu.dma_semaphore, #tpu.memory_space<semaphore_mem>>) {add = true}
        %dma_wait3A_248 = arith.constant 0 : i32
        %dma_wait3A_249 = arith.constant 0 : i32
        %dma_wait3A_250 = tpu.memref_slice %arg19[%dma_wait3A_248, %dma_wait3A_249] : memref<10240x128xf32, #tpu.memory_space<vmem_shared>> -> memref<10240x128xf32, #tpu.memory_space<vmem_shared>>
        tpu.wait_indirect_dma semaphore(%run_scoped3A : memref<!tpu.dma_semaphore, #tpu.memory_space<semaphore_mem>>) src(%arg16 : memref<128x128xf32, #tpu.memory_space<vmem>>) dst(%dma_wait3A_250 : memref<10240x128xf32, #tpu.memory_space<vmem_shared>>)
        tpu.yield
      }) : () -> ()
      %add3A_212 = arith.constant 2 : i32
      %add3A_213 = arith.addi %mul3A_197, %add3A_212 : i32
      %lt3A = arith.constant 168 : i32
      %lt3A_214 = arith.cmpi slt, %add3A_213, %lt3A : i32
      %convert_element_type3A_215 = arith.extui %lt3A_214 : i1 to i32
      %cond3A_216 = arith.constant 0 : i32
      %cond3A_217 = arith.cmpi ne, %convert_element_type3A_215, %cond3A_216 : i32
      scf.if %cond3A_217 {
        %add3A_245 = arith.constant 2 : i32
        %add3A_246 = arith.addi %mul3A_197, %add3A_245 : i32
        %mul3A_247 = arith.constant 168 : i32
        %mul3A_248 = arith.muli %arg1, %mul3A_247 : i32
        %add3A_249 = arith.addi %mul3A_248, %add3A_246 : i32
        "tpu.region"() ({
          %run_scoped3A = tpu.sem_alloc : memref<!tpu.dma_semaphore, #tpu.memory_space<semaphore_mem>>
          %dma_start3A_279 = arith.constant 0 : i32
          %dma_start3A_280 = arith.constant 0 : i32
          %dma_start3A_281 = tpu.memref_slice %arg3[%add3A_249, %dma_start3A_279, %dma_start3A_280] : memref<2688x3x128xi32, #tpu.memory_space<hbm>> -> memref<2x3x128xi32, #tpu.memory_space<hbm>>
          %dma_start3A_282 = arith.constant 0 : i32
          %dma_start3A_283 = arith.constant 0 : i32
          %dma_start3A_284 = tpu.memref_slice %arg3[%add3A_249, %dma_start3A_282, %dma_start3A_283] : memref<2688x3x128xi32, #tpu.memory_space<hbm>> -> memref<2x3x128xi32, #tpu.memory_space<hbm>>
          tpu.enqueue_dma source(%dma_start3A_284 : memref<2x3x128xi32, #tpu.memory_space<hbm>>) target(%arg7 : memref<2x3x128xi32, #tpu.memory_space<vmem>>) target_semaphore(%run_scoped3A : memref<!tpu.dma_semaphore, #tpu.memory_space<semaphore_mem>>)
          %dma_wait3A_285 = arith.constant 0 : i32
          %dma_wait3A_286 = arith.constant 0 : i32
          %dma_wait3A_287 = tpu.memref_slice %arg3[%add3A_249, %dma_wait3A_285, %dma_wait3A_286] : memref<2688x3x128xi32, #tpu.memory_space<hbm>> -> memref<2x3x128xi32, #tpu.memory_space<hbm>>
          %dma_wait3A_288 = arith.constant 0 : i32
          %dma_wait3A_289 = arith.constant 0 : i32
          %dma_wait3A_290 = tpu.memref_slice %arg3[%add3A_249, %dma_wait3A_288, %dma_wait3A_289] : memref<2688x3x128xi32, #tpu.memory_space<hbm>> -> memref<2x3x128xi32, #tpu.memory_space<hbm>>
          tpu.wait_dma2 semaphore(%run_scoped3A : memref<!tpu.dma_semaphore, #tpu.memory_space<semaphore_mem>>) src(%dma_wait3A_290 : memref<2x3x128xi32, #tpu.memory_space<hbm>>) dst(%arg7 : memref<2x3x128xi32, #tpu.memory_space<vmem>>)
          tpu.yield
        }) : () -> ()
        %scan3A_250 = arith.constant 0 : i32
        %scan3A_251 = arith.constant 0 : i32
        %scan3A_252 = arith.constant 8 : i32
        %scan3A_253 = arith.addi %scan3A_251, %scan3A_252 : i32
        %scan3A_254 = arith.constant 1 : i32
        %scan3A_255 = scf.for %scan3A_279 = %scan3A_251 to %scan3A_253 step %scan3A_254 iter_args(%scan3A_280 = %scan3A_250) -> (i32)  : i32 {
          %mul3A_281 = arith.constant 16 : i32
          %mul3A_282 = arith.muli %scan3A_279, %mul3A_281 : i32
          %get3A = arith.constant 0 : i32
          %get3A_283 = arith.constant 0 : i32
          %get3A_284 = arith.index_cast %get3A : i32 to index
          %get3A_285 = arith.index_cast %get3A_283 : i32 to index
          %get3A_286 = arith.index_cast %mul3A_282 : i32 to index
          %get3A_287 = tpu.vector_load %arg7[%get3A_284, %get3A_285, %get3A_286] {strides = array<i32>} : memref<2x3x128xi32, #tpu.memory_space<vmem>>, vector<16xi32>,
          %get3A_288 = arith.constant 0 : i32
          %get3A_289 = arith.constant 1 : i32
          %get3A_290 = arith.index_cast %get3A_288 : i32 to index
          %get3A_291 = arith.index_cast %get3A_289 : i32 to index
          %get3A_292 = arith.index_cast %mul3A_282 : i32 to index
          %get3A_293 = tpu.vector_load %arg7[%get3A_290, %get3A_291, %get3A_292] {strides = array<i32>} : memref<2x3x128xi32, #tpu.memory_space<vmem>>, vector<16xi32>,
          %get3A_294 = arith.constant 0 : i32
          %get3A_295 = arith.constant 2 : i32
          %get3A_296 = arith.index_cast %get3A_294 : i32 to index
          %get3A_297 = arith.index_cast %get3A_295 : i32 to index
          %get3A_298 = arith.index_cast %mul3A_282 : i32 to index
          %get3A_299 = tpu.vector_load %arg7[%get3A_296, %get3A_297, %get3A_298] {strides = array<i32>} : memref<2x3x128xi32, #tpu.memory_space<vmem>>, vector<16xi32>,
          %bitcast_convert_type3A = tpu.bitcast %get3A_299 : vector<16xi32> -> vector<16xf32>
          %gather3A = tpu.vector_load_idx %arg18[%get3A_287] : memref<10240xf32, #tpu.memory_space<vmem>>[vector<16xi32>], vector<16xf32>,
          %gather3A_300 = tpu.vector_load_idx %arg18[%get3A_293] : memref<10240xf32, #tpu.memory_space<vmem>>[vector<16xi32>], vector<16xf32>,
          %swap3A = arith.index_cast %mul3A_282 : i32 to index
          %swap3A_301 = tpu.vector_load %arg8[%swap3A] {strides = array<i32>} : memref<128xi32, #tpu.memory_space<vmem>>, vector<16xi32>,
          tpu.vector_store %arg8[%swap3A], %get3A_293 {strides = array<i32>} : memref<128xi32, #tpu.memory_space<vmem>>, vector<16xi32>,
          %mul3A_302 = arith.mulf %gather3A, %bitcast_convert_type3A : vector<16xf32>
          %mul3A_303 = arith.mulf %mul3A_302, %gather3A_300 : vector<16xf32>
          %swap3A_304 = arith.index_cast %mul3A_282 : i32 to index
          %swap3A_305 = tpu.vector_load %arg10[%swap3A_304] {strides = array<i32>} : memref<128xf32, #tpu.memory_space<vmem>>, vector<16xf32>,
          tpu.vector_store %arg10[%swap3A_304], %mul3A_303 {strides = array<i32>} : memref<128xf32, #tpu.memory_space<vmem>>, vector<16xf32>,
          %add3A_306 = vector.broadcast %mul3A_113 : i32 to vector<16xi32>
          %add3A_307 = arith.addi %get3A_287, %add3A_306 : vector<16xi32>
          %swap3A_308 = arith.constant 0 : i32
          %swap3A_309 = arith.constant 0 : i32
          %swap3A_310 = arith.index_cast %swap3A_308 : i32 to index
          %swap3A_311 = arith.index_cast %swap3A_309 : i32 to index
          %swap3A_312 = arith.index_cast %mul3A_282 : i32 to index
          %swap3A_313 = tpu.vector_load %arg7[%swap3A_310, %swap3A_311, %swap3A_312] {strides = array<i32>} : memref<2x3x128xi32, #tpu.memory_space<vmem>>, vector<16xi32>,
          tpu.vector_store %arg7[%swap3A_310, %swap3A_311, %swap3A_312], %add3A_307 {strides = array<i32>} : memref<2x3x128xi32, #tpu.memory_space<vmem>>, vector<16xi32>,
          %scan3A_314 = arith.constant 0 : i32
          scf.yield %scan3A_314 : i32
        }
        %scan3A_256 = arith.constant 8 : i32
        %dma_start3A_257 = arith.constant 0 : i32
        %dma_start3A_258 = arith.constant 0 : i32
        %dma_start3A_259 = arith.constant 0 : i32
        %dma_start3A_260 = arith.constant 0 : i32
        %dma_start3A_261 = tpu.memref_slice %arg14[%dma_start3A_259, %dma_start3A_260] : memref<128x64xi32, #tpu.memory_space<vmem>> -> memref<64x64xi32, #tpu.memory_space<vmem>>
        %dma_start3A_262 = arith.constant 0 : i32
        %dma_start3A_263 = tpu.memref_slice %arg7[%dma_start3A_257, %dma_start3A_258, %dma_start3A_262] : memref<2x3x128xi32, #tpu.memory_space<vmem>> -> memref<1x1x64xi32, #tpu.memory_space<vmem>>
        %dma_start3A_264 = tpu.memref_squeeze %dma_start3A_263 : memref<1x1x64xi32, #tpu.memory_space<vmem>> -> memref<64xi32, #tpu.memory_space<vmem>>
        %dma_start3A_265 = arith.constant 0 : i32
        %dma_start3A_266 = arith.constant 0 : i32
        %dma_start3A_267 = tpu.memref_slice %arg2[%dma_start3A_265, %dma_start3A_266] : memref<20000x64xi32, #tpu.memory_space<hbm>> -> memref<20000x64xi32, #tpu.memory_space<hbm>>
        tpu.enqueue_indirect_dma source(%dma_start3A_267 : memref<20000x64xi32, #tpu.memory_space<hbm>>) target(%dma_start3A_261 : memref<64x64xi32, #tpu.memory_space<vmem>>) offsets(%dma_start3A_264 : memref<64xi32, #tpu.memory_space<vmem>>) semaphore(%arg21 : memref<!tpu.dma_semaphore, #tpu.memory_space<semaphore_mem>>)
        %dma_start3A_268 = arith.constant 0 : i32
        %dma_start3A_269 = arith.constant 0 : i32
        %dma_start3A_270 = arith.constant 64 : i32
        %dma_start3A_271 = arith.constant 0 : i32
        %dma_start3A_272 = tpu.memref_slice %arg14[%dma_start3A_270, %dma_start3A_271] : memref<128x64xi32, #tpu.memory_space<vmem>> -> memref<64x64xi32, #tpu.memory_space<vmem>>
        %dma_start3A_273 = arith.constant 64 : i32
        %dma_start3A_274 = tpu.memref_slice %arg7[%dma_start3A_268, %dma_start3A_269, %dma_start3A_273] : memref<2x3x128xi32, #tpu.memory_space<vmem>> -> memref<1x1x64xi32, #tpu.memory_space<vmem>>
        %dma_start3A_275 = tpu.memref_squeeze %dma_start3A_274 : memref<1x1x64xi32, #tpu.memory_space<vmem>> -> memref<64xi32, #tpu.memory_space<vmem>>
        %dma_start3A_276 = arith.constant 0 : i32
        %dma_start3A_277 = arith.constant 0 : i32
        %dma_start3A_278 = tpu.memref_slice %arg2[%dma_start3A_276, %dma_start3A_277] : memref<20000x64xi32, #tpu.memory_space<hbm>> -> memref<20000x64xi32, #tpu.memory_space<hbm>>
        tpu.enqueue_indirect_dma source(%dma_start3A_278 : memref<20000x64xi32, #tpu.memory_space<hbm>>) target(%dma_start3A_272 : memref<64x64xi32, #tpu.memory_space<vmem>>) offsets(%dma_start3A_275 : memref<64xi32, #tpu.memory_space<vmem>>) semaphore(%arg21 : memref<!tpu.dma_semaphore, #tpu.memory_space<semaphore_mem>>)
      } else {
      }
      %mul3A_218 = arith.constant 2 : i32
      %mul3A_219 = arith.muli %mul3A_218, %scan3A_194 : i32
      %add3A_220 = arith.constant 1 : i32
      %add3A_221 = arith.addi %mul3A_219, %add3A_220 : i32
      %dma_wait3A_222 = arith.constant 1 : i32
      %dma_wait3A_223 = arith.constant 0 : i32
      %dma_wait3A_224 = arith.constant 0 : i32
      %dma_wait3A_225 = tpu.memref_slice %arg7[%dma_wait3A_222, %dma_wait3A_223, %dma_wait3A_224] : memref<2x3x128xi32, #tpu.memory_space<vmem>> -> memref<1x1x128xi32, #tpu.memory_space<vmem>>
      %dma_wait3A_226 = tpu.memref_squeeze %dma_wait3A_225 : memref<1x1x128xi32, #tpu.memory_space<vmem>> -> memref<128xi32, #tpu.memory_space<vmem>>
      %dma_wait3A_227 = arith.constant 0 : i32
      %dma_wait3A_228 = arith.constant 0 : i32
      %dma_wait3A_229 = tpu.memref_slice %arg2[%dma_wait3A_227, %dma_wait3A_228] : memref<20000x64xi32, #tpu.memory_space<hbm>> -> memref<20000x64xi32, #tpu.memory_space<hbm>>
      tpu.wait_indirect_dma semaphore(%arg22 : memref<!tpu.dma_semaphore, #tpu.memory_space<semaphore_mem>>) src(%dma_wait3A_229 : memref<20000x64xi32, #tpu.memory_space<hbm>>) dst(%arg15 : memref<128x64xi32, #tpu.memory_space<vmem>>)
      %scan3A_230 = arith.constant 0 : i32
      %scan3A_231 = arith.constant 0 : i32
      %scan3A_232 = arith.constant 128 : i32
      %scan3A_233 = arith.addi %scan3A_231, %scan3A_232 : i32
      %scan3A_234 = arith.constant 1 : i32
      %scan3A_235 = scf.for %scan3A_245 = %scan3A_231 to %scan3A_233 step %scan3A_234 iter_args(%scan3A_246 = %scan3A_230) -> (i32)  : i32 {
        %broadcast_in_dim3A_247 = vector.broadcast %scan3A_245 : i32 to vector<16xi32>
        %gather3A = tpu.vector_load_idx %arg11[%broadcast_in_dim3A_247] : memref<128xf32, #tpu.memory_space<vmem>>[vector<16xi32>], vector<16xf32>,
        %get3A = arith.index_cast %scan3A_245 : i32 to index
        %get3A_248 = arith.constant 0 : index
        %get3A_249 = tpu.vector_load %arg15[%get3A, %get3A_248] {strides = array<i32>} : memref<128x64xi32, #tpu.memory_space<vmem>>, vector<16xi32>,
        %shift_left3A = arith.constant 16 : i32
        %shift_left3A_250 = vector.broadcast %shift_left3A : i32 to vector<16xi32>
        %shift_left3A_251 = arith.shli %get3A_249, %shift_left3A_250 : vector<16xi32>
        %bitcast_convert_type3A = tpu.bitcast %shift_left3A_251 : vector<16xi32> -> vector<16xf32>
        %and3A = arith.andi %get3A_249, %broadcast_in_dim3A_115 : vector<16xi32>
        %bitcast_convert_type3A_252 = tpu.bitcast %and3A : vector<16xi32> -> vector<16xf32>
        %mul3A_253 = arith.mulf %bitcast_convert_type3A, %gather3A : vector<16xf32>
        %swap3A = arith.index_cast %scan3A_245 : i32 to index
        %swap3A_254 = arith.constant 0 : index
        %swap3A_255 = tpu.vector_load %arg16[%swap3A, %swap3A_254] {strides = array<i32>} : memref<128x128xf32, #tpu.memory_space<vmem>>, vector<16xf32>,
        tpu.vector_store %arg16[%swap3A, %swap3A_254], %mul3A_253 {strides = array<i32>} : memref<128x128xf32, #tpu.memory_space<vmem>>, vector<16xf32>,
        %mul3A_256 = arith.mulf %bitcast_convert_type3A_252, %gather3A : vector<16xf32>
        %swap3A_257 = arith.index_cast %scan3A_245 : i32 to index
        %swap3A_258 = arith.constant 64 : index
        %swap3A_259 = tpu.vector_load %arg16[%swap3A_257, %swap3A_258] {strides = array<i32>} : memref<128x128xf32, #tpu.memory_space<vmem>>, vector<16xf32>,
        tpu.vector_store %arg16[%swap3A_257, %swap3A_258], %mul3A_256 {strides = array<i32>} : memref<128x128xf32, #tpu.memory_space<vmem>>, vector<16xf32>,
        %get3A_260 = arith.index_cast %scan3A_245 : i32 to index
        %get3A_261 = arith.constant 16 : index
        %get3A_262 = tpu.vector_load %arg15[%get3A_260, %get3A_261] {strides = array<i32>} : memref<128x64xi32, #tpu.memory_space<vmem>>, vector<16xi32>,
        %shift_left3A_263 = arith.constant 16 : i32
        %shift_left3A_264 = vector.broadcast %shift_left3A_263 : i32 to vector<16xi32>
        %shift_left3A_265 = arith.shli %get3A_262, %shift_left3A_264 : vector<16xi32>
        %bitcast_convert_type3A_266 = tpu.bitcast %shift_left3A_265 : vector<16xi32> -> vector<16xf32>
        %and3A_267 = arith.andi %get3A_262, %broadcast_in_dim3A_115 : vector<16xi32>
        %bitcast_convert_type3A_268 = tpu.bitcast %and3A_267 : vector<16xi32> -> vector<16xf32>
        %mul3A_269 = arith.mulf %bitcast_convert_type3A_266, %gather3A : vector<16xf32>
        %swap3A_270 = arith.index_cast %scan3A_245 : i32 to index
        %swap3A_271 = arith.constant 16 : index
        %swap3A_272 = tpu.vector_load %arg16[%swap3A_270, %swap3A_271] {strides = array<i32>} : memref<128x128xf32, #tpu.memory_space<vmem>>, vector<16xf32>,
        tpu.vector_store %arg16[%swap3A_270, %swap3A_271], %mul3A_269 {strides = array<i32>} : memref<128x128xf32, #tpu.memory_space<vmem>>, vector<16xf32>,
        %mul3A_273 = arith.mulf %bitcast_convert_type3A_268, %gather3A : vector<16xf32>
        %swap3A_274 = arith.index_cast %scan3A_245 : i32 to index
        %swap3A_275 = arith.constant 80 : index
        %swap3A_276 = tpu.vector_load %arg16[%swap3A_274, %swap3A_275] {strides = array<i32>} : memref<128x128xf32, #tpu.memory_space<vmem>>, vector<16xf32>,
        tpu.vector_store %arg16[%swap3A_274, %swap3A_275], %mul3A_273 {strides = array<i32>} : memref<128x128xf32, #tpu.memory_space<vmem>>, vector<16xf32>,
        %get3A_277 = arith.index_cast %scan3A_245 : i32 to index
        %get3A_278 = arith.constant 32 : index
        %get3A_279 = tpu.vector_load %arg15[%get3A_277, %get3A_278] {strides = array<i32>} : memref<128x64xi32, #tpu.memory_space<vmem>>, vector<16xi32>,
        %shift_left3A_280 = arith.constant 16 : i32
        %shift_left3A_281 = vector.broadcast %shift_left3A_280 : i32 to vector<16xi32>
        %shift_left3A_282 = arith.shli %get3A_279, %shift_left3A_281 : vector<16xi32>
        %bitcast_convert_type3A_283 = tpu.bitcast %shift_left3A_282 : vector<16xi32> -> vector<16xf32>
        %and3A_284 = arith.andi %get3A_279, %broadcast_in_dim3A_115 : vector<16xi32>
        %bitcast_convert_type3A_285 = tpu.bitcast %and3A_284 : vector<16xi32> -> vector<16xf32>
        %mul3A_286 = arith.mulf %bitcast_convert_type3A_283, %gather3A : vector<16xf32>
        %swap3A_287 = arith.index_cast %scan3A_245 : i32 to index
        %swap3A_288 = arith.constant 32 : index
        %swap3A_289 = tpu.vector_load %arg16[%swap3A_287, %swap3A_288] {strides = array<i32>} : memref<128x128xf32, #tpu.memory_space<vmem>>, vector<16xf32>,
        tpu.vector_store %arg16[%swap3A_287, %swap3A_288], %mul3A_286 {strides = array<i32>} : memref<128x128xf32, #tpu.memory_space<vmem>>, vector<16xf32>,
        %mul3A_290 = arith.mulf %bitcast_convert_type3A_285, %gather3A : vector<16xf32>
        %swap3A_291 = arith.index_cast %scan3A_245 : i32 to index
        %swap3A_292 = arith.constant 96 : index
        %swap3A_293 = tpu.vector_load %arg16[%swap3A_291, %swap3A_292] {strides = array<i32>} : memref<128x128xf32, #tpu.memory_space<vmem>>, vector<16xf32>,
        tpu.vector_store %arg16[%swap3A_291, %swap3A_292], %mul3A_290 {strides = array<i32>} : memref<128x128xf32, #tpu.memory_space<vmem>>, vector<16xf32>,
        %get3A_294 = arith.index_cast %scan3A_245 : i32 to index
        %get3A_295 = arith.constant 48 : index
        %get3A_296 = tpu.vector_load %arg15[%get3A_294, %get3A_295] {strides = array<i32>} : memref<128x64xi32, #tpu.memory_space<vmem>>, vector<16xi32>,
        %shift_left3A_297 = arith.constant 16 : i32
        %shift_left3A_298 = vector.broadcast %shift_left3A_297 : i32 to vector<16xi32>
        %shift_left3A_299 = arith.shli %get3A_296, %shift_left3A_298 : vector<16xi32>
        %bitcast_convert_type3A_300 = tpu.bitcast %shift_left3A_299 : vector<16xi32> -> vector<16xf32>
        %and3A_301 = arith.andi %get3A_296, %broadcast_in_dim3A_115 : vector<16xi32>
        %bitcast_convert_type3A_302 = tpu.bitcast %and3A_301 : vector<16xi32> -> vector<16xf32>
        %mul3A_303 = arith.mulf %bitcast_convert_type3A_300, %gather3A : vector<16xf32>
        %swap3A_304 = arith.index_cast %scan3A_245 : i32 to index
        %swap3A_305 = arith.constant 48 : index
        %swap3A_306 = tpu.vector_load %arg16[%swap3A_304, %swap3A_305] {strides = array<i32>} : memref<128x128xf32, #tpu.memory_space<vmem>>, vector<16xf32>,
        tpu.vector_store %arg16[%swap3A_304, %swap3A_305], %mul3A_303 {strides = array<i32>} : memref<128x128xf32, #tpu.memory_space<vmem>>, vector<16xf32>,
        %mul3A_307 = arith.mulf %bitcast_convert_type3A_302, %gather3A : vector<16xf32>
        %swap3A_308 = arith.index_cast %scan3A_245 : i32 to index
        %swap3A_309 = arith.constant 112 : index
        %swap3A_310 = tpu.vector_load %arg16[%swap3A_308, %swap3A_309] {strides = array<i32>} : memref<128x128xf32, #tpu.memory_space<vmem>>, vector<16xf32>,
        tpu.vector_store %arg16[%swap3A_308, %swap3A_309], %mul3A_307 {strides = array<i32>} : memref<128x128xf32, #tpu.memory_space<vmem>>, vector<16xf32>,
        %scan3A_311 = arith.constant 0 : i32
        scf.yield %scan3A_311 : i32
      }
      %scan3A_236 = arith.constant 128 : i32
      "tpu.region"() ({
        %run_scoped3A = tpu.sem_alloc : memref<!tpu.dma_semaphore, #tpu.memory_space<semaphore_mem>>
        %dma_start3A_245 = arith.constant 0 : i32
        %dma_start3A_246 = arith.constant 0 : i32
        %dma_start3A_247 = tpu.memref_slice %arg19[%dma_start3A_245, %dma_start3A_246] : memref<10240x128xf32, #tpu.memory_space<vmem_shared>> -> memref<10240x128xf32, #tpu.memory_space<vmem_shared>>
        tpu.enqueue_indirect_dma source(%arg16 : memref<128x128xf32, #tpu.memory_space<vmem>>) target(%dma_start3A_247 : memref<10240x128xf32, #tpu.memory_space<vmem_shared>>) offsets(%arg9 : memref<128xi32, #tpu.memory_space<vmem>>) semaphore(%run_scoped3A : memref<!tpu.dma_semaphore, #tpu.memory_space<semaphore_mem>>) {add = true}
        %dma_wait3A_248 = arith.constant 0 : i32
        %dma_wait3A_249 = arith.constant 0 : i32
        %dma_wait3A_250 = tpu.memref_slice %arg19[%dma_wait3A_248, %dma_wait3A_249] : memref<10240x128xf32, #tpu.memory_space<vmem_shared>> -> memref<10240x128xf32, #tpu.memory_space<vmem_shared>>
        tpu.wait_indirect_dma semaphore(%run_scoped3A : memref<!tpu.dma_semaphore, #tpu.memory_space<semaphore_mem>>) src(%arg16 : memref<128x128xf32, #tpu.memory_space<vmem>>) dst(%dma_wait3A_250 : memref<10240x128xf32, #tpu.memory_space<vmem_shared>>)
        tpu.yield
      }) : () -> ()
      %add3A_237 = arith.constant 2 : i32
      %add3A_238 = arith.addi %add3A_221, %add3A_237 : i32
      %lt3A_239 = arith.constant 168 : i32
      %lt3A_240 = arith.cmpi slt, %add3A_238, %lt3A_239 : i32
      %convert_element_type3A_241 = arith.extui %lt3A_240 : i1 to i32
      %cond3A_242 = arith.constant 0 : i32
      %cond3A_243 = arith.cmpi ne, %convert_element_type3A_241, %cond3A_242 : i32
      scf.if %cond3A_243 {
        %add3A_245 = arith.constant 2 : i32
        %add3A_246 = arith.addi %add3A_221, %add3A_245 : i32
        %scan3A_247 = arith.constant 0 : i32
        %scan3A_248 = arith.constant 0 : i32
        %scan3A_249 = arith.constant 8 : i32
        %scan3A_250 = arith.addi %scan3A_248, %scan3A_249 : i32
        %scan3A_251 = arith.constant 1 : i32
        %scan3A_252 = scf.for %scan3A_276 = %scan3A_248 to %scan3A_250 step %scan3A_251 iter_args(%scan3A_277 = %scan3A_247) -> (i32)  : i32 {
          %mul3A_278 = arith.constant 16 : i32
          %mul3A_279 = arith.muli %scan3A_276, %mul3A_278 : i32
          %get3A = arith.constant 1 : i32
          %get3A_280 = arith.constant 0 : i32
          %get3A_281 = arith.index_cast %get3A : i32 to index
          %get3A_282 = arith.index_cast %get3A_280 : i32 to index
          %get3A_283 = arith.index_cast %mul3A_279 : i32 to index
          %get3A_284 = tpu.vector_load %arg7[%get3A_281, %get3A_282, %get3A_283] {strides = array<i32>} : memref<2x3x128xi32, #tpu.memory_space<vmem>>, vector<16xi32>,
          %get3A_285 = arith.constant 1 : i32
          %get3A_286 = arith.constant 1 : i32
          %get3A_287 = arith.index_cast %get3A_285 : i32 to index
          %get3A_288 = arith.index_cast %get3A_286 : i32 to index
          %get3A_289 = arith.index_cast %mul3A_279 : i32 to index
          %get3A_290 = tpu.vector_load %arg7[%get3A_287, %get3A_288, %get3A_289] {strides = array<i32>} : memref<2x3x128xi32, #tpu.memory_space<vmem>>, vector<16xi32>,
          %get3A_291 = arith.constant 1 : i32
          %get3A_292 = arith.constant 2 : i32
          %get3A_293 = arith.index_cast %get3A_291 : i32 to index
          %get3A_294 = arith.index_cast %get3A_292 : i32 to index
          %get3A_295 = arith.index_cast %mul3A_279 : i32 to index
          %get3A_296 = tpu.vector_load %arg7[%get3A_293, %get3A_294, %get3A_295] {strides = array<i32>} : memref<2x3x128xi32, #tpu.memory_space<vmem>>, vector<16xi32>,
          %bitcast_convert_type3A = tpu.bitcast %get3A_296 : vector<16xi32> -> vector<16xf32>
          %gather3A = tpu.vector_load_idx %arg18[%get3A_284] : memref<10240xf32, #tpu.memory_space<vmem>>[vector<16xi32>], vector<16xf32>,
          %gather3A_297 = tpu.vector_load_idx %arg18[%get3A_290] : memref<10240xf32, #tpu.memory_space<vmem>>[vector<16xi32>], vector<16xf32>,
          %swap3A = arith.index_cast %mul3A_279 : i32 to index
          %swap3A_298 = tpu.vector_load %arg9[%swap3A] {strides = array<i32>} : memref<128xi32, #tpu.memory_space<vmem>>, vector<16xi32>,
          tpu.vector_store %arg9[%swap3A], %get3A_290 {strides = array<i32>} : memref<128xi32, #tpu.memory_space<vmem>>, vector<16xi32>,
          %mul3A_299 = arith.mulf %gather3A, %bitcast_convert_type3A : vector<16xf32>
          %mul3A_300 = arith.mulf %mul3A_299, %gather3A_297 : vector<16xf32>
          %swap3A_301 = arith.index_cast %mul3A_279 : i32 to index
          %swap3A_302 = tpu.vector_load %arg11[%swap3A_301] {strides = array<i32>} : memref<128xf32, #tpu.memory_space<vmem>>, vector<16xf32>,
          tpu.vector_store %arg11[%swap3A_301], %mul3A_300 {strides = array<i32>} : memref<128xf32, #tpu.memory_space<vmem>>, vector<16xf32>,
          %add3A_303 = vector.broadcast %mul3A_113 : i32 to vector<16xi32>
          %add3A_304 = arith.addi %get3A_284, %add3A_303 : vector<16xi32>
          %swap3A_305 = arith.constant 1 : i32
          %swap3A_306 = arith.constant 0 : i32
          %swap3A_307 = arith.index_cast %swap3A_305 : i32 to index
          %swap3A_308 = arith.index_cast %swap3A_306 : i32 to index
          %swap3A_309 = arith.index_cast %mul3A_279 : i32 to index
          %swap3A_310 = tpu.vector_load %arg7[%swap3A_307, %swap3A_308, %swap3A_309] {strides = array<i32>} : memref<2x3x128xi32, #tpu.memory_space<vmem>>, vector<16xi32>,
          tpu.vector_store %arg7[%swap3A_307, %swap3A_308, %swap3A_309], %add3A_304 {strides = array<i32>} : memref<2x3x128xi32, #tpu.memory_space<vmem>>, vector<16xi32>,
          %scan3A_311 = arith.constant 0 : i32
          scf.yield %scan3A_311 : i32
        }
        %scan3A_253 = arith.constant 8 : i32
        %dma_start3A_254 = arith.constant 1 : i32
        %dma_start3A_255 = arith.constant 0 : i32
        %dma_start3A_256 = arith.constant 0 : i32
        %dma_start3A_257 = arith.constant 0 : i32
        %dma_start3A_258 = tpu.memref_slice %arg15[%dma_start3A_256, %dma_start3A_257] : memref<128x64xi32, #tpu.memory_space<vmem>> -> memref<64x64xi32, #tpu.memory_space<vmem>>
        %dma_start3A_259 = arith.constant 0 : i32
        %dma_start3A_260 = tpu.memref_slice %arg7[%dma_start3A_254, %dma_start3A_255, %dma_start3A_259] : memref<2x3x128xi32, #tpu.memory_space<vmem>> -> memref<1x1x64xi32, #tpu.memory_space<vmem>>
        %dma_start3A_261 = tpu.memref_squeeze %dma_start3A_260 : memref<1x1x64xi32, #tpu.memory_space<vmem>> -> memref<64xi32, #tpu.memory_space<vmem>>
        %dma_start3A_262 = arith.constant 0 : i32
        %dma_start3A_263 = arith.constant 0 : i32
        %dma_start3A_264 = tpu.memref_slice %arg2[%dma_start3A_262, %dma_start3A_263] : memref<20000x64xi32, #tpu.memory_space<hbm>> -> memref<20000x64xi32, #tpu.memory_space<hbm>>
        tpu.enqueue_indirect_dma source(%dma_start3A_264 : memref<20000x64xi32, #tpu.memory_space<hbm>>) target(%dma_start3A_258 : memref<64x64xi32, #tpu.memory_space<vmem>>) offsets(%dma_start3A_261 : memref<64xi32, #tpu.memory_space<vmem>>) semaphore(%arg22 : memref<!tpu.dma_semaphore, #tpu.memory_space<semaphore_mem>>)
        %dma_start3A_265 = arith.constant 1 : i32
        %dma_start3A_266 = arith.constant 0 : i32
        %dma_start3A_267 = arith.constant 64 : i32
        %dma_start3A_268 = arith.constant 0 : i32
        %dma_start3A_269 = tpu.memref_slice %arg15[%dma_start3A_267, %dma_start3A_268] : memref<128x64xi32, #tpu.memory_space<vmem>> -> memref<64x64xi32, #tpu.memory_space<vmem>>
        %dma_start3A_270 = arith.constant 64 : i32
        %dma_start3A_271 = tpu.memref_slice %arg7[%dma_start3A_265, %dma_start3A_266, %dma_start3A_270] : memref<2x3x128xi32, #tpu.memory_space<vmem>> -> memref<1x1x64xi32, #tpu.memory_space<vmem>>
        %dma_start3A_272 = tpu.memref_squeeze %dma_start3A_271 : memref<1x1x64xi32, #tpu.memory_space<vmem>> -> memref<64xi32, #tpu.memory_space<vmem>>
        %dma_start3A_273 = arith.constant 0 : i32
        %dma_start3A_274 = arith.constant 0 : i32
        %dma_start3A_275 = tpu.memref_slice %arg2[%dma_start3A_273, %dma_start3A_274] : memref<20000x64xi32, #tpu.memory_space<hbm>> -> memref<20000x64xi32, #tpu.memory_space<hbm>>
        tpu.enqueue_indirect_dma source(%dma_start3A_275 : memref<20000x64xi32, #tpu.memory_space<hbm>>) target(%dma_start3A_269 : memref<64x64xi32, #tpu.memory_space<vmem>>) offsets(%dma_start3A_272 : memref<64xi32, #tpu.memory_space<vmem>>) semaphore(%arg22 : memref<!tpu.dma_semaphore, #tpu.memory_space<semaphore_mem>>)
      } else {
      }
      %scan3A_244 = arith.constant 0 : i32
      scf.yield %scan3A_244 : i32
    }
    %scan3A_183 = arith.constant 84 : i32
    %barrier3A_184 = arith.constant 0 : index
    tpu.barrier barrier_id(%barrier3A_184)
    %mul3A_185 = arith.constant 624 : i32
    %mul3A_186 = arith.muli %arg1, %mul3A_185 : i32
    %mul3A_187 = arith.constant 10000 : i32
    %mul3A_188 = arith.muli %arg0, %mul3A_187 : i32
    %mul3A_189 = arith.constant 624 : i32
    %mul3A_190 = arith.muli %arg1, %mul3A_189 : i32
    %add3A_191 = arith.addi %mul3A_188, %mul3A_190 : i32
    "tpu.region"() ({
      %run_scoped3A = tpu.sem_alloc : memref<!tpu.dma_semaphore, #tpu.memory_space<semaphore_mem>>
      %dma_start3A_194 = arith.constant 0 : i32
      %dma_start3A_195 = tpu.memref_slice %arg6[%add3A_191, %dma_start3A_194] : memref<20000x128xf32, #tpu.memory_space<hbm>> -> memref<624x128xf32, #tpu.memory_space<hbm>>
      %dma_start3A_196 = arith.constant 0 : i32
      %dma_start3A_197 = tpu.memref_slice %arg19[%mul3A_186, %dma_start3A_196] : memref<10240x128xf32, #tpu.memory_space<vmem_shared>> -> memref<624x128xf32, #tpu.memory_space<vmem_shared>>
      tpu.enqueue_dma source(%dma_start3A_197 : memref<624x128xf32, #tpu.memory_space<vmem_shared>>) target(%dma_start3A_195 : memref<624x128xf32, #tpu.memory_space<hbm>>) target_semaphore(%run_scoped3A : memref<!tpu.dma_semaphore, #tpu.memory_space<semaphore_mem>>)
      %dma_wait3A = arith.constant 0 : i32
      %dma_wait3A_198 = tpu.memref_slice %arg6[%add3A_191, %dma_wait3A] : memref<20000x128xf32, #tpu.memory_space<hbm>> -> memref<624x128xf32, #tpu.memory_space<hbm>>
      %dma_wait3A_199 = arith.constant 0 : i32
      %dma_wait3A_200 = tpu.memref_slice %arg19[%mul3A_186, %dma_wait3A_199] : memref<10240x128xf32, #tpu.memory_space<vmem_shared>> -> memref<624x128xf32, #tpu.memory_space<vmem_shared>>
      tpu.wait_dma2 semaphore(%run_scoped3A : memref<!tpu.dma_semaphore, #tpu.memory_space<semaphore_mem>>) src(%dma_wait3A_200 : memref<624x128xf32, #tpu.memory_space<vmem_shared>>) dst(%dma_wait3A_198 : memref<624x128xf32, #tpu.memory_space<hbm>>)
      tpu.yield
    }) : () -> ()
    %eq3A = arith.constant 0 : i32
    %eq3A_192 = arith.cmpi eq, %arg1, %eq3A : i32
    %convert_element_type3A = arith.extui %eq3A_192 : i1 to i32
    %cond3A = arith.constant 0 : i32
    %cond3A_193 = arith.cmpi ne, %convert_element_type3A, %cond3A : i32
    scf.if %cond3A_193 {
      %mul3A_194 = arith.constant 10000 : i32
      %mul3A_195 = arith.muli %arg0, %mul3A_194 : i32
      %add3A_196 = arith.constant 9984 : i32
      %add3A_197 = arith.addi %mul3A_195, %add3A_196 : i32
      "tpu.region"() ({
        %run_scoped3A = tpu.sem_alloc : memref<!tpu.dma_semaphore, #tpu.memory_space<semaphore_mem>>
        %dma_start3A_198 = arith.constant 0 : i32
        %dma_start3A_199 = tpu.memref_slice %arg6[%add3A_197, %dma_start3A_198] : memref<20000x128xf32, #tpu.memory_space<hbm>> -> memref<16x128xf32, #tpu.memory_space<hbm>>
        %dma_start3A_200 = arith.constant 9984 : i32
        %dma_start3A_201 = arith.constant 0 : i32
        %dma_start3A_202 = tpu.memref_slice %arg19[%dma_start3A_200, %dma_start3A_201] : memref<10240x128xf32, #tpu.memory_space<vmem_shared>> -> memref<16x128xf32, #tpu.memory_space<vmem_shared>>
        tpu.enqueue_dma source(%dma_start3A_202 : memref<16x128xf32, #tpu.memory_space<vmem_shared>>) target(%dma_start3A_199 : memref<16x128xf32, #tpu.memory_space<hbm>>) target_semaphore(%run_scoped3A : memref<!tpu.dma_semaphore, #tpu.memory_space<semaphore_mem>>)
        %dma_wait3A = arith.constant 0 : i32
        %dma_wait3A_203 = tpu.memref_slice %arg6[%add3A_197, %dma_wait3A] : memref<20000x128xf32, #tpu.memory_space<hbm>> -> memref<16x128xf32, #tpu.memory_space<hbm>>
        %dma_wait3A_204 = arith.constant 9984 : i32
        %dma_wait3A_205 = arith.constant 0 : i32
        %dma_wait3A_206 = tpu.memref_slice %arg19[%dma_wait3A_204, %dma_wait3A_205] : memref<10240x128xf32, #tpu.memory_space<vmem_shared>> -> memref<16x128xf32, #tpu.memory_space<vmem_shared>>
        tpu.wait_dma2 semaphore(%run_scoped3A : memref<!tpu.dma_semaphore, #tpu.memory_space<semaphore_mem>>) src(%dma_wait3A_206 : memref<16x128xf32, #tpu.memory_space<vmem_shared>>) dst(%dma_wait3A_203 : memref<16x128xf32, #tpu.memory_space<hbm>>)
        tpu.yield
      }) : () -> ()
    } else {
    }
    return
  }
}

</mosaic_0001>

<sc_bundles>
// kernel: _sc_gcn.3.cloned.1.call-start
scs
__scs_entry_jumppad:
0x0: {  	(pc) =	sbr.rel $0x88, $3  }
0x1: {  	(tag) =	ssettag $0x0;
	lr =	simm.s32 $0x1  }
0x2: {  	[smem:$0x3F9D] =	sst lr;
	_ =	strace $0xD0000000  }
0x3: {  	_ = 	snop  }
0x4: {  	_ = 	snop  }
0x5: {  	_ = 	snop  }
0x6: {  	_ = 	snop  }
0x7: {  	_ = 	snop  }
__scs_overlays_trampoline_lowered:
0x8: {  	[smem:$0x3FAC] =	sst s0  }
0x9: {  	[smem:$0x3FAD] =	sst s1  }
0xa: {  	[smem:$0x3FAE] =	sst s2  }
0xb: {  	[smem:$0x3FAF] =	sst s3  }
0xc: {  	[smem:$0x3FB0] =	sst s4  }
0xd: {  	[smem:$0x3FB1] =	sst s5  }
0xe: {  	[smem:$0x3FB2] =	sst s6  }
0xf: {  	[smem:$0x3FB3] =	sst s7  }
0x10: {  	[smem:$0x3FB4] =	sst s8  }
0x11: {  	[smem:$0x3FB5] =	sst s9;
	s0 =	simm.s32 @!p0 $0x0  }
0x12: {  	s1 =	sld [smem:$0x3F9B];
	s0 =	simm.s32 @p0 $0x1  }
0x13: {  	[smem:$0x3FB6] =	sst s0;
	s0 =	simm.s32 @!p1 $0x0  }
0x14: {  	s2 =	sld [smem:$0x3F9A];
	s0 =	simm.s32 @p1 $0x1  }
0x15: {  	[smem:$0x3FB7] =	sst s0;
	s0 =	simm.s32 @!p2 $0x0  }
0x16: {  	s3 =	sld [smem:$0x3FDB];
	s0 =	simm.s32 @p2 $0x1  }
0x17: {  	s4 =	simm.s32 $0x1BF5;
	[smem:$0x3FB9] =	sst s0  }
0x18: {  	s0 =	sld [smem:$0x3F9C];
	_ =	swait.ge [sflag:s4], $0x0  }
0x19: {  	s7 =	sld [smem:$0x3F9D]  }
0x1a: {  	s8 =	sadd.s32 $0xFFFFE003, lr  }
0x1b: {  	s9 =	sadd.s32 $0xFFFFFEF7, lr;
	s5 =	simm.s32 $0xFFFFFFFF;
	p2 =	slt.u32 s8, $0xFFFFF086  }
0x1c: {  	p1 =	slt.u32 s9, $0xF7A;
	s5 =	simm.s32 @!p2 $0x0  }
0x1d: {  	s5 =	simm.s32 @p1 $0x1;
	p0 =	seq.s32 s7, s2  }
0x1e: {  	s7 =	smul.u32 @!p0 $0xF7A, s2;
	p2 =	seq.s32 @!p0 s5, $0x0  }
0x1f: {  	s9 =	smul.u32 $0xF7A, s1;
	s8 =	simm.s32 @!p0 $0x1BF5;
	p2 =	por !p2, p0  }
0x20: {  	[sflag:s8] =	ssyncset.s32 @!p0 $0xFFFFF086;
	s6 =	sadd.s32 @!p0 s3, s7;
	s7 =	simm.s32 @!p0 $0x108  }
0x21: {  	s3 =	sadd.s32 s3, s9;
	s6 =	sadd.s32 @!p0 $0x88, s6;
	s7 =	simm.s32 @p2 $0x1082  }
0x22: {  	[simem:s7], [sflag:s8] =	dma.local @!p0 [hbm:s6], $0xF7A  }
0x23: {  	s9 =	sor.u32 $0xD0000000, s2;
	s6 =	simm.s32 $0x108;
	_ =	swait.ge @!p0 [sflag:s8], $0x0  }
0x24: {  	s3 =	sadd.s32 $0x88, s3;
	s6 =	simm.s32 @!p1 $0x1082;
	[sflag:s4] =	ssyncset.s32 $0xFFFFF086  }
0x25: {  	[simem:s6], [sflag:s4] =	dma.local [hbm:s3], $0xF7A  }
0x26: {  	[smem:$0x3F9D] =	sst s1;
	(tag) =	ssettag s2;
	_ =	strace s9  }
0x27: {  	s1 =	sld [smem:$0x3FAD]  }
0x28: {  	s2 =	sld [smem:$0x3FAE]  }
0x29: {  	s4 =	sld [smem:$0x3FB0]  }
0x2a: {  	p0 =	seq.s32 s5, $0x0;
	s5 =	sld [smem:$0x3FB1]  }
0x2b: {  	s6 =	sld [smem:$0x3FB2]  }
0x2c: {  	s7 =	sld [smem:$0x3FB3]  }
0x2d: {  	s3 =	simm.s32 $0x108;
	s8 =	sld [smem:$0x3FB4]  }
0x2e: {  	s3 =	simm.s32 @!p0 $0x1082;
	s9 =	sld [smem:$0x3FB5]  }
0x2f: {  	lr =	sadd.s32 s0, s3;
	s0 =	sld [smem:$0x3FAC]  }
0x30: {  	s3 =	sld [smem:$0x3FAF]  }
0x31: {  	[smem:$0x3FB8] =	sst s10  }
0x32: {  	s10 =	sld [smem:$0x3FB6];
	_ =	sdelay $0x3  }
0x33: {  	p0 =	seq.s32 s10, $0x1;
	s10 =	sld [smem:$0x3FB8];
	_ =	sdelay $0x3  }
0x34: {  	[smem:$0x3FB8] =	sst s10  }
0x35: {  	s10 =	sld [smem:$0x3FB7];
	_ =	sdelay $0x3  }
0x36: {  	p1 =	seq.s32 s10, $0x1;
	s10 =	sld [smem:$0x3FB8];
	_ =	sdelay $0x3  }
0x37: {  	[smem:$0x3FB8] =	sst s10  }
0x38: {  	s10 =	sld [smem:$0x3FB9]  }
0x39: {  	_ = 	snop;
	(pc) =	sbr.ind lr, $3  }
0x3a: {  	_ = 	snop  }
0x3b: {  	_ = 	snop  }
0x3c: {  	p2 =	seq.s32 s10, $0x1;
	s10 =	sld [smem:$0x3FB8]  }
0x3d: {  	_ =	shalt  }
0x3e: {  	_ =	shalt  }
0x3f: {  	_ =	shalt  }
0x40: {  	_ =	shalt  }
0x41: {  	_ =	shalt  }
0x42: {  	_ =	shalt  }
0x43: {  	_ =	shalt  }
0x44: {  	_ =	shalt  }
0x45: {  	_ =	shalt  }
0x46: {  	_ =	shalt  }
0x47: {  	_ =	shalt  }
0x48: {  	_ =	shalt  }
0x49: {  	_ =	shalt  }
0x4a: {  	_ =	shalt  }
0x4b: {  	_ =	shalt  }
0x4c: {  	_ =	shalt  }
0x4d: {  	_ =	shalt  }
0x4e: {  	_ =	shalt  }
0x4f: {  	_ =	shalt  }
0x50: {  	_ =	shalt  }
0x51: {  	_ =	shalt  }
0x52: {  	_ =	shalt  }
0x53: {  	_ =	shalt  }
0x54: {  	_ =	shalt  }
0x55: {  	_ =	shalt  }
0x56: {  	_ =	shalt  }
0x57: {  	_ =	shalt  }
0x58: {  	_ =	shalt  }
0x59: {  	_ =	shalt  }
0x5a: {  	_ =	shalt  }
0x5b: {  	_ =	shalt  }
0x5c: {  	_ =	shalt  }
0x5d: {  	_ =	shalt  }
0x5e: {  	_ =	shalt  }
0x5f: {  	_ =	shalt  }
0x60: {  	_ =	shalt  }
0x61: {  	_ =	shalt  }
0x62: {  	_ =	shalt  }
0x63: {  	_ =	shalt  }
0x64: {  	_ =	shalt  }
0x65: {  	_ =	shalt  }
0x66: {  	_ =	shalt  }
0x67: {  	_ =	shalt  }
0x68: {  	_ =	shalt  }
0x69: {  	_ =	shalt  }
0x6a: {  	_ =	shalt  }
0x6b: {  	_ =	shalt  }
0x6c: {  	_ =	shalt  }
0x6d: {  	_ =	shalt  }
0x6e: {  	_ =	shalt  }
0x6f: {  	_ =	shalt  }
0x70: {  	_ =	shalt  }
0x71: {  	_ =	shalt  }
0x72: {  	_ =	shalt  }
0x73: {  	_ =	shalt  }
0x74: {  	_ =	shalt  }
0x75: {  	_ =	shalt  }
0x76: {  	_ =	shalt  }
0x77: {  	_ =	shalt  }
0x78: {  	_ =	shalt  }
0x79: {  	_ =	shalt  }
0x7a: {  	_ =	shalt  }
0x7b: {  	_ =	shalt  }
0x7c: {  	_ =	shalt  }
0x7d: {  	_ =	shalt  }
0x7e: {  	_ =	shalt  }
0x7f: {  	_ =	shalt  }
0x80: {  	_ =	shalt  }
0x81: {  	_ =	shalt  }
0x82: {  	_ =	shalt  }
0x83: {  	_ =	shalt  }
0x84: {  	_ =	shalt  }
0x85: {  	_ =	shalt  }
0x86: {  	_ =	shalt  }
0x87: {  	_ =	shalt  }
.Lfunc_end0:
.L_simem_size_0:
called_computation_lowered:
.L_overlay_start_0:
0x88: {  	s2 =	sld [smem:$0x3FD9]  }
0x89: {  	s3 =	sld [smem:$0x3FFE];
	_ =	sdelay $0x1  }
0x8a: {  	s1 =	srdreg.scid  }
0x8b: {  	s0 =	sand.u32 $0x1, s1  }
0x8c: {  	s17 =	sshll.u32 s0, $0xA;
	s2 =	sadd.s32 s3, s2  }
0x8d: {  	s2 =	sadd.s32 s2, s17  }
0x8e: {  	[smem:$0x3FC4] =	sst s2  }
0x8f: {  	_ = 	snop  }
0x90: {  	s2 =	sld [smem:$0x3FC7]  }
0x91: {  	s18 =	sld [smem:$0x3FC6]  }
0x92: {  	s4 =	sld [smem:$0x3FD0];
	(tm) =	ssettm $0x1  }
0x93: {  	s5 =	sld [smem:$0x3FFB];
	_ =	sdelay $0x3  }
0x94: {  	_ =	strace s5  }
0x95: {  	s5 =	sld [smem:$0x3FFC];
	_ =	sdelay $0x3  }
0x96: {  	_ =	strace s5  }
0x97: {  	s5 =	sld [smem:$0x3FFD];
	_ =	sdelay $0x3  }
0x98: {  	_ =	strace s5  }
0x99: {  	_ =	strace $0x8FFFFFFF  }
0x9a: {  	s19 =	sld [smem:$0x3FDB];
	_ =	sdelay $0x1  }
0x9b: {  	s6 =	simm.s32 $_scs_section_size  }
0x9c: {  	s7 =	simm.s32 $_size__tile_overlayer_lowered;
	s8 =	simm.s32 $_tile_overlayer_lowered  }
0x9d: {  	s22 =	simm.s32 $0x1BFF;
	s21 =	sshll.u32 s8, $0x1;
	s5 =	sadd.s32 s6, s19  }
0x9e: {  	s9 =	simm.s32 $0x0;
	s20 =	sshll.u32 s7, $0x1;
	s7 =	sadd.s32 s21, s5  }
0x9f: {  	[timem:s9], [sflag:s22] =	dma.local [hbm:s7], s20  }
0xa0: {  	_ =	swait.ge [sflag:s22], s20  }
0xa1: {  	s6 =	ssub.s32 $0x0, s20;
	[sflag:s22] =	ssyncset.done $0x0  }
0xa2: {  	[sflag:s22] =	ssyncadd.s32 s6;
	_ =	sdelay $0x1  }
0xa3: {  	s23 =	simm.s32 $0x1B8B  }
0xa4: {  	_ =	swait.ge [sflag:s23], $0x1  }
0xa5: {  	[sflag:s23] =	ssyncset.done $0x0  }
0xa6: {  	s25 =	simm.s32 $0x1B8E;
	s24 =	sld [smem:$0x3FFE];
	[sflag:s23] =	ssyncadd.s32 $0xFFFFFFFF  }
0xa7: {  	s26 =	simm.s32 $execute0_lowered;
	[smem:$0x3FD2] =	sst s25  }
0xa8: {  	s7 =	sshll.u32 s26, $0x1;
	_ =	strace $0x80000046;
	[dreg:$0x1] =	wrdreg $0xFFFFFFFF  }
0xa9: {  	s28 =	simm.s32 $_size_execute0_lowered;
	s5 =	sadd.s32 s5, s7;
	[dreg:$0x0] =	wrdreg $0x0  }
0xaa: {  	s7 =	sshll.u32 s28, $0x1;
	[dreg:$0x2] =	wrdreg s5  }
0xab: {  	[dreg:$0x3] =	wrdreg s7  }
0xac: {  	[dreg:$0x4] =	wrdreg $0xC0  }
0xad: {  	_ =	task [dreg:s9], $0x5FFFF  }
0xae: {  	[dreg:$0x1] =	wrdreg $0xFFFFFFFF  }
0xaf: {  	[dreg:$0x0] =	wrdreg $0x60  }
0xb0: {  	[dreg:$0x2] =	wrdreg s24  }
0xb1: {  	[dreg:$0x3] =	wrdreg s2  }
0xb2: {  	[dreg:$0x4] =	wrdreg s18  }
0xb3: {  	[dreg:$0x5] =	wrdreg s4  }
0xb4: {  	[dreg:$0x6] =	wrdreg $0xB9000  }
0xb5: {  	[dreg:$0x7] =	wrdreg $0x1F9000  }
0xb6: {  	[dreg:$0x8] =	wrdreg $0x9  }
0xb7: {  	_ =	task.clear_ibuf [dreg:s9], $0x9FFFF;
	_ =	strace $0x90000046  }
0xb8: {  	s29 =	simm.s32 $0x9;
	_ =	strace $0x80000048  }
0xb9: {  	_ =	swait.ge [sflag:s29], $0x1  }
0xba: {  	[sflag:s29] =	ssyncadd.s32 $0xFFFFFFFF  }
0xbb: {  	_ =	strace $0x90000048  }
0xbc: {  	_ =	sfence  }
0xbd: {  	s30 =	sld [smem:$0x0];
	_ =	sdelay $0x2  }
0xbe: {  	s31 =	sshll.u32 s1, $0xD;
	s1 =	sshrl.u32 s1, $0x2  }
0xbf: {  	s3 =	sand.u32 $0x4000, s31;
	s1 =	sadd.s32 s1, s30  }
0xc0: {  	s0 =	sor.u32 s3, s0;
	s1 =	sshll.u32 s1, $0x11  }
0xc1: {  	s0 =	sor.u32 s1, s0  }
0xc2: {  	s0 =	sadd.s32 $0x8F2B, s0  }
0xc3: {  	[sflag:s0] =	ssyncadd.remote.s32 $0x1  }
0xc4: {  	_ =	sfence.sel $0xFFFF  }
0xc5: {  	[dreg:$0x0] =	wrdreg $0xFFFFFFFF;
	(pc) =	sbr.abs _section_cstart, $3  }
0xc6: {  	[dreg:$0x1] =	wrdreg $0xFFFFFFFF  }
0xc7: {  	_ =	task.clear_ibuf [dreg:s9], $0x2FFFF;
	_ =	strace $0x9FFFFFFF  }
0xc8: {  	(tm) =	ssettm $0x7FFFFFFF  }
0xc9: {  	_ =	shalt  }
tec
execute0_lowered:
.L_overlay_start_1:
0x0: {  	(tag) =	ssettag $0x1  }
0x1: {  	s0 =	rddreg [dreg:$0x0]  }
0x2: {  	s1 =	rddreg [dreg:$0x1]  }
0x3: {  	s4 =	rddreg [dreg:$0x2]  }
0x4: {  	s5 =	rddreg [dreg:$0x3]  }
0x5: {  	s12 =	rddreg [dreg:$0x4]  }
0x6: {  	s2 =	rddreg [dreg:$0x5]  }
0x7: {  	s3 =	simm.s32 $0x0;
	s6 =	srdreg.scid;
	s13 =	stileid.u32  }
0x8: {  	s31 =	simm.s32 $0x980;
	s28 =	simm.s32 $0x880;
	s7 =	smul.u32 $0x50000, s13  }
0x9: {  	s29 =	simm.s32 $0xC80;
	s30 =	simm.s32 $0x3;
	s26 =	smul.u32 $0xA00, s13  }
0xa: {  	[smem:$0x7FF] =	sst s3;
	s6 =	sand.u32 $0x1, s6;
	s17 =	smul.u32 $0xA8, s13  }
0xb: {  	s14 =	sadd.s32 $0x1FE00, s0;
	s15 =	sadd.s32 $0x600, s0;
	s18 =	smul.u32 $0x270, s13  }
0xc: {  	s19 =	sadd.s32 $0x400, s2;
	s20 =	sadd.s32 $0x800, s2;
	s21 =	sadd.s32 $0xC00, s2  }
0xd: {  	s22 =	smul.u32 $0x1F80, s13;
	_ =	strace $0x80000047;
	[dreg:$0xf] =	wrdreg s19  }
0xe: {  	s23 =	smul.u32 $0xA80, s13;
	p0 =	sne.s32 s13, $0x0;
	[dreg:$0x10] =	wrdreg s20  }
0xf: {  	s8 =	ssub.s32 $0x2, s6;
	s0 =	smul.u32 $0x2710, s6;
	[dreg:$0x11] =	wrdreg s21  }
0x10: {  	s6 =	smul.u32 $0x138800, s6;
	[dreg:$0x8] =	wrdreg s15;
	s19 =	sadd.s32 $0x1000, s2  }
0x11: {  	s25 =	sshrl.u32 s8, $0x1;
	s7 =	sshrl.u32 s7, $0x2;
	s24 =	sadd.s32 s15, s22  }
0x12: {  	s20 =	sadd.s32 s23, s4;
	s21 =	sadd.s32 s23, s1;
	[dreg:$0x19] =	wrdreg s19  }
0x13: {  	s1 =	sadd.s32 $0x138000, s12;
	s22 =	sadd.s32 $0x1400, s2;
	[dreg:$0x13] =	wrdreg s24  }
0x14: {  	s23 =	sadd.s32 $0x1800, s2;
	s4 =	simm.s32 $0x4;
	[dreg:$0x1a] =	wrdreg s22  }
0x15: {  	s15 =	simm.s32 $0xA00;
	s10 =	sadd.s32 s7, s12;
	[dreg:$0x1b] =	wrdreg s23  }
0x16: {  	s8 =	ssub.s32 s8, s25;
	s25 =	sor.u32 $0x2, s17;
	[dreg:$0x9] =	wrdreg s10  }
0x17: {  	s19 =	simm.s32 $0x700;
	s1 =	sshrl.u32 @!p0 s1, $0x3;
	[dreg:$0x14] =	wrdreg s25  }
0x18: {  	s7 =	sshrl.u32 s26, $0x2;
	s24 =	sadd.s32 $0x1C00, s2;
	[dreg:$0x18] =	wrdreg s1  }
0x19: {  	s6 =	sshrl.u32 s6, $0x3;
	s11 =	sadd.s32 $0x4000, s10;
	[dreg:$0x1c] =	wrdreg s24  }
0x1a: {  	s22 =	simm.s32 $0xB00;
	s16 =	sadd.s32 $0x8000, s10;
	[dreg:$0xa] =	wrdreg s11  }
0x1b: {  	s23 =	simm.s32 $0x780;
	s9 =	sadd.s32 $0xC000, s10;
	[dreg:$0xb] =	wrdreg s16  }
0x1c: {  	s10 =	sadd.s32 $0x10000, s10;
	s7 =	sadd.s32 s7, s2;
	[dreg:$0xc] =	wrdreg s9  }
0x1d: {  	s17 =	smax.u32 s8, $0x1;
	s25 =	sadd.s32 $0x2000, s2;
	[dreg:$0xd] =	wrdreg s10  }
0x1e: {  	s24 =	simm.s32 $0xB80;
	s1 =	simm.s32 $0x480;
	[dreg:$0xe] =	wrdreg s7  }
0x1f: {  	s7 =	sadd.s32 s18, s0;
	s11 =	smul.u32 $0x4E000, s13;
	[dreg:$0x16] =	wrdreg s17  }
0x20: {  	[dreg:$0x1d] =	wrdreg s25;
	s9 =	simm.s32 $0x500;
	s10 =	simm.s32 $0x900  }
0x21: {  	s16 =	simm.s32 $0x680;
	s17 =	simm.s32 $0xA80;
	s7 =	sshll.u32 s7, $0x4  }
0x22: {  	s25 =	simm.s32 $0x800;
	s7 =	sadd.s32 s5, s7;
	s5 =	sadd.s32 s5, s6  }
0x23: {  	s26 =	sshrl.u32 s11, $0x2;
	s11 =	simm.s32 $0x80;
	s6 =	simm.s32 $0x0  }
.Ltmp0:
0x24: {  	[dreg:$0x12] =	wrdreg s7;
	s5 =	sadd.s32 $0x27000, s5;
	(pc) =	sbr.rel .LBB2_1-.Ltmp0, $4  }
0x25: {  	s7 =	sadd.s32 s26, s12;
	s26 =	sadd.s32 $0x2400, s2;
	[dreg:$0x15] =	wrdreg s5  }
0x26: {  	s12 =	simm.s32 $0x580;
	s18 =	sshrl.u32 s7, $0x3;
	[dreg:$0x1e] =	wrdreg s26  }
0x27: {  	s5 =	smov.u32 s14;
	s14 =	simm.s32 $0x600;
	[dreg:$0x17] =	wrdreg s18  }
0x28: {  	v1 =	vimm.f32 $0.0e+00;
	v0 =	vmov s0;
	s26 =	simm.s32 $0xC00;
	s18 =	simm.s32 $0x400;
	[dreg:$0x7] =	wrdreg s5  }
.LBB2_36:
0x29: {  	s0 =	stileid.u32;
	[bflag:$0x0] =	sbarrier.arrive $0xFFFF  }
0x2a: {  	s0 =	sshll.u32 s0, $0x6;
	s5 =	rddreg [dreg:$0x12]  }
0x2b: {  	s6 =	rddreg [dreg:$0x17];
	s0 =	sor.u32 $0x1C04, s0  }
0x2c: {  	[hbm:s5], [sflag:s0] =	dma.local [spmem:s6], $0x2700  }
0x2d: {  	_ =	swait.ge [sflag:s4], $0x2700  }
0x2e: {  	[sflag:s4] =	ssyncset.done $0x0;
	s5 =	rddreg [dreg:$0x15]  }
0x2f: {  	s6 =	rddreg [dreg:$0x18];
	[sflag:s4] =	ssyncadd.s32 $0xFFFFD900  }
0x30: {  	[hbm:s5], [sflag:s0] =	dma.local @!p0 [spmem:s6], $0x100  }
0x31: {  	s0 =	simm.s32 @!p0 $0x4  }
0x32: {  	_ =	swait.ge @!p0 [sflag:s0], $0x100  }
0x33: {  	s12 =	rddreg [dreg:$0x1f]  }
0x34: {  	s13 =	rddreg [dreg:$0x16];
	s6 =	sadd.s32 $0x1, s12  }
0x35: {  	p1 =	sne.s32 s6, s13  }
.Ltmp1:
0x36: {  	_ = 	snop;
	(pc) =	sbr.rel @!p1 .LBB2_37-.Ltmp1, $3  }
0x37: {  	_ =	sdelay $0x1  }
0x38: {  	[sflag:s0] =	ssyncset.done @!p0 $0x0  }
0x39: {  	s31 =	simm.s32 $0x980;
	[sflag:s0] =	ssyncadd.s32 @!p0 $0xFFFFFF00;
	s12 =	simm.s32 $0x580  }
.LBB2_1:
0x3a: {  	s0 =	simm.s32 $0x0;
	s5 =	simm.s32 $0x200  }
.LBB2_2:
0x3b: {  	p1 =	sne.s32 s5, $0xFE00;
	[tilespmem:s0+$0x4D70] =	vst v1  }
0x3c: {  	[tilespmem:s0+$0x4D00] =	vst v1  }
0x3d: {  	[tilespmem:s0+$0x4D10] =	vst v1  }
.Ltmp2:
0x3e: {  	[tilespmem:s0+$0x4D20] =	vst v1;
	(pc) =	sbr.rel @p1 .LBB2_2-.Ltmp2, $4  }
0x3f: {  	[tilespmem:s0+$0x4D30] =	vst v1  }
0x40: {  	[tilespmem:s0+$0x4D40] =	vst v1  }
0x41: {  	[tilespmem:s0+$0x4D50] =	vst v1  }
0x42: {  	[tilespmem:s0+$0x4D60] =	vst v1;
	s0 =	sshra.s32 s5, $0x2;
	s5 =	sadd.s32 $0x200, s5  }
0x43: {  	[tilespmem:s0+$0x4D70] =	vst v1  }
0x44: {  	[tilespmem:s0+$0x4D00] =	vst v1  }
0x45: {  	[tilespmem:s0+$0x4D10] =	vst v1  }
0x46: {  	[tilespmem:s0+$0x4D20] =	vst v1  }
0x47: {  	[tilespmem:s0+$0x4D30] =	vst v1  }
0x48: {  	[tilespmem:s0+$0x4D40] =	vst v1  }
0x49: {  	[tilespmem:s0+$0x4D50] =	vst v1  }
0x4a: {  	[dreg:$0x1f] =	wrdreg s6;
	[tilespmem:s0+$0x4D60] =	vst v1;
	s0 =	simm.s32 $0x40;
	s5 =	simm.s32 $0x0  }
.LBB2_4:
0x4b: {  	p1 =	sne.s32 s0, $0xFC0;
	[tilespmem:s5+$0x8D00] =	vst v1;
	s5 =	smov.u32 s0;
	s0 =	sadd.s32 $0x40, s0  }
.Ltmp3:
0x4c: {  	(pc) =	sbr.rel @p1 .LBB2_4-.Ltmp3, $2  }
0x4d: {  	_ =	sdelay $0x2  }
0x4e: {  	s5 =	sshra.s32 s5, $0x2  }
0x4f: {  	[tilespmem:s5+$0x8D00] =	vst v1;
	s0 =	rddreg [dreg:$0x9];
	s5 =	simm.s32 $0x4D00  }
0x50: {  	[spmem:s0] =	stream.linear.scatter [tilespmem:s5], [sflag:$0x4], $0x4000, $0x38;
	[tilespmem:$0x1FB80] =	vst v63  }
0x51: {  	_ =	swait.ge [sflag:s4], $0x4000  }
0x52: {  	[sflag:s4] =	ssyncset.done $0x0  }
0x53: {  	s6 =	rddreg [dreg:$0xa];
	[sflag:s4] =	ssyncadd.s32 $0xFFFFC000  }
0x54: {  	[spmem:s6] =	stream.linear.scatter [tilespmem:s5], [sflag:$0x4], $0x4000, $0x38;
	[tilespmem:$0x1FB80] =	vst v63  }
0x55: {  	_ =	swait.ge [sflag:s4], $0x4000  }
0x56: {  	[sflag:s4] =	ssyncset.done $0x0  }
0x57: {  	s7 =	rddreg [dreg:$0xb];
	[sflag:s4] =	ssyncadd.s32 $0xFFFFC000  }
0x58: {  	[spmem:s7] =	stream.linear.scatter [tilespmem:s5], [sflag:$0x4], $0x4000, $0x38;
	[tilespmem:$0x1FB80] =	vst v63  }
0x59: {  	_ =	swait.ge [sflag:s4], $0x4000  }
0x5a: {  	[sflag:s4] =	ssyncset.done $0x0  }
0x5b: {  	s8 =	rddreg [dreg:$0xc];
	[sflag:s4] =	ssyncadd.s32 $0xFFFFC000  }
0x5c: {  	[spmem:s8] =	stream.linear.scatter [tilespmem:s5], [sflag:$0x4], $0x4000, $0x38;
	[tilespmem:$0x1FB80] =	vst v63  }
0x5d: {  	_ =	swait.ge [sflag:s4], $0x4000  }
0x5e: {  	[sflag:s4] =	ssyncset.done $0x0  }
0x5f: {  	s13 =	rddreg [dreg:$0xd];
	[sflag:s4] =	ssyncadd.s32 $0xFFFFC000  }
0x60: {  	[spmem:s13] =	stream.linear.scatter [tilespmem:s5], [sflag:$0x4], $0x4000, $0x38;
	[tilespmem:$0x1FB80] =	vst v63  }
0x61: {  	_ =	swait.ge [sflag:s4], $0x4000  }
0x62: {  	[sflag:s4] =	ssyncset.done $0x0  }
0x63: {  	s7 =	simm.s32 $0x8D00;
	s6 =	rddreg [dreg:$0xe];
	[sflag:s4] =	ssyncadd.s32 $0xFFFFC000  }
0x64: {  	[spmem:s6] =	stream.linear.scatter [tilespmem:s7], [sflag:$0x4], $0x280, $0x38;
	[tilespmem:$0x1FB80] =	vst v63  }
0x65: {  	_ =	swait.ge [sflag:s4], $0x280  }
0x66: {  	[sflag:s4] =	ssyncset.done $0x0  }
0x67: {  	[sflag:s4] =	ssyncadd.s32 $0xFFFFFD80  }
0x68: {  	s8 =	sadd.s32 $0x0, s21;
	[bflag:$0x0] =	sbarrier.arrive $0xFFFF  }
0x69: {  	[tilespmem:s9], [sflag:$0x4] =	stream.linear.gather [hbm4b:s8+s3], $0x400, $0x38;
	[tilespmem:$0x1FB80] =	vst v63  }
0x6a: {  	_ =	swait.ge [sflag:s4], $0x400  }
0x6b: {  	[sflag:s4] =	ssyncset.done $0x0  }
0x6c: {  	s13 =	sadd.s32 $0x0, s20;
	[sflag:s4] =	ssyncadd.s32 $0xFFFFFC00  }
0x6d: {  	[tilespmem:s10], [sflag:$0x4] =	stream.linear.gather [hbm4b:s13+s3], $0x400, $0x38;
	[tilespmem:$0x1FB80] =	vst v63  }
0x6e: {  	_ =	swait.ge [sflag:s4], $0x400  }
0x6f: {  	[sflag:s4] =	ssyncset.done $0x0  }
0x70: {  	[sflag:s4] =	ssyncadd.s32 $0xFFFFFC00  }
0x71: {  	[spmem:s2] =	stream.indirect.scatter.add.f32 [tilespmem:s10], [sflag:$0x3], $0x1, s9, s11, $0xb8;
	[tilespmem:$0x1FB80] =	vst v63  }
0x72: {  	_ = 	snop  }
0x73: {  	[spmem:s2] =	stream.indirect.scatter.add.f32 [tilespmem:s31], [sflag:$0x3], $0x1, s12, s11, $0xb8;
	[tilespmem:$0x1FB80] =	vst v63  }
0x74: {  	_ = 	snop  }
0x75: {  	[spmem:s2] =	stream.indirect.scatter.add.f32 [tilespmem:s15], [sflag:$0x3], $0x1, s14, s11, $0xb8;
	[tilespmem:$0x1FB80] =	vst v63  }
0x76: {  	_ = 	snop  }
0x77: {  	[spmem:s2] =	stream.indirect.scatter.add.f32 [tilespmem:s17], [sflag:$0x3], $0x1, s16, s11, $0xb8;
	[tilespmem:$0x1FB80] =	vst v63  }
0x78: {  	_ = 	snop  }
0x79: {  	[spmem:s2] =	stream.indirect.scatter.add.f32 [tilespmem:s22], [sflag:$0x3], $0x1, s19, s11, $0xb8;
	[tilespmem:$0x1FB80] =	vst v63  }
0x7a: {  	_ = 	snop  }
0x7b: {  	[spmem:s2] =	stream.indirect.scatter.add.f32 [tilespmem:s24], [sflag:$0x3], $0x1, s23, s11, $0xb8;
	[tilespmem:$0x1FB80] =	vst v63  }
0x7c: {  	_ = 	snop  }
0x7d: {  	[spmem:s2] =	stream.indirect.scatter.add.f32 [tilespmem:s26], [sflag:$0x3], $0x1, s25, s11, $0xb8;
	[tilespmem:$0x1FB80] =	vst v63  }
0x7e: {  	_ = 	snop  }
0x7f: {  	[spmem:s2] =	stream.indirect.scatter.add.f32 [tilespmem:s29], [sflag:$0x3], $0x1, s28, s11, $0xb8;
	[tilespmem:$0x1FB80] =	vst v63  }
0x80: {  	_ =	swait.ge [sflag:s30], $0x80  }
0x81: {  	[sflag:s30] =	ssyncset.done $0x0  }
0x82: {  	[sflag:s30] =	ssyncadd.s32 $0xFFFFFF80  }
0x83: {  	_ =	swait.ge [sflag:s30], $0x80  }
0x84: {  	[sflag:s30] =	ssyncset.done $0x0  }
0x85: {  	[sflag:s30] =	ssyncadd.s32 $0xFFFFFF80  }
0x86: {  	_ =	swait.ge [sflag:s30], $0x80  }
0x87: {  	[sflag:s30] =	ssyncset.done $0x0  }
0x88: {  	[sflag:s30] =	ssyncadd.s32 $0xFFFFFF80  }
0x89: {  	_ =	swait.ge [sflag:s30], $0x80  }
0x8a: {  	[sflag:s30] =	ssyncset.done $0x0  }
0x8b: {  	[sflag:s30] =	ssyncadd.s32 $0xFFFFFF80  }
0x8c: {  	_ =	swait.ge [sflag:s30], $0x80  }
0x8d: {  	[sflag:s30] =	ssyncset.done $0x0  }
0x8e: {  	[sflag:s30] =	ssyncadd.s32 $0xFFFFFF80  }
0x8f: {  	_ =	swait.ge [sflag:s30], $0x80  }
0x90: {  	[sflag:s30] =	ssyncset.done $0x0  }
0x91: {  	[sflag:s30] =	ssyncadd.s32 $0xFFFFFF80  }
0x92: {  	_ =	swait.ge [sflag:s30], $0x80  }
0x93: {  	[sflag:s30] =	ssyncset.done $0x0  }
0x94: {  	[sflag:s30] =	ssyncadd.s32 $0xFFFFFF80  }
0x95: {  	_ =	swait.ge [sflag:s30], $0x80  }
0x96: {  	s0 =	simm.s32 $0x80;
	s6 =	simm.s32 $0x100;
	[sflag:s30] =	ssyncset.done $0x0  }
.LBB2_6:
0x97: {  	s7 =	sadd.s32 s0, s21  }
0x98: {  	[sflag:s30] =	ssyncadd.s32 $0xFFFFFF80;
	s8 =	smov.u32 s6;
	s5 =	sadd.s32 $0x80, s6  }
0x99: {  	[tilespmem:s9], [sflag:$0x4] =	stream.linear.gather [hbm4b:s7+s3], $0x400, $0x38;
	[tilespmem:$0x1FB80] =	vst v63  }
0x9a: {  	p1 =	sne.s32 s6, $0xA00;
	_ =	swait.ge [sflag:s4], $0x400  }
0x9b: {  	[sflag:s4] =	ssyncset.done $0x0  }
0x9c: {  	s6 =	sadd.s32 s0, s20;
	s0 =	smov.u32 s8;
	[sflag:s4] =	ssyncadd.s32 $0xFFFFFC00  }
0x9d: {  	[tilespmem:s10], [sflag:$0x4] =	stream.linear.gather [hbm4b:s6+s3], $0x400, $0x38;
	[tilespmem:$0x1FB80] =	vst v63  }
0x9e: {  	_ =	swait.ge [sflag:s4], $0x400  }
0x9f: {  	[sflag:s4] =	ssyncset.done $0x0  }
0xa0: {  	[sflag:s4] =	ssyncadd.s32 $0xFFFFFC00  }
0xa1: {  	[spmem:s2] =	stream.indirect.scatter.add.f32 [tilespmem:s10], [sflag:$0x3], $0x1, s9, s11, $0xb8;
	[tilespmem:$0x1FB80] =	vst v63  }
0xa2: {  	_ = 	snop  }
0xa3: {  	[spmem:s2] =	stream.indirect.scatter.add.f32 [tilespmem:s31], [sflag:$0x3], $0x1, s12, s11, $0xb8;
	[tilespmem:$0x1FB80] =	vst v63  }
0xa4: {  	_ = 	snop  }
0xa5: {  	[spmem:s2] =	stream.indirect.scatter.add.f32 [tilespmem:s15], [sflag:$0x3], $0x1, s14, s11, $0xb8;
	[tilespmem:$0x1FB80] =	vst v63  }
0xa6: {  	_ = 	snop  }
0xa7: {  	[spmem:s2] =	stream.indirect.scatter.add.f32 [tilespmem:s17], [sflag:$0x3], $0x1, s16, s11, $0xb8;
	[tilespmem:$0x1FB80] =	vst v63  }
0xa8: {  	_ = 	snop  }
0xa9: {  	[spmem:s2] =	stream.indirect.scatter.add.f32 [tilespmem:s22], [sflag:$0x3], $0x1, s19, s11, $0xb8;
	[tilespmem:$0x1FB80] =	vst v63  }
0xaa: {  	_ = 	snop  }
0xab: {  	[spmem:s2] =	stream.indirect.scatter.add.f32 [tilespmem:s24], [sflag:$0x3], $0x1, s23, s11, $0xb8;
	[tilespmem:$0x1FB80] =	vst v63  }
0xac: {  	_ = 	snop  }
0xad: {  	[spmem:s2] =	stream.indirect.scatter.add.f32 [tilespmem:s26], [sflag:$0x3], $0x1, s25, s11, $0xb8;
	[tilespmem:$0x1FB80] =	vst v63  }
0xae: {  	_ = 	snop  }
0xaf: {  	[spmem:s2] =	stream.indirect.scatter.add.f32 [tilespmem:s29], [sflag:$0x3], $0x1, s28, s11, $0xb8;
	[tilespmem:$0x1FB80] =	vst v63  }
0xb0: {  	_ =	swait.ge [sflag:s30], $0x80  }
0xb1: {  	[sflag:s30] =	ssyncset.done $0x0  }
0xb2: {  	[sflag:s30] =	ssyncadd.s32 $0xFFFFFF80  }
0xb3: {  	_ =	swait.ge [sflag:s30], $0x80  }
0xb4: {  	[sflag:s30] =	ssyncset.done $0x0  }
0xb5: {  	[sflag:s30] =	ssyncadd.s32 $0xFFFFFF80  }
0xb6: {  	_ =	swait.ge [sflag:s30], $0x80  }
0xb7: {  	[sflag:s30] =	ssyncset.done $0x0  }
0xb8: {  	[sflag:s30] =	ssyncadd.s32 $0xFFFFFF80  }
0xb9: {  	_ =	swait.ge [sflag:s30], $0x80  }
0xba: {  	[sflag:s30] =	ssyncset.done $0x0  }
0xbb: {  	[sflag:s30] =	ssyncadd.s32 $0xFFFFFF80  }
0xbc: {  	_ =	swait.ge [sflag:s30], $0x80  }
0xbd: {  	[sflag:s30] =	ssyncset.done $0x0  }
0xbe: {  	[sflag:s30] =	ssyncadd.s32 $0xFFFFFF80  }
0xbf: {  	_ =	swait.ge [sflag:s30], $0x80  }
0xc0: {  	[sflag:s30] =	ssyncset.done $0x0  }
0xc1: {  	[sflag:s30] =	ssyncadd.s32 $0xFFFFFF80  }
.Ltmp4:
0xc2: {  	_ =	swait.ge [sflag:s30], $0x80;
	(pc) =	sbr.rel @p1 .LBB2_6-.Ltmp4, $4  }
0xc3: {  	[sflag:s30] =	ssyncset.done $0x0  }
0xc4: {  	[sflag:s30] =	ssyncadd.s32 $0xFFFFFF80  }
0xc5: {  	_ =	swait.ge [sflag:s30], $0x80  }
0xc6: {  	s6 =	smov.u32 s5;
	[sflag:s30] =	ssyncset.done $0x0  }
0xc7: {  	s5 =	sadd.s32 s0, s21;
	[sflag:s30] =	ssyncadd.s32 $0xFFFFFF80  }
0xc8: {  	[tilespmem:s9], [sflag:$0x4] =	stream.linear.gather [hbm4b:s5+s3], $0x400, $0x38;
	[tilespmem:$0x1FB80] =	vst v63  }
0xc9: {  	_ =	swait.ge [sflag:s4], $0x400  }
0xca: {  	[sflag:s4] =	ssyncset.done $0x0  }
0xcb: {  	s8 =	sadd.s32 s0, s20;
	[sflag:s4] =	ssyncadd.s32 $0xFFFFFC00  }
0xcc: {  	[tilespmem:s10], [sflag:$0x4] =	stream.linear.gather [hbm4b:s8+s3], $0x400, $0x38;
	[tilespmem:$0x1FB80] =	vst v63  }
0xcd: {  	_ =	swait.ge [sflag:s4], $0x400  }
0xce: {  	[sflag:s4] =	ssyncset.done $0x0  }
0xcf: {  	[sflag:s4] =	ssyncadd.s32 $0xFFFFFC00  }
0xd0: {  	[spmem:s2] =	stream.indirect.scatter.add.f32 [tilespmem:s10], [sflag:$0x3], $0x1, s9, s11, $0xb8;
	[tilespmem:$0x1FB80] =	vst v63  }
0xd1: {  	_ = 	snop  }
0xd2: {  	[spmem:s2] =	stream.indirect.scatter.add.f32 [tilespmem:s31], [sflag:$0x3], $0x1, s12, s11, $0xb8;
	[tilespmem:$0x1FB80] =	vst v63  }
0xd3: {  	_ = 	snop  }
0xd4: {  	[spmem:s2] =	stream.indirect.scatter.add.f32 [tilespmem:s15], [sflag:$0x3], $0x1, s14, s11, $0xb8;
	[tilespmem:$0x1FB80] =	vst v63  }
0xd5: {  	_ = 	snop  }
0xd6: {  	[spmem:s2] =	stream.indirect.scatter.add.f32 [tilespmem:s17], [sflag:$0x3], $0x1, s16, s11, $0xb8;
	[tilespmem:$0x1FB80] =	vst v63  }
0xd7: {  	_ = 	snop  }
0xd8: {  	[spmem:s2] =	stream.indirect.scatter.add.f32 [tilespmem:s22], [sflag:$0x3], $0x1, s19, s11, $0xb8;
	[tilespmem:$0x1FB80] =	vst v63  }
0xd9: {  	_ = 	snop  }
0xda: {  	[spmem:s2] =	stream.indirect.scatter.add.f32 [tilespmem:s24], [sflag:$0x3], $0x1, s23, s11, $0xb8;
	[tilespmem:$0x1FB80] =	vst v63  }
0xdb: {  	_ = 	snop  }
0xdc: {  	[spmem:s2] =	stream.indirect.scatter.add.f32 [tilespmem:s26], [sflag:$0x3], $0x1, s25, s11, $0xb8;
	[tilespmem:$0x1FB80] =	vst v63  }
0xdd: {  	_ = 	snop  }
0xde: {  	[spmem:s2] =	stream.indirect.scatter.add.f32 [tilespmem:s29], [sflag:$0x3], $0x1, s28, s11, $0xb8;
	[tilespmem:$0x1FB80] =	vst v63  }
0xdf: {  	_ =	swait.ge [sflag:s30], $0x80  }
0xe0: {  	[sflag:s30] =	ssyncset.done $0x0  }
0xe1: {  	[sflag:s30] =	ssyncadd.s32 $0xFFFFFF80  }
0xe2: {  	_ =	swait.ge [sflag:s30], $0x80  }
0xe3: {  	[sflag:s30] =	ssyncset.done $0x0  }
0xe4: {  	[sflag:s30] =	ssyncadd.s32 $0xFFFFFF80  }
0xe5: {  	_ =	swait.ge [sflag:s30], $0x80  }
0xe6: {  	[sflag:s30] =	ssyncset.done $0x0  }
0xe7: {  	[sflag:s30] =	ssyncadd.s32 $0xFFFFFF80  }
0xe8: {  	_ =	swait.ge [sflag:s30], $0x80  }
0xe9: {  	[sflag:s30] =	ssyncset.done $0x0  }
0xea: {  	[sflag:s30] =	ssyncadd.s32 $0xFFFFFF80  }
0xeb: {  	_ =	swait.ge [sflag:s30], $0x80  }
0xec: {  	[sflag:s30] =	ssyncset.done $0x0  }
0xed: {  	[sflag:s30] =	ssyncadd.s32 $0xFFFFFF80  }
0xee: {  	_ =	swait.ge [sflag:s30], $0x80  }
0xef: {  	[sflag:s30] =	ssyncset.done $0x0  }
0xf0: {  	[sflag:s30] =	ssyncadd.s32 $0xFFFFFF80  }
0xf1: {  	_ =	swait.ge [sflag:s30], $0x80  }
0xf2: {  	[sflag:s30] =	ssyncset.done $0x0  }
0xf3: {  	[sflag:s30] =	ssyncadd.s32 $0xFFFFFF80  }
0xf4: {  	_ =	swait.ge [sflag:s30], $0x80  }
0xf5: {  	[sflag:s30] =	ssyncset.done $0x0  }
0xf6: {  	[sflag:s30] =	ssyncadd.s32 $0xFFFFFF80  }
0xf7: {  	s13 =	simm.s32 $0x8D00;
	[bflag:$0x0] =	sbarrier.arrive $0xFFFF  }
0xf8: {  	[tilespmem:s13], [sflag:$0x4] =	stream.linear.gather [spmem:s2], $0x400, $0x38;
	[tilespmem:$0x1FB80] =	vst v63  }
0xf9: {  	_ =	swait.ge [sflag:s4], $0x400  }
0xfa: {  	[sflag:s4] =	ssyncset.done $0x0  }
0xfb: {  	s6 =	simm.s32 $0x0;
	[sflag:s4] =	ssyncadd.s32 $0xFFFFFC00  }
0xfc: {  	v2 =	vld [tilespmem:s6+$0x8D00];
	_ =	sdelay $0x4  }
0xfd: {  	v7 =	vmul.f32 $5.000000000e-01, v2;
	v2 =	vshrl.u32 v2, $0x1  }
0xfe: {  	s0 =	simm.s32 $0x10;
	v3 =	vsub.s32 $0x5F3759DF, v2  }
0xff: {  	v4 =	vld [tilespmem:s0+$0x8D00];
	v2 =	vmul.f32 v3, v7;
	_ =	sdelay $0x1  }
0x100: {  	v2 =	vmul.f32 v3, v2;
	_ =	sdelay $0x1  }
0x101: {  	v5 =	vsub.f32 $1.500000000e+00, v2  }
0x102: {  	v2 =	vmul.f32 $5.000000000e-01, v4;
	v4 =	vshrl.u32 v4, $0x1  }
0x103: {  	s8 =	simm.s32 $0x20;
	v4 =	vsub.s32 $0x5F3759DF, v4;
	v5 =	vmul.f32 v3, v5  }
0x104: {  	v6 =	vld [tilespmem:s8+$0x8D00];
	v3 =	vmul.f32 v4, v2  }
0x105: {  	v8 =	vmul.f32 v5, v7  }
0x106: {  	v3 =	vmul.f32 v4, v3  }
0x107: {  	v8 =	vmul.f32 v8, v5  }
0x108: {  	s7 =	simm.s32 $0x30;
	v9 =	vsub.f32 $1.500000000e+00, v3  }
0x109: {  	v10 =	vld [tilespmem:s7+$0x8D00];
	v3 =	vmul.f32 $5.000000000e-01, v6;
	v6 =	vshrl.u32 v6, $0x1;
	v8 =	vsub.f32 $1.500000000e+00, v8  }
0x10a: {  	v6 =	vsub.s32 $0x5F3759DF, v6;
	v9 =	vmul.f32 v4, v9  }
0x10b: {  	v4 =	vmul.f32 v6, v3;
	v5 =	vmul.f32 v8, v5  }
0x10c: {  	s5 =	simm.s32 $0x40;
	v8 =	vmul.f32 v9, v2  }
0x10d: {  	v12 =	vld [tilespmem:s5+$0x8D00];
	v11 =	vmul.f32 v6, v4;
	v13 =	vmul.f32 v5, v7  }
0x10e: {  	v4 =	vmul.f32 $5.000000000e-01, v10;
	v8 =	vmul.f32 v8, v9  }
0x10f: {  	v10 =	vshrl.u32 v10, $0x1;
	v11 =	vsub.f32 $1.500000000e+00, v11;
	v13 =	vmul.f32 v13, v5  }
0x110: {  	v14 =	vsub.s32 $0x5F3759DF, v10;
	v10 =	vsub.f32 $1.500000000e+00, v8  }
0x111: {  	v15 =	vmul.f32 v14, v4;
	v8 =	vmul.f32 v6, v11;
	v11 =	vsub.f32 $1.500000000e+00, v13  }
0x112: {  	s31 =	simm.s32 $0x50;
	v6 =	vmul.f32 $5.000000000e-01, v12;
	v9 =	vmul.f32 v10, v9  }
0x113: {  	v13 =	vld [tilespmem:s31+$0x8D00];
	v10 =	vmul.f32 v8, v3;
	v5 =	vmul.f32 v11, v5  }
0x114: {  	v15 =	vmul.f32 v14, v15;
	v16 =	vmul.f32 v9, v2  }
0x115: {  	v11 =	vshrl.u32 v12, $0x1;
	v10 =	vmul.f32 v10, v8;
	v7 =	vmul.f32 v5, v7  }
0x116: {  	v15 =	vsub.f32 $1.500000000e+00, v15;
	v11 =	vsub.s32 $0x5F3759DF, v11;
	v17 =	vmul.f32 v16, v9  }
0x117: {  	v16 =	vmul.f32 v11, v6;
	v12 =	vsub.f32 $1.500000000e+00, v10;
	v10 =	vmul.f32 v7, v5  }
0x118: {  	s12 =	simm.s32 $0x180;
	v14 =	vmul.f32 v14, v15;
	v7 =	vmul.f32 $5.000000000e-01, v13;
	v15 =	vsub.f32 $1.500000000e+00, v17  }
.LBB2_8:
0x119: {  	s13 =	sshra.s32 s12, $0x2;
	p1 =	sne.s32 s12, $0xFC0;
	v16 =	vmul.f32 v11, v16;
	v12 =	vmul.f32 v12, v8;
	v10 =	vsub.f32 $1.500000000e+00, v10  }
0x11a: {  	v17 =	vld [tilespmem:s13+$0x8D00];
	v18 =	vmul.f32 v14, v4;
	v15 =	vmul.f32 v15, v9;
	v8 =	vmov v14  }
.Ltmp5:
0x11b: {  	v14 =	vmul.f32 v12, v3;
	v10 =	vmul.f32 v10, v5;
	v9 =	vmov v12;
	(pc) =	sbr.rel @p1 .LBB2_8-.Ltmp5, $4  }
0x11c: {  	v12 =	vshrl.u32 v13, $0x1;
	v21 =	vmul.f32 v18, v8;
	v18 =	vmul.f32 v15, v2;
	v5 =	vmovc v15;
	v2 =	vmovc v3  }
0x11d: {  	v19 =	vsub.s32 $0x5F3759DF, v12;
	v15 =	vsub.f32 $1.500000000e+00, v16;
	v3 =	vmovc v4;
	v4 =	vmovc v6;
	v20 =	vmul.f32 v14, v9;
	[tilespmem:s6+$0x9100] =	vst v10;
	s6 =	smov.u32 s0;
	s0 =	smov.u32 s8;
	s8 =	smov.u32 s7  }
0x11e: {  	v6 =	vmovc v7;
	v16 =	vmul.f32 v19, v7;
	s7 =	smov.u32 s5;
	s5 =	smov.u32 s31;
	s31 =	smov.u32 s13;
	v12 =	vsub.f32 $1.500000000e+00, v21;
	v10 =	vmul.f32 v18, v5  }
0x11f: {  	s12 =	sadd.s32 $0x40, s12;
	v14 =	vmul.f32 v11, v15;
	v11 =	vmovc v19;
	v7 =	vmul.f32 $5.000000000e-01, v17;
	v15 =	vsub.f32 $1.500000000e+00, v20;
	v13 =	vmovc v17  }
0x120: {  	v13 =	vshrl.u32 v13, $0x1  }
0x121: {  	v13 =	vsub.s32 $0x5F3759DF, v13  }
0x122: {  	v17 =	vmul.f32 v13, v7  }
0x123: {  	v16 =	vmul.f32 v11, v16  }
0x124: {  	v17 =	vmul.f32 v13, v17  }
0x125: {  	v16 =	vsub.f32 $1.500000000e+00, v16  }
0x126: {  	v17 =	vsub.f32 $1.500000000e+00, v17  }
0x127: {  	v11 =	vmul.f32 v11, v16  }
0x128: {  	v16 =	vmul.f32 v14, v4;
	v13 =	vmul.f32 v13, v17  }
0x129: {  	v17 =	vmul.f32 v11, v6  }
0x12a: {  	v16 =	vmul.f32 v16, v14;
	v18 =	vmul.f32 v13, v7  }
0x12b: {  	v17 =	vmul.f32 v17, v11  }
0x12c: {  	v16 =	vsub.f32 $1.500000000e+00, v16;
	v18 =	vmul.f32 v18, v13  }
0x12d: {  	v8 =	vmul.f32 v12, v8;
	v12 =	vsub.f32 $1.500000000e+00, v17  }
0x12e: {  	v9 =	vmul.f32 v15, v9;
	v14 =	vmul.f32 v16, v14;
	v15 =	vsub.f32 $1.500000000e+00, v18  }
0x12f: {  	v16 =	vmul.f32 v8, v3;
	v11 =	vmul.f32 v12, v11  }
0x130: {  	v12 =	vmul.f32 v14, v4;
	v13 =	vmul.f32 v15, v13  }
0x131: {  	v15 =	vmul.f32 v16, v8;
	v16 =	vmul.f32 v11, v6  }
0x132: {  	v12 =	vmul.f32 v12, v14;
	v17 =	vmul.f32 v13, v7  }
0x133: {  	v15 =	vsub.f32 $1.500000000e+00, v15;
	v16 =	vmul.f32 v16, v11  }
0x134: {  	v2 =	vmul.f32 v9, v2;
	v12 =	vsub.f32 $1.500000000e+00, v12;
	v17 =	vmul.f32 v17, v13  }
0x135: {  	v8 =	vmul.f32 v15, v8;
	v15 =	vsub.f32 $1.500000000e+00, v16  }
0x136: {  	v2 =	vmul.f32 v2, v9;
	v12 =	vmul.f32 v12, v14;
	v14 =	vsub.f32 $1.500000000e+00, v17  }
0x137: {  	v3 =	vmul.f32 v8, v3;
	v11 =	vmul.f32 v15, v11  }
0x138: {  	v4 =	vmul.f32 v12, v4;
	v13 =	vmul.f32 v14, v13  }
0x139: {  	v10 =	vsub.f32 $1.500000000e+00, v10;
	v3 =	vmul.f32 v3, v8;
	v6 =	vmul.f32 v11, v6  }
0x13a: {  	v2 =	vsub.f32 $1.500000000e+00, v2;
	v4 =	vmul.f32 v4, v12;
	v7 =	vmul.f32 v13, v7  }
0x13b: {  	v5 =	vmul.f32 v10, v5;
	v3 =	vsub.f32 $1.500000000e+00, v3;
	v6 =	vmul.f32 v6, v11  }
0x13c: {  	v2 =	vmul.f32 v2, v9;
	v4 =	vsub.f32 $1.500000000e+00, v4;
	v7 =	vmul.f32 v7, v13  }
0x13d: {  	[tilespmem:s6+$0x9100] =	vst v5;
	v3 =	vmul.f32 v3, v8;
	v5 =	vsub.f32 $1.500000000e+00, v6  }
0x13e: {  	[tilespmem:s0+$0x9100] =	vst v2;
	v2 =	vmul.f32 v4, v12;
	v4 =	vsub.f32 $1.500000000e+00, v7  }
0x13f: {  	[tilespmem:s8+$0x9100] =	vst v3;
	v3 =	vmul.f32 v5, v11  }
0x140: {  	[tilespmem:s7+$0x9100] =	vst v2;
	v2 =	vmul.f32 v4, v13  }
0x141: {  	[tilespmem:s5+$0x9100] =	vst v3  }
0x142: {  	s12 =	rddreg [dreg:$0xf];
	s13 =	simm.s32 $0x8D00;
	[tilespmem:s31+$0x9100] =	vst v2  }
0x143: {  	[tilespmem:s13], [sflag:$0x4] =	stream.linear.gather [spmem:s12], $0x400, $0x38;
	[tilespmem:$0x1FB80] =	vst v63  }
0x144: {  	_ =	swait.ge [sflag:s4], $0x400  }
0x145: {  	[sflag:s4] =	ssyncset.done $0x0  }
0x146: {  	s6 =	simm.s32 $0x0;
	[sflag:s4] =	ssyncadd.s32 $0xFFFFFC00  }
0x147: {  	v2 =	vld [tilespmem:s6+$0x8D00];
	_ =	sdelay $0x4  }
0x148: {  	v7 =	vmul.f32 $5.000000000e-01, v2;
	v2 =	vshrl.u32 v2, $0x1  }
0x149: {  	s0 =	simm.s32 $0x10;
	v3 =	vsub.s32 $0x5F3759DF, v2  }
0x14a: {  	v4 =	vld [tilespmem:s0+$0x8D00];
	v2 =	vmul.f32 v3, v7;
	_ =	sdelay $0x1  }
0x14b: {  	v2 =	vmul.f32 v3, v2;
	_ =	sdelay $0x1  }
0x14c: {  	v5 =	vsub.f32 $1.500000000e+00, v2  }
0x14d: {  	v2 =	vmul.f32 $5.000000000e-01, v4;
	v4 =	vshrl.u32 v4, $0x1  }
0x14e: {  	s8 =	simm.s32 $0x20;
	v4 =	vsub.s32 $0x5F3759DF, v4;
	v5 =	vmul.f32 v3, v5  }
0x14f: {  	v6 =	vld [tilespmem:s8+$0x8D00];
	v3 =	vmul.f32 v4, v2  }
0x150: {  	v8 =	vmul.f32 v5, v7  }
0x151: {  	v3 =	vmul.f32 v4, v3  }
0x152: {  	v8 =	vmul.f32 v8, v5  }
0x153: {  	s7 =	simm.s32 $0x30;
	v9 =	vsub.f32 $1.500000000e+00, v3  }
0x154: {  	v10 =	vld [tilespmem:s7+$0x8D00];
	v3 =	vmul.f32 $5.000000000e-01, v6;
	v6 =	vshrl.u32 v6, $0x1;
	v8 =	vsub.f32 $1.500000000e+00, v8  }
0x155: {  	v6 =	vsub.s32 $0x5F3759DF, v6;
	v9 =	vmul.f32 v4, v9  }
0x156: {  	v4 =	vmul.f32 v6, v3;
	v5 =	vmul.f32 v8, v5  }
0x157: {  	s5 =	simm.s32 $0x40;
	v8 =	vmul.f32 v9, v2  }
0x158: {  	v12 =	vld [tilespmem:s5+$0x8D00];
	v11 =	vmul.f32 v6, v4;
	v13 =	vmul.f32 v5, v7  }
0x159: {  	v4 =	vmul.f32 $5.000000000e-01, v10;
	v8 =	vmul.f32 v8, v9  }
0x15a: {  	v10 =	vshrl.u32 v10, $0x1;
	v11 =	vsub.f32 $1.500000000e+00, v11;
	v13 =	vmul.f32 v13, v5  }
0x15b: {  	v14 =	vsub.s32 $0x5F3759DF, v10;
	v10 =	vsub.f32 $1.500000000e+00, v8  }
0x15c: {  	v15 =	vmul.f32 v14, v4;
	v8 =	vmul.f32 v6, v11;
	v11 =	vsub.f32 $1.500000000e+00, v13  }
0x15d: {  	s31 =	simm.s32 $0x50;
	v6 =	vmul.f32 $5.000000000e-01, v12;
	v9 =	vmul.f32 v10, v9  }
0x15e: {  	v13 =	vld [tilespmem:s31+$0x8D00];
	v10 =	vmul.f32 v8, v3;
	v5 =	vmul.f32 v11, v5  }
0x15f: {  	v15 =	vmul.f32 v14, v15;
	v16 =	vmul.f32 v9, v2  }
0x160: {  	v11 =	vshrl.u32 v12, $0x1;
	v10 =	vmul.f32 v10, v8;
	v7 =	vmul.f32 v5, v7  }
0x161: {  	v15 =	vsub.f32 $1.500000000e+00, v15;
	v11 =	vsub.s32 $0x5F3759DF, v11;
	v17 =	vmul.f32 v16, v9  }
0x162: {  	v16 =	vmul.f32 v11, v6;
	v12 =	vsub.f32 $1.500000000e+00, v10;
	v10 =	vmul.f32 v7, v5  }
0x163: {  	s12 =	simm.s32 $0x180;
	v14 =	vmul.f32 v14, v15;
	v7 =	vmul.f32 $5.000000000e-01, v13;
	v15 =	vsub.f32 $1.500000000e+00, v17  }
.LBB2_10:
0x164: {  	s13 =	sshra.s32 s12, $0x2;
	p1 =	sne.s32 s12, $0xFC0;
	v16 =	vmul.f32 v11, v16;
	v12 =	vmul.f32 v12, v8;
	v10 =	vsub.f32 $1.500000000e+00, v10  }
0x165: {  	v17 =	vld [tilespmem:s13+$0x8D00];
	v18 =	vmul.f32 v14, v4;
	v15 =	vmul.f32 v15, v9;
	v8 =	vmov v14  }
.Ltmp6:
0x166: {  	v14 =	vmul.f32 v12, v3;
	v10 =	vmul.f32 v10, v5;
	v9 =	vmov v12;
	(pc) =	sbr.rel @p1 .LBB2_10-.Ltmp6, $4  }
0x167: {  	v12 =	vshrl.u32 v13, $0x1;
	v21 =	vmul.f32 v18, v8;
	v18 =	vmul.f32 v15, v2;
	v5 =	vmovc v15;
	v2 =	vmovc v3  }
0x168: {  	v19 =	vsub.s32 $0x5F3759DF, v12;
	v15 =	vsub.f32 $1.500000000e+00, v16;
	v3 =	vmovc v4;
	v4 =	vmovc v6;
	v20 =	vmul.f32 v14, v9;
	[tilespmem:s6+$0x9500] =	vst v10;
	s6 =	smov.u32 s0;
	s0 =	smov.u32 s8;
	s8 =	smov.u32 s7  }
0x169: {  	v6 =	vmovc v7;
	v16 =	vmul.f32 v19, v7;
	s7 =	smov.u32 s5;
	s5 =	smov.u32 s31;
	s31 =	smov.u32 s13;
	v12 =	vsub.f32 $1.500000000e+00, v21;
	v10 =	vmul.f32 v18, v5  }
0x16a: {  	s12 =	sadd.s32 $0x40, s12;
	v14 =	vmul.f32 v11, v15;
	v11 =	vmovc v19;
	v7 =	vmul.f32 $5.000000000e-01, v17;
	v15 =	vsub.f32 $1.500000000e+00, v20;
	v13 =	vmovc v17  }
0x16b: {  	v13 =	vshrl.u32 v13, $0x1  }
0x16c: {  	v13 =	vsub.s32 $0x5F3759DF, v13  }
0x16d: {  	v17 =	vmul.f32 v13, v7  }
0x16e: {  	v16 =	vmul.f32 v11, v16  }
0x16f: {  	v17 =	vmul.f32 v13, v17  }
0x170: {  	v16 =	vsub.f32 $1.500000000e+00, v16  }
0x171: {  	v17 =	vsub.f32 $1.500000000e+00, v17  }
0x172: {  	v11 =	vmul.f32 v11, v16  }
0x173: {  	v16 =	vmul.f32 v14, v4;
	v13 =	vmul.f32 v13, v17  }
0x174: {  	v17 =	vmul.f32 v11, v6  }
0x175: {  	v16 =	vmul.f32 v16, v14;
	v18 =	vmul.f32 v13, v7  }
0x176: {  	v17 =	vmul.f32 v17, v11  }
0x177: {  	v16 =	vsub.f32 $1.500000000e+00, v16;
	v18 =	vmul.f32 v18, v13  }
0x178: {  	v8 =	vmul.f32 v12, v8;
	v12 =	vsub.f32 $1.500000000e+00, v17  }
0x179: {  	v9 =	vmul.f32 v15, v9;
	v14 =	vmul.f32 v16, v14;
	v15 =	vsub.f32 $1.500000000e+00, v18  }
0x17a: {  	v16 =	vmul.f32 v8, v3;
	v11 =	vmul.f32 v12, v11  }
0x17b: {  	v12 =	vmul.f32 v14, v4;
	v13 =	vmul.f32 v15, v13  }
0x17c: {  	v15 =	vmul.f32 v16, v8;
	v16 =	vmul.f32 v11, v6  }
0x17d: {  	v12 =	vmul.f32 v12, v14;
	v17 =	vmul.f32 v13, v7  }
0x17e: {  	v15 =	vsub.f32 $1.500000000e+00, v15;
	v16 =	vmul.f32 v16, v11  }
0x17f: {  	v2 =	vmul.f32 v9, v2;
	v12 =	vsub.f32 $1.500000000e+00, v12;
	v17 =	vmul.f32 v17, v13  }
0x180: {  	v8 =	vmul.f32 v15, v8;
	v15 =	vsub.f32 $1.500000000e+00, v16  }
0x181: {  	v2 =	vmul.f32 v2, v9;
	v12 =	vmul.f32 v12, v14;
	v14 =	vsub.f32 $1.500000000e+00, v17  }
0x182: {  	v3 =	vmul.f32 v8, v3;
	v11 =	vmul.f32 v15, v11  }
0x183: {  	v4 =	vmul.f32 v12, v4;
	v13 =	vmul.f32 v14, v13  }
0x184: {  	v10 =	vsub.f32 $1.500000000e+00, v10;
	v3 =	vmul.f32 v3, v8;
	v6 =	vmul.f32 v11, v6  }
0x185: {  	v2 =	vsub.f32 $1.500000000e+00, v2;
	v4 =	vmul.f32 v4, v12;
	v7 =	vmul.f32 v13, v7  }
0x186: {  	v5 =	vmul.f32 v10, v5;
	v3 =	vsub.f32 $1.500000000e+00, v3;
	v6 =	vmul.f32 v6, v11  }
0x187: {  	v2 =	vmul.f32 v2, v9;
	v4 =	vsub.f32 $1.500000000e+00, v4;
	v7 =	vmul.f32 v7, v13  }
0x188: {  	[tilespmem:s6+$0x9500] =	vst v5;
	v3 =	vmul.f32 v3, v8;
	v5 =	vsub.f32 $1.500000000e+00, v6  }
0x189: {  	[tilespmem:s0+$0x9500] =	vst v2;
	v2 =	vmul.f32 v4, v12;
	v4 =	vsub.f32 $1.500000000e+00, v7  }
0x18a: {  	[tilespmem:s8+$0x9500] =	vst v3;
	v3 =	vmul.f32 v5, v11  }
0x18b: {  	[tilespmem:s7+$0x9500] =	vst v2;
	v2 =	vmul.f32 v4, v13  }
0x18c: {  	[tilespmem:s5+$0x9500] =	vst v3  }
0x18d: {  	s12 =	rddreg [dreg:$0x10];
	s13 =	simm.s32 $0x8D00;
	[tilespmem:s31+$0x9500] =	vst v2  }
0x18e: {  	[tilespmem:s13], [sflag:$0x4] =	stream.linear.gather [spmem:s12], $0x400, $0x38;
	[tilespmem:$0x1FB80] =	vst v63  }
0x18f: {  	_ =	swait.ge [sflag:s4], $0x400  }
0x190: {  	[sflag:s4] =	ssyncset.done $0x0  }
0x191: {  	s6 =	simm.s32 $0x0;
	[sflag:s4] =	ssyncadd.s32 $0xFFFFFC00  }
0x192: {  	v2 =	vld [tilespmem:s6+$0x8D00];
	_ =	sdelay $0x4  }
0x193: {  	v7 =	vmul.f32 $5.000000000e-01, v2;
	v2 =	vshrl.u32 v2, $0x1  }
0x194: {  	s0 =	simm.s32 $0x10;
	v3 =	vsub.s32 $0x5F3759DF, v2  }
0x195: {  	v4 =	vld [tilespmem:s0+$0x8D00];
	v2 =	vmul.f32 v3, v7;
	_ =	sdelay $0x1  }
0x196: {  	v2 =	vmul.f32 v3, v2;
	_ =	sdelay $0x1  }
0x197: {  	v5 =	vsub.f32 $1.500000000e+00, v2  }
0x198: {  	v2 =	vmul.f32 $5.000000000e-01, v4;
	v4 =	vshrl.u32 v4, $0x1  }
0x199: {  	s8 =	simm.s32 $0x20;
	v4 =	vsub.s32 $0x5F3759DF, v4;
	v5 =	vmul.f32 v3, v5  }
0x19a: {  	v6 =	vld [tilespmem:s8+$0x8D00];
	v3 =	vmul.f32 v4, v2  }
0x19b: {  	v8 =	vmul.f32 v5, v7  }
0x19c: {  	v3 =	vmul.f32 v4, v3  }
0x19d: {  	v8 =	vmul.f32 v8, v5  }
0x19e: {  	s7 =	simm.s32 $0x30;
	v9 =	vsub.f32 $1.500000000e+00, v3  }
0x19f: {  	v10 =	vld [tilespmem:s7+$0x8D00];
	v3 =	vmul.f32 $5.000000000e-01, v6;
	v6 =	vshrl.u32 v6, $0x1;
	v8 =	vsub.f32 $1.500000000e+00, v8  }
0x1a0: {  	v6 =	vsub.s32 $0x5F3759DF, v6;
	v9 =	vmul.f32 v4, v9  }
0x1a1: {  	v4 =	vmul.f32 v6, v3;
	v5 =	vmul.f32 v8, v5  }
0x1a2: {  	s5 =	simm.s32 $0x40;
	v8 =	vmul.f32 v9, v2  }
0x1a3: {  	v12 =	vld [tilespmem:s5+$0x8D00];
	v11 =	vmul.f32 v6, v4;
	v13 =	vmul.f32 v5, v7  }
0x1a4: {  	v4 =	vmul.f32 $5.000000000e-01, v10;
	v8 =	vmul.f32 v8, v9  }
0x1a5: {  	v10 =	vshrl.u32 v10, $0x1;
	v11 =	vsub.f32 $1.500000000e+00, v11;
	v13 =	vmul.f32 v13, v5  }
0x1a6: {  	v14 =	vsub.s32 $0x5F3759DF, v10;
	v10 =	vsub.f32 $1.500000000e+00, v8  }
0x1a7: {  	v15 =	vmul.f32 v14, v4;
	v8 =	vmul.f32 v6, v11;
	v11 =	vsub.f32 $1.500000000e+00, v13  }
0x1a8: {  	s31 =	simm.s32 $0x50;
	v6 =	vmul.f32 $5.000000000e-01, v12;
	v9 =	vmul.f32 v10, v9  }
0x1a9: {  	v13 =	vld [tilespmem:s31+$0x8D00];
	v10 =	vmul.f32 v8, v3;
	v5 =	vmul.f32 v11, v5  }
0x1aa: {  	v15 =	vmul.f32 v14, v15;
	v16 =	vmul.f32 v9, v2  }
0x1ab: {  	v11 =	vshrl.u32 v12, $0x1;
	v10 =	vmul.f32 v10, v8;
	v7 =	vmul.f32 v5, v7  }
0x1ac: {  	v15 =	vsub.f32 $1.500000000e+00, v15;
	v11 =	vsub.s32 $0x5F3759DF, v11;
	v17 =	vmul.f32 v16, v9  }
0x1ad: {  	v16 =	vmul.f32 v11, v6;
	v12 =	vsub.f32 $1.500000000e+00, v10;
	v10 =	vmul.f32 v7, v5  }
0x1ae: {  	s12 =	simm.s32 $0x180;
	v14 =	vmul.f32 v14, v15;
	v7 =	vmul.f32 $5.000000000e-01, v13;
	v15 =	vsub.f32 $1.500000000e+00, v17  }
.LBB2_12:
0x1af: {  	s13 =	sshra.s32 s12, $0x2;
	p1 =	sne.s32 s12, $0xFC0;
	v16 =	vmul.f32 v11, v16;
	v12 =	vmul.f32 v12, v8;
	v10 =	vsub.f32 $1.500000000e+00, v10  }
0x1b0: {  	v17 =	vld [tilespmem:s13+$0x8D00];
	v18 =	vmul.f32 v14, v4;
	v15 =	vmul.f32 v15, v9;
	v8 =	vmov v14  }
.Ltmp7:
0x1b1: {  	v14 =	vmul.f32 v12, v3;
	v10 =	vmul.f32 v10, v5;
	v9 =	vmov v12;
	(pc) =	sbr.rel @p1 .LBB2_12-.Ltmp7, $4  }
0x1b2: {  	v12 =	vshrl.u32 v13, $0x1;
	v21 =	vmul.f32 v18, v8;
	v18 =	vmul.f32 v15, v2;
	v5 =	vmovc v15;
	v2 =	vmovc v3  }
0x1b3: {  	v19 =	vsub.s32 $0x5F3759DF, v12;
	v15 =	vsub.f32 $1.500000000e+00, v16;
	v3 =	vmovc v4;
	v4 =	vmovc v6;
	v20 =	vmul.f32 v14, v9;
	[tilespmem:s6+$0x9900] =	vst v10;
	s6 =	smov.u32 s0;
	s0 =	smov.u32 s8;
	s8 =	smov.u32 s7  }
0x1b4: {  	v6 =	vmovc v7;
	v16 =	vmul.f32 v19, v7;
	s7 =	smov.u32 s5;
	s5 =	smov.u32 s31;
	s31 =	smov.u32 s13;
	v12 =	vsub.f32 $1.500000000e+00, v21;
	v10 =	vmul.f32 v18, v5  }
0x1b5: {  	s12 =	sadd.s32 $0x40, s12;
	v14 =	vmul.f32 v11, v15;
	v11 =	vmovc v19;
	v7 =	vmul.f32 $5.000000000e-01, v17;
	v15 =	vsub.f32 $1.500000000e+00, v20;
	v13 =	vmovc v17  }
0x1b6: {  	v13 =	vshrl.u32 v13, $0x1  }
0x1b7: {  	v13 =	vsub.s32 $0x5F3759DF, v13  }
0x1b8: {  	v17 =	vmul.f32 v13, v7  }
0x1b9: {  	v16 =	vmul.f32 v11, v16  }
0x1ba: {  	v17 =	vmul.f32 v13, v17  }
0x1bb: {  	v16 =	vsub.f32 $1.500000000e+00, v16  }
0x1bc: {  	v17 =	vsub.f32 $1.500000000e+00, v17  }
0x1bd: {  	v11 =	vmul.f32 v11, v16  }
0x1be: {  	v16 =	vmul.f32 v14, v4;
	v13 =	vmul.f32 v13, v17  }
0x1bf: {  	v17 =	vmul.f32 v11, v6  }
0x1c0: {  	v16 =	vmul.f32 v16, v14;
	v18 =	vmul.f32 v13, v7  }
0x1c1: {  	v17 =	vmul.f32 v17, v11  }
0x1c2: {  	v16 =	vsub.f32 $1.500000000e+00, v16;
	v18 =	vmul.f32 v18, v13  }
0x1c3: {  	v8 =	vmul.f32 v12, v8;
	v12 =	vsub.f32 $1.500000000e+00, v17  }
0x1c4: {  	v9 =	vmul.f32 v15, v9;
	v14 =	vmul.f32 v16, v14;
	v15 =	vsub.f32 $1.500000000e+00, v18  }
0x1c5: {  	v16 =	vmul.f32 v8, v3;
	v11 =	vmul.f32 v12, v11  }
0x1c6: {  	v12 =	vmul.f32 v14, v4;
	v13 =	vmul.f32 v15, v13  }
0x1c7: {  	v15 =	vmul.f32 v16, v8;
	v16 =	vmul.f32 v11, v6  }
0x1c8: {  	v12 =	vmul.f32 v12, v14;
	v17 =	vmul.f32 v13, v7  }
0x1c9: {  	v15 =	vsub.f32 $1.500000000e+00, v15;
	v16 =	vmul.f32 v16, v11  }
0x1ca: {  	v2 =	vmul.f32 v9, v2;
	v12 =	vsub.f32 $1.500000000e+00, v12;
	v17 =	vmul.f32 v17, v13  }
0x1cb: {  	v8 =	vmul.f32 v15, v8;
	v15 =	vsub.f32 $1.500000000e+00, v16  }
0x1cc: {  	v2 =	vmul.f32 v2, v9;
	v12 =	vmul.f32 v12, v14;
	v14 =	vsub.f32 $1.500000000e+00, v17  }
0x1cd: {  	v3 =	vmul.f32 v8, v3;
	v11 =	vmul.f32 v15, v11  }
0x1ce: {  	v4 =	vmul.f32 v12, v4;
	v13 =	vmul.f32 v14, v13  }
0x1cf: {  	v10 =	vsub.f32 $1.500000000e+00, v10;
	v3 =	vmul.f32 v3, v8;
	v6 =	vmul.f32 v11, v6  }
0x1d0: {  	v2 =	vsub.f32 $1.500000000e+00, v2;
	v4 =	vmul.f32 v4, v12;
	v7 =	vmul.f32 v13, v7  }
0x1d1: {  	v5 =	vmul.f32 v10, v5;
	v3 =	vsub.f32 $1.500000000e+00, v3;
	v6 =	vmul.f32 v6, v11  }
0x1d2: {  	v2 =	vmul.f32 v2, v9;
	v4 =	vsub.f32 $1.500000000e+00, v4;
	v7 =	vmul.f32 v7, v13  }
0x1d3: {  	[tilespmem:s6+$0x9900] =	vst v5;
	v3 =	vmul.f32 v3, v8;
	v5 =	vsub.f32 $1.500000000e+00, v6  }
0x1d4: {  	[tilespmem:s0+$0x9900] =	vst v2;
	v2 =	vmul.f32 v4, v12;
	v4 =	vsub.f32 $1.500000000e+00, v7  }
0x1d5: {  	[tilespmem:s8+$0x9900] =	vst v3;
	v3 =	vmul.f32 v5, v11  }
0x1d6: {  	[tilespmem:s7+$0x9900] =	vst v2;
	v2 =	vmul.f32 v4, v13  }
0x1d7: {  	[tilespmem:s5+$0x9900] =	vst v3  }
0x1d8: {  	s12 =	rddreg [dreg:$0x11];
	s13 =	simm.s32 $0x8D00;
	[tilespmem:s31+$0x9900] =	vst v2  }
0x1d9: {  	[tilespmem:s13], [sflag:$0x4] =	stream.linear.gather [spmem:s12], $0x400, $0x38;
	[tilespmem:$0x1FB80] =	vst v63  }
0x1da: {  	_ =	swait.ge [sflag:s4], $0x400  }
0x1db: {  	[sflag:s4] =	ssyncset.done $0x0  }
0x1dc: {  	s6 =	simm.s32 $0x0;
	[sflag:s4] =	ssyncadd.s32 $0xFFFFFC00  }
0x1dd: {  	v2 =	vld [tilespmem:s6+$0x8D00];
	_ =	sdelay $0x4  }
0x1de: {  	v7 =	vmul.f32 $5.000000000e-01, v2;
	v2 =	vshrl.u32 v2, $0x1  }
0x1df: {  	s0 =	simm.s32 $0x10;
	v3 =	vsub.s32 $0x5F3759DF, v2  }
0x1e0: {  	v4 =	vld [tilespmem:s0+$0x8D00];
	v2 =	vmul.f32 v3, v7;
	_ =	sdelay $0x1  }
0x1e1: {  	v2 =	vmul.f32 v3, v2;
	_ =	sdelay $0x1  }
0x1e2: {  	v5 =	vsub.f32 $1.500000000e+00, v2  }
0x1e3: {  	v2 =	vmul.f32 $5.000000000e-01, v4;
	v4 =	vshrl.u32 v4, $0x1  }
0x1e4: {  	s8 =	simm.s32 $0x20;
	v4 =	vsub.s32 $0x5F3759DF, v4;
	v5 =	vmul.f32 v3, v5  }
0x1e5: {  	v6 =	vld [tilespmem:s8+$0x8D00];
	v3 =	vmul.f32 v4, v2  }
0x1e6: {  	v8 =	vmul.f32 v5, v7  }
0x1e7: {  	v3 =	vmul.f32 v4, v3  }
0x1e8: {  	v8 =	vmul.f32 v8, v5  }
0x1e9: {  	s7 =	simm.s32 $0x30;
	v9 =	vsub.f32 $1.500000000e+00, v3  }
0x1ea: {  	v10 =	vld [tilespmem:s7+$0x8D00];
	v3 =	vmul.f32 $5.000000000e-01, v6;
	v6 =	vshrl.u32 v6, $0x1;
	v8 =	vsub.f32 $1.500000000e+00, v8  }
0x1eb: {  	v6 =	vsub.s32 $0x5F3759DF, v6;
	v9 =	vmul.f32 v4, v9  }
0x1ec: {  	v4 =	vmul.f32 v6, v3;
	v5 =	vmul.f32 v8, v5  }
0x1ed: {  	s5 =	simm.s32 $0x40;
	v8 =	vmul.f32 v9, v2  }
0x1ee: {  	v12 =	vld [tilespmem:s5+$0x8D00];
	v11 =	vmul.f32 v6, v4;
	v13 =	vmul.f32 v5, v7  }
0x1ef: {  	v4 =	vmul.f32 $5.000000000e-01, v10;
	v8 =	vmul.f32 v8, v9  }
0x1f0: {  	v10 =	vshrl.u32 v10, $0x1;
	v11 =	vsub.f32 $1.500000000e+00, v11;
	v13 =	vmul.f32 v13, v5  }
0x1f1: {  	v14 =	vsub.s32 $0x5F3759DF, v10;
	v10 =	vsub.f32 $1.500000000e+00, v8  }
0x1f2: {  	v15 =	vmul.f32 v14, v4;
	v8 =	vmul.f32 v6, v11;
	v11 =	vsub.f32 $1.500000000e+00, v13  }
0x1f3: {  	s31 =	simm.s32 $0x50;
	v6 =	vmul.f32 $5.000000000e-01, v12;
	v9 =	vmul.f32 v10, v9  }
0x1f4: {  	v13 =	vld [tilespmem:s31+$0x8D00];
	v10 =	vmul.f32 v8, v3;
	v5 =	vmul.f32 v11, v5  }
0x1f5: {  	v15 =	vmul.f32 v14, v15;
	v16 =	vmul.f32 v9, v2  }
0x1f6: {  	v11 =	vshrl.u32 v12, $0x1;
	v10 =	vmul.f32 v10, v8;
	v7 =	vmul.f32 v5, v7  }
0x1f7: {  	v15 =	vsub.f32 $1.500000000e+00, v15;
	v11 =	vsub.s32 $0x5F3759DF, v11;
	v17 =	vmul.f32 v16, v9  }
0x1f8: {  	v16 =	vmul.f32 v11, v6;
	v12 =	vsub.f32 $1.500000000e+00, v10;
	v10 =	vmul.f32 v7, v5  }
0x1f9: {  	s12 =	simm.s32 $0x180;
	v14 =	vmul.f32 v14, v15;
	v7 =	vmul.f32 $5.000000000e-01, v13;
	v15 =	vsub.f32 $1.500000000e+00, v17  }
.LBB2_14:
0x1fa: {  	s13 =	sshra.s32 s12, $0x2;
	p1 =	sne.s32 s12, $0xFC0;
	v16 =	vmul.f32 v11, v16;
	v12 =	vmul.f32 v12, v8;
	v10 =	vsub.f32 $1.500000000e+00, v10  }
0x1fb: {  	v17 =	vld [tilespmem:s13+$0x8D00];
	v18 =	vmul.f32 v14, v4;
	v15 =	vmul.f32 v15, v9;
	v8 =	vmov v14  }
.Ltmp8:
0x1fc: {  	v14 =	vmul.f32 v12, v3;
	v10 =	vmul.f32 v10, v5;
	v9 =	vmov v12;
	(pc) =	sbr.rel @p1 .LBB2_14-.Ltmp8, $4  }
0x1fd: {  	v12 =	vshrl.u32 v13, $0x1;
	v21 =	vmul.f32 v18, v8;
	v18 =	vmul.f32 v15, v2;
	v5 =	vmovc v15;
	v2 =	vmovc v3  }
0x1fe: {  	v19 =	vsub.s32 $0x5F3759DF, v12;
	v15 =	vsub.f32 $1.500000000e+00, v16;
	v3 =	vmovc v4;
	v4 =	vmovc v6;
	v20 =	vmul.f32 v14, v9;
	[tilespmem:s6+$0x9D00] =	vst v10;
	s6 =	smov.u32 s0;
	s0 =	smov.u32 s8;
	s8 =	smov.u32 s7  }
0x1ff: {  	v6 =	vmovc v7;
	v16 =	vmul.f32 v19, v7;
	s7 =	smov.u32 s5;
	s5 =	smov.u32 s31;
	s31 =	smov.u32 s13;
	v12 =	vsub.f32 $1.500000000e+00, v21;
	v10 =	vmul.f32 v18, v5  }
0x200: {  	s12 =	sadd.s32 $0x40, s12;
	v14 =	vmul.f32 v11, v15;
	v11 =	vmovc v19;
	v7 =	vmul.f32 $5.000000000e-01, v17;
	v15 =	vsub.f32 $1.500000000e+00, v20;
	v13 =	vmovc v17  }
0x201: {  	v13 =	vshrl.u32 v13, $0x1  }
0x202: {  	v13 =	vsub.s32 $0x5F3759DF, v13  }
0x203: {  	v17 =	vmul.f32 v13, v7  }
0x204: {  	v16 =	vmul.f32 v11, v16  }
0x205: {  	v17 =	vmul.f32 v13, v17  }
0x206: {  	v16 =	vsub.f32 $1.500000000e+00, v16  }
0x207: {  	v17 =	vsub.f32 $1.500000000e+00, v17  }
0x208: {  	v11 =	vmul.f32 v11, v16  }
0x209: {  	v16 =	vmul.f32 v14, v4;
	v13 =	vmul.f32 v13, v17  }
0x20a: {  	v17 =	vmul.f32 v11, v6  }
0x20b: {  	v16 =	vmul.f32 v16, v14;
	v18 =	vmul.f32 v13, v7  }
0x20c: {  	v17 =	vmul.f32 v17, v11  }
0x20d: {  	v16 =	vsub.f32 $1.500000000e+00, v16;
	v18 =	vmul.f32 v18, v13  }
0x20e: {  	v8 =	vmul.f32 v12, v8;
	v12 =	vsub.f32 $1.500000000e+00, v17  }
0x20f: {  	v9 =	vmul.f32 v15, v9;
	v14 =	vmul.f32 v16, v14;
	v15 =	vsub.f32 $1.500000000e+00, v18  }
0x210: {  	v16 =	vmul.f32 v8, v3;
	v11 =	vmul.f32 v12, v11  }
0x211: {  	v12 =	vmul.f32 v14, v4;
	v13 =	vmul.f32 v15, v13  }
0x212: {  	v15 =	vmul.f32 v16, v8;
	v16 =	vmul.f32 v11, v6  }
0x213: {  	v12 =	vmul.f32 v12, v14;
	v17 =	vmul.f32 v13, v7  }
0x214: {  	v15 =	vsub.f32 $1.500000000e+00, v15;
	v16 =	vmul.f32 v16, v11  }
0x215: {  	v2 =	vmul.f32 v9, v2;
	v12 =	vsub.f32 $1.500000000e+00, v12;
	v17 =	vmul.f32 v17, v13  }
0x216: {  	v8 =	vmul.f32 v15, v8;
	v15 =	vsub.f32 $1.500000000e+00, v16  }
0x217: {  	v2 =	vmul.f32 v2, v9;
	v12 =	vmul.f32 v12, v14;
	v14 =	vsub.f32 $1.500000000e+00, v17  }
0x218: {  	v3 =	vmul.f32 v8, v3;
	v11 =	vmul.f32 v15, v11  }
0x219: {  	v4 =	vmul.f32 v12, v4;
	v13 =	vmul.f32 v14, v13  }
0x21a: {  	v10 =	vsub.f32 $1.500000000e+00, v10;
	v3 =	vmul.f32 v3, v8;
	v6 =	vmul.f32 v11, v6  }
0x21b: {  	v2 =	vsub.f32 $1.500000000e+00, v2;
	v4 =	vmul.f32 v4, v12;
	v7 =	vmul.f32 v13, v7  }
0x21c: {  	v5 =	vmul.f32 v10, v5;
	v3 =	vsub.f32 $1.500000000e+00, v3;
	v6 =	vmul.f32 v6, v11  }
0x21d: {  	v2 =	vmul.f32 v2, v9;
	v4 =	vsub.f32 $1.500000000e+00, v4;
	v7 =	vmul.f32 v7, v13  }
0x21e: {  	[tilespmem:s6+$0x9D00] =	vst v5;
	v3 =	vmul.f32 v3, v8;
	v5 =	vsub.f32 $1.500000000e+00, v6  }
0x21f: {  	[tilespmem:s0+$0x9D00] =	vst v2;
	v2 =	vmul.f32 v4, v12;
	v4 =	vsub.f32 $1.500000000e+00, v7  }
0x220: {  	[tilespmem:s8+$0x9D00] =	vst v3;
	v3 =	vmul.f32 v5, v11  }
0x221: {  	[tilespmem:s7+$0x9D00] =	vst v2;
	v2 =	vmul.f32 v4, v13  }
0x222: {  	[tilespmem:s5+$0x9D00] =	vst v3  }
0x223: {  	s12 =	rddreg [dreg:$0x19];
	s13 =	simm.s32 $0x8D00;
	[tilespmem:s31+$0x9D00] =	vst v2  }
0x224: {  	[tilespmem:s13], [sflag:$0x4] =	stream.linear.gather [spmem:s12], $0x400, $0x38;
	[tilespmem:$0x1FB80] =	vst v63  }
0x225: {  	_ =	swait.ge [sflag:s4], $0x400  }
0x226: {  	[sflag:s4] =	ssyncset.done $0x0  }
0x227: {  	s6 =	simm.s32 $0x0;
	[sflag:s4] =	ssyncadd.s32 $0xFFFFFC00  }
0x228: {  	v2 =	vld [tilespmem:s6+$0x8D00];
	_ =	sdelay $0x4  }
0x229: {  	v7 =	vmul.f32 $5.000000000e-01, v2;
	v2 =	vshrl.u32 v2, $0x1  }
0x22a: {  	s0 =	simm.s32 $0x10;
	v3 =	vsub.s32 $0x5F3759DF, v2  }
0x22b: {  	v4 =	vld [tilespmem:s0+$0x8D00];
	v2 =	vmul.f32 v3, v7;
	_ =	sdelay $0x1  }
0x22c: {  	v2 =	vmul.f32 v3, v2;
	_ =	sdelay $0x1  }
0x22d: {  	v5 =	vsub.f32 $1.500000000e+00, v2  }
0x22e: {  	v2 =	vmul.f32 $5.000000000e-01, v4;
	v4 =	vshrl.u32 v4, $0x1  }
0x22f: {  	s8 =	simm.s32 $0x20;
	v4 =	vsub.s32 $0x5F3759DF, v4;
	v5 =	vmul.f32 v3, v5  }
0x230: {  	v6 =	vld [tilespmem:s8+$0x8D00];
	v3 =	vmul.f32 v4, v2  }
0x231: {  	v8 =	vmul.f32 v5, v7  }
0x232: {  	v3 =	vmul.f32 v4, v3  }
0x233: {  	v8 =	vmul.f32 v8, v5  }
0x234: {  	s7 =	simm.s32 $0x30;
	v9 =	vsub.f32 $1.500000000e+00, v3  }
0x235: {  	v10 =	vld [tilespmem:s7+$0x8D00];
	v3 =	vmul.f32 $5.000000000e-01, v6;
	v6 =	vshrl.u32 v6, $0x1;
	v8 =	vsub.f32 $1.500000000e+00, v8  }
0x236: {  	v6 =	vsub.s32 $0x5F3759DF, v6;
	v9 =	vmul.f32 v4, v9  }
0x237: {  	v4 =	vmul.f32 v6, v3;
	v5 =	vmul.f32 v8, v5  }
0x238: {  	s5 =	simm.s32 $0x40;
	v8 =	vmul.f32 v9, v2  }
0x239: {  	v12 =	vld [tilespmem:s5+$0x8D00];
	v11 =	vmul.f32 v6, v4;
	v13 =	vmul.f32 v5, v7  }
0x23a: {  	v4 =	vmul.f32 $5.000000000e-01, v10;
	v8 =	vmul.f32 v8, v9  }
0x23b: {  	v10 =	vshrl.u32 v10, $0x1;
	v11 =	vsub.f32 $1.500000000e+00, v11;
	v13 =	vmul.f32 v13, v5  }
0x23c: {  	v14 =	vsub.s32 $0x5F3759DF, v10;
	v10 =	vsub.f32 $1.500000000e+00, v8  }
0x23d: {  	v15 =	vmul.f32 v14, v4;
	v8 =	vmul.f32 v6, v11;
	v11 =	vsub.f32 $1.500000000e+00, v13  }
0x23e: {  	s31 =	simm.s32 $0x50;
	v6 =	vmul.f32 $5.000000000e-01, v12;
	v9 =	vmul.f32 v10, v9  }
0x23f: {  	v13 =	vld [tilespmem:s31+$0x8D00];
	v10 =	vmul.f32 v8, v3;
	v5 =	vmul.f32 v11, v5  }
0x240: {  	v15 =	vmul.f32 v14, v15;
	v16 =	vmul.f32 v9, v2  }
0x241: {  	v11 =	vshrl.u32 v12, $0x1;
	v10 =	vmul.f32 v10, v8;
	v7 =	vmul.f32 v5, v7  }
0x242: {  	v15 =	vsub.f32 $1.500000000e+00, v15;
	v11 =	vsub.s32 $0x5F3759DF, v11;
	v17 =	vmul.f32 v16, v9  }
0x243: {  	v16 =	vmul.f32 v11, v6;
	v12 =	vsub.f32 $1.500000000e+00, v10;
	v10 =	vmul.f32 v7, v5  }
0x244: {  	s12 =	simm.s32 $0x180;
	v14 =	vmul.f32 v14, v15;
	v7 =	vmul.f32 $5.000000000e-01, v13;
	v15 =	vsub.f32 $1.500000000e+00, v17  }
.LBB2_16:
0x245: {  	s13 =	sshra.s32 s12, $0x2;
	p1 =	sne.s32 s12, $0xFC0;
	v16 =	vmul.f32 v11, v16;
	v12 =	vmul.f32 v12, v8;
	v10 =	vsub.f32 $1.500000000e+00, v10  }
0x246: {  	v17 =	vld [tilespmem:s13+$0x8D00];
	v18 =	vmul.f32 v14, v4;
	v15 =	vmul.f32 v15, v9;
	v8 =	vmov v14  }
.Ltmp9:
0x247: {  	v14 =	vmul.f32 v12, v3;
	v10 =	vmul.f32 v10, v5;
	v9 =	vmov v12;
	(pc) =	sbr.rel @p1 .LBB2_16-.Ltmp9, $4  }
0x248: {  	v12 =	vshrl.u32 v13, $0x1;
	v21 =	vmul.f32 v18, v8;
	v18 =	vmul.f32 v15, v2;
	v5 =	vmovc v15;
	v2 =	vmovc v3  }
0x249: {  	v19 =	vsub.s32 $0x5F3759DF, v12;
	v15 =	vsub.f32 $1.500000000e+00, v16;
	v3 =	vmovc v4;
	v4 =	vmovc v6;
	v20 =	vmul.f32 v14, v9;
	[tilespmem:s6+$0xA100] =	vst v10;
	s6 =	smov.u32 s0;
	s0 =	smov.u32 s8;
	s8 =	smov.u32 s7  }
0x24a: {  	v6 =	vmovc v7;
	v16 =	vmul.f32 v19, v7;
	s7 =	smov.u32 s5;
	s5 =	smov.u32 s31;
	s31 =	smov.u32 s13;
	v12 =	vsub.f32 $1.500000000e+00, v21;
	v10 =	vmul.f32 v18, v5  }
0x24b: {  	s12 =	sadd.s32 $0x40, s12;
	v14 =	vmul.f32 v11, v15;
	v11 =	vmovc v19;
	v7 =	vmul.f32 $5.000000000e-01, v17;
	v15 =	vsub.f32 $1.500000000e+00, v20;
	v13 =	vmovc v17  }
0x24c: {  	v13 =	vshrl.u32 v13, $0x1  }
0x24d: {  	v13 =	vsub.s32 $0x5F3759DF, v13  }
0x24e: {  	v17 =	vmul.f32 v13, v7  }
0x24f: {  	v16 =	vmul.f32 v11, v16  }
0x250: {  	v17 =	vmul.f32 v13, v17  }
0x251: {  	v16 =	vsub.f32 $1.500000000e+00, v16  }
0x252: {  	v17 =	vsub.f32 $1.500000000e+00, v17  }
0x253: {  	v11 =	vmul.f32 v11, v16  }
0x254: {  	v16 =	vmul.f32 v14, v4;
	v13 =	vmul.f32 v13, v17  }
0x255: {  	v17 =	vmul.f32 v11, v6  }
0x256: {  	v16 =	vmul.f32 v16, v14;
	v18 =	vmul.f32 v13, v7  }
0x257: {  	v17 =	vmul.f32 v17, v11  }
0x258: {  	v16 =	vsub.f32 $1.500000000e+00, v16;
	v18 =	vmul.f32 v18, v13  }
0x259: {  	v8 =	vmul.f32 v12, v8;
	v12 =	vsub.f32 $1.500000000e+00, v17  }
0x25a: {  	v9 =	vmul.f32 v15, v9;
	v14 =	vmul.f32 v16, v14;
	v15 =	vsub.f32 $1.500000000e+00, v18  }
0x25b: {  	v16 =	vmul.f32 v8, v3;
	v11 =	vmul.f32 v12, v11  }
0x25c: {  	v12 =	vmul.f32 v14, v4;
	v13 =	vmul.f32 v15, v13  }
0x25d: {  	v15 =	vmul.f32 v16, v8;
	v16 =	vmul.f32 v11, v6  }
0x25e: {  	v12 =	vmul.f32 v12, v14;
	v17 =	vmul.f32 v13, v7  }
0x25f: {  	v15 =	vsub.f32 $1.500000000e+00, v15;
	v16 =	vmul.f32 v16, v11  }
0x260: {  	v2 =	vmul.f32 v9, v2;
	v12 =	vsub.f32 $1.500000000e+00, v12;
	v17 =	vmul.f32 v17, v13  }
0x261: {  	v8 =	vmul.f32 v15, v8;
	v15 =	vsub.f32 $1.500000000e+00, v16  }
0x262: {  	v2 =	vmul.f32 v2, v9;
	v12 =	vmul.f32 v12, v14;
	v14 =	vsub.f32 $1.500000000e+00, v17  }
0x263: {  	v3 =	vmul.f32 v8, v3;
	v11 =	vmul.f32 v15, v11  }
0x264: {  	v4 =	vmul.f32 v12, v4;
	v13 =	vmul.f32 v14, v13  }
0x265: {  	v10 =	vsub.f32 $1.500000000e+00, v10;
	v3 =	vmul.f32 v3, v8;
	v6 =	vmul.f32 v11, v6  }
0x266: {  	v2 =	vsub.f32 $1.500000000e+00, v2;
	v4 =	vmul.f32 v4, v12;
	v7 =	vmul.f32 v13, v7  }
0x267: {  	v5 =	vmul.f32 v10, v5;
	v3 =	vsub.f32 $1.500000000e+00, v3;
	v6 =	vmul.f32 v6, v11  }
0x268: {  	v2 =	vmul.f32 v2, v9;
	v4 =	vsub.f32 $1.500000000e+00, v4;
	v7 =	vmul.f32 v7, v13  }
0x269: {  	[tilespmem:s6+$0xA100] =	vst v5;
	v3 =	vmul.f32 v3, v8;
	v5 =	vsub.f32 $1.500000000e+00, v6  }
0x26a: {  	[tilespmem:s0+$0xA100] =	vst v2;
	v2 =	vmul.f32 v4, v12;
	v4 =	vsub.f32 $1.500000000e+00, v7  }
0x26b: {  	[tilespmem:s8+$0xA100] =	vst v3;
	v3 =	vmul.f32 v5, v11  }
0x26c: {  	[tilespmem:s7+$0xA100] =	vst v2;
	v2 =	vmul.f32 v4, v13  }
0x26d: {  	[tilespmem:s5+$0xA100] =	vst v3  }
0x26e: {  	s12 =	rddreg [dreg:$0x1a];
	s13 =	simm.s32 $0x8D00;
	[tilespmem:s31+$0xA100] =	vst v2  }
0x26f: {  	[tilespmem:s13], [sflag:$0x4] =	stream.linear.gather [spmem:s12], $0x400, $0x38;
	[tilespmem:$0x1FB80] =	vst v63  }
0x270: {  	_ =	swait.ge [sflag:s4], $0x400  }
0x271: {  	[sflag:s4] =	ssyncset.done $0x0  }
0x272: {  	s6 =	simm.s32 $0x0;
	[sflag:s4] =	ssyncadd.s32 $0xFFFFFC00  }
0x273: {  	v2 =	vld [tilespmem:s6+$0x8D00];
	_ =	sdelay $0x4  }
0x274: {  	v7 =	vmul.f32 $5.000000000e-01, v2;
	v2 =	vshrl.u32 v2, $0x1  }
0x275: {  	s0 =	simm.s32 $0x10;
	v3 =	vsub.s32 $0x5F3759DF, v2  }
0x276: {  	v4 =	vld [tilespmem:s0+$0x8D00];
	v2 =	vmul.f32 v3, v7;
	_ =	sdelay $0x1  }
0x277: {  	v2 =	vmul.f32 v3, v2;
	_ =	sdelay $0x1  }
0x278: {  	v5 =	vsub.f32 $1.500000000e+00, v2  }
0x279: {  	v2 =	vmul.f32 $5.000000000e-01, v4;
	v4 =	vshrl.u32 v4, $0x1  }
0x27a: {  	s8 =	simm.s32 $0x20;
	v4 =	vsub.s32 $0x5F3759DF, v4;
	v5 =	vmul.f32 v3, v5  }
0x27b: {  	v6 =	vld [tilespmem:s8+$0x8D00];
	v3 =	vmul.f32 v4, v2  }
0x27c: {  	v8 =	vmul.f32 v5, v7  }
0x27d: {  	v3 =	vmul.f32 v4, v3  }
0x27e: {  	v8 =	vmul.f32 v8, v5  }
0x27f: {  	s7 =	simm.s32 $0x30;
	v9 =	vsub.f32 $1.500000000e+00, v3  }
0x280: {  	v10 =	vld [tilespmem:s7+$0x8D00];
	v3 =	vmul.f32 $5.000000000e-01, v6;
	v6 =	vshrl.u32 v6, $0x1;
	v8 =	vsub.f32 $1.500000000e+00, v8  }
0x281: {  	v6 =	vsub.s32 $0x5F3759DF, v6;
	v9 =	vmul.f32 v4, v9  }
0x282: {  	v4 =	vmul.f32 v6, v3;
	v5 =	vmul.f32 v8, v5  }
0x283: {  	s5 =	simm.s32 $0x40;
	v8 =	vmul.f32 v9, v2  }
0x284: {  	v12 =	vld [tilespmem:s5+$0x8D00];
	v11 =	vmul.f32 v6, v4;
	v13 =	vmul.f32 v5, v7  }
0x285: {  	v4 =	vmul.f32 $5.000000000e-01, v10;
	v8 =	vmul.f32 v8, v9  }
0x286: {  	v10 =	vshrl.u32 v10, $0x1;
	v11 =	vsub.f32 $1.500000000e+00, v11;
	v13 =	vmul.f32 v13, v5  }
0x287: {  	v14 =	vsub.s32 $0x5F3759DF, v10;
	v10 =	vsub.f32 $1.500000000e+00, v8  }
0x288: {  	v15 =	vmul.f32 v14, v4;
	v8 =	vmul.f32 v6, v11;
	v11 =	vsub.f32 $1.500000000e+00, v13  }
0x289: {  	s31 =	simm.s32 $0x50;
	v6 =	vmul.f32 $5.000000000e-01, v12;
	v9 =	vmul.f32 v10, v9  }
0x28a: {  	v13 =	vld [tilespmem:s31+$0x8D00];
	v10 =	vmul.f32 v8, v3;
	v5 =	vmul.f32 v11, v5  }
0x28b: {  	v15 =	vmul.f32 v14, v15;
	v16 =	vmul.f32 v9, v2  }
0x28c: {  	v11 =	vshrl.u32 v12, $0x1;
	v10 =	vmul.f32 v10, v8;
	v7 =	vmul.f32 v5, v7  }
0x28d: {  	v15 =	vsub.f32 $1.500000000e+00, v15;
	v11 =	vsub.s32 $0x5F3759DF, v11;
	v17 =	vmul.f32 v16, v9  }
0x28e: {  	v16 =	vmul.f32 v11, v6;
	v12 =	vsub.f32 $1.500000000e+00, v10;
	v10 =	vmul.f32 v7, v5  }
0x28f: {  	s12 =	simm.s32 $0x180;
	v14 =	vmul.f32 v14, v15;
	v7 =	vmul.f32 $5.000000000e-01, v13;
	v15 =	vsub.f32 $1.500000000e+00, v17  }
.LBB2_18:
0x290: {  	s13 =	sshra.s32 s12, $0x2;
	p1 =	sne.s32 s12, $0xFC0;
	v16 =	vmul.f32 v11, v16;
	v12 =	vmul.f32 v12, v8;
	v10 =	vsub.f32 $1.500000000e+00, v10  }
0x291: {  	v17 =	vld [tilespmem:s13+$0x8D00];
	v18 =	vmul.f32 v14, v4;
	v15 =	vmul.f32 v15, v9;
	v8 =	vmov v14  }
.Ltmp10:
0x292: {  	v14 =	vmul.f32 v12, v3;
	v10 =	vmul.f32 v10, v5;
	v9 =	vmov v12;
	(pc) =	sbr.rel @p1 .LBB2_18-.Ltmp10, $4  }
0x293: {  	v12 =	vshrl.u32 v13, $0x1;
	v21 =	vmul.f32 v18, v8;
	v18 =	vmul.f32 v15, v2;
	v5 =	vmovc v15;
	v2 =	vmovc v3  }
0x294: {  	v19 =	vsub.s32 $0x5F3759DF, v12;
	v15 =	vsub.f32 $1.500000000e+00, v16;
	v3 =	vmovc v4;
	v4 =	vmovc v6;
	v20 =	vmul.f32 v14, v9;
	[tilespmem:s6+$0xA500] =	vst v10;
	s6 =	smov.u32 s0;
	s0 =	smov.u32 s8;
	s8 =	smov.u32 s7  }
0x295: {  	v6 =	vmovc v7;
	v16 =	vmul.f32 v19, v7;
	s7 =	smov.u32 s5;
	s5 =	smov.u32 s31;
	s31 =	smov.u32 s13;
	v12 =	vsub.f32 $1.500000000e+00, v21;
	v10 =	vmul.f32 v18, v5  }
0x296: {  	s12 =	sadd.s32 $0x40, s12;
	v14 =	vmul.f32 v11, v15;
	v11 =	vmovc v19;
	v7 =	vmul.f32 $5.000000000e-01, v17;
	v15 =	vsub.f32 $1.500000000e+00, v20;
	v13 =	vmovc v17  }
0x297: {  	v13 =	vshrl.u32 v13, $0x1  }
0x298: {  	v13 =	vsub.s32 $0x5F3759DF, v13  }
0x299: {  	v17 =	vmul.f32 v13, v7  }
0x29a: {  	v16 =	vmul.f32 v11, v16  }
0x29b: {  	v17 =	vmul.f32 v13, v17  }
0x29c: {  	v16 =	vsub.f32 $1.500000000e+00, v16  }
0x29d: {  	v17 =	vsub.f32 $1.500000000e+00, v17  }
0x29e: {  	v11 =	vmul.f32 v11, v16  }
0x29f: {  	v16 =	vmul.f32 v14, v4;
	v13 =	vmul.f32 v13, v17  }
0x2a0: {  	v17 =	vmul.f32 v11, v6  }
0x2a1: {  	v16 =	vmul.f32 v16, v14;
	v18 =	vmul.f32 v13, v7  }
0x2a2: {  	v17 =	vmul.f32 v17, v11  }
0x2a3: {  	v16 =	vsub.f32 $1.500000000e+00, v16;
	v18 =	vmul.f32 v18, v13  }
0x2a4: {  	v8 =	vmul.f32 v12, v8;
	v12 =	vsub.f32 $1.500000000e+00, v17  }
0x2a5: {  	v9 =	vmul.f32 v15, v9;
	v14 =	vmul.f32 v16, v14;
	v15 =	vsub.f32 $1.500000000e+00, v18  }
0x2a6: {  	v16 =	vmul.f32 v8, v3;
	v11 =	vmul.f32 v12, v11  }
0x2a7: {  	v12 =	vmul.f32 v14, v4;
	v13 =	vmul.f32 v15, v13  }
0x2a8: {  	v15 =	vmul.f32 v16, v8;
	v16 =	vmul.f32 v11, v6  }
0x2a9: {  	v12 =	vmul.f32 v12, v14;
	v17 =	vmul.f32 v13, v7  }
0x2aa: {  	v15 =	vsub.f32 $1.500000000e+00, v15;
	v16 =	vmul.f32 v16, v11  }
0x2ab: {  	v2 =	vmul.f32 v9, v2;
	v12 =	vsub.f32 $1.500000000e+00, v12;
	v17 =	vmul.f32 v17, v13  }
0x2ac: {  	v8 =	vmul.f32 v15, v8;
	v15 =	vsub.f32 $1.500000000e+00, v16  }
0x2ad: {  	v2 =	vmul.f32 v2, v9;
	v12 =	vmul.f32 v12, v14;
	v14 =	vsub.f32 $1.500000000e+00, v17  }
0x2ae: {  	v3 =	vmul.f32 v8, v3;
	v11 =	vmul.f32 v15, v11  }
0x2af: {  	v4 =	vmul.f32 v12, v4;
	v13 =	vmul.f32 v14, v13  }
0x2b0: {  	v10 =	vsub.f32 $1.500000000e+00, v10;
	v3 =	vmul.f32 v3, v8;
	v6 =	vmul.f32 v11, v6  }
0x2b1: {  	v2 =	vsub.f32 $1.500000000e+00, v2;
	v4 =	vmul.f32 v4, v12;
	v7 =	vmul.f32 v13, v7  }
0x2b2: {  	v5 =	vmul.f32 v10, v5;
	v3 =	vsub.f32 $1.500000000e+00, v3;
	v6 =	vmul.f32 v6, v11  }
0x2b3: {  	v2 =	vmul.f32 v2, v9;
	v4 =	vsub.f32 $1.500000000e+00, v4;
	v7 =	vmul.f32 v7, v13  }
0x2b4: {  	[tilespmem:s6+$0xA500] =	vst v5;
	v3 =	vmul.f32 v3, v8;
	v5 =	vsub.f32 $1.500000000e+00, v6  }
0x2b5: {  	[tilespmem:s0+$0xA500] =	vst v2;
	v2 =	vmul.f32 v4, v12;
	v4 =	vsub.f32 $1.500000000e+00, v7  }
0x2b6: {  	[tilespmem:s8+$0xA500] =	vst v3;
	v3 =	vmul.f32 v5, v11  }
0x2b7: {  	[tilespmem:s7+$0xA500] =	vst v2;
	v2 =	vmul.f32 v4, v13  }
0x2b8: {  	[tilespmem:s5+$0xA500] =	vst v3  }
0x2b9: {  	s12 =	rddreg [dreg:$0x1b];
	s13 =	simm.s32 $0x8D00;
	[tilespmem:s31+$0xA500] =	vst v2  }
0x2ba: {  	[tilespmem:s13], [sflag:$0x4] =	stream.linear.gather [spmem:s12], $0x400, $0x38;
	[tilespmem:$0x1FB80] =	vst v63  }
0x2bb: {  	_ =	swait.ge [sflag:s4], $0x400  }
0x2bc: {  	[sflag:s4] =	ssyncset.done $0x0  }
0x2bd: {  	s6 =	simm.s32 $0x0;
	[sflag:s4] =	ssyncadd.s32 $0xFFFFFC00  }
0x2be: {  	v2 =	vld [tilespmem:s6+$0x8D00];
	_ =	sdelay $0x4  }
0x2bf: {  	v7 =	vmul.f32 $5.000000000e-01, v2;
	v2 =	vshrl.u32 v2, $0x1  }
0x2c0: {  	s0 =	simm.s32 $0x10;
	v3 =	vsub.s32 $0x5F3759DF, v2  }
0x2c1: {  	v4 =	vld [tilespmem:s0+$0x8D00];
	v2 =	vmul.f32 v3, v7;
	_ =	sdelay $0x1  }
0x2c2: {  	v2 =	vmul.f32 v3, v2;
	_ =	sdelay $0x1  }
0x2c3: {  	v5 =	vsub.f32 $1.500000000e+00, v2  }
0x2c4: {  	v2 =	vmul.f32 $5.000000000e-01, v4;
	v4 =	vshrl.u32 v4, $0x1  }
0x2c5: {  	s8 =	simm.s32 $0x20;
	v4 =	vsub.s32 $0x5F3759DF, v4;
	v5 =	vmul.f32 v3, v5  }
0x2c6: {  	v6 =	vld [tilespmem:s8+$0x8D00];
	v3 =	vmul.f32 v4, v2  }
0x2c7: {  	v8 =	vmul.f32 v5, v7  }
0x2c8: {  	v3 =	vmul.f32 v4, v3  }
0x2c9: {  	v8 =	vmul.f32 v8, v5  }
0x2ca: {  	s7 =	simm.s32 $0x30;
	v9 =	vsub.f32 $1.500000000e+00, v3  }
0x2cb: {  	v10 =	vld [tilespmem:s7+$0x8D00];
	v3 =	vmul.f32 $5.000000000e-01, v6;
	v6 =	vshrl.u32 v6, $0x1;
	v8 =	vsub.f32 $1.500000000e+00, v8  }
0x2cc: {  	v6 =	vsub.s32 $0x5F3759DF, v6;
	v9 =	vmul.f32 v4, v9  }
0x2cd: {  	v4 =	vmul.f32 v6, v3;
	v5 =	vmul.f32 v8, v5  }
0x2ce: {  	s5 =	simm.s32 $0x40;
	v8 =	vmul.f32 v9, v2  }
0x2cf: {  	v12 =	vld [tilespmem:s5+$0x8D00];
	v11 =	vmul.f32 v6, v4;
	v13 =	vmul.f32 v5, v7  }
0x2d0: {  	v4 =	vmul.f32 $5.000000000e-01, v10;
	v8 =	vmul.f32 v8, v9  }
0x2d1: {  	v10 =	vshrl.u32 v10, $0x1;
	v11 =	vsub.f32 $1.500000000e+00, v11;
	v13 =	vmul.f32 v13, v5  }
0x2d2: {  	v14 =	vsub.s32 $0x5F3759DF, v10;
	v10 =	vsub.f32 $1.500000000e+00, v8  }
0x2d3: {  	v15 =	vmul.f32 v14, v4;
	v8 =	vmul.f32 v6, v11;
	v11 =	vsub.f32 $1.500000000e+00, v13  }
0x2d4: {  	s31 =	simm.s32 $0x50;
	v6 =	vmul.f32 $5.000000000e-01, v12;
	v9 =	vmul.f32 v10, v9  }
0x2d5: {  	v13 =	vld [tilespmem:s31+$0x8D00];
	v10 =	vmul.f32 v8, v3;
	v5 =	vmul.f32 v11, v5  }
0x2d6: {  	v15 =	vmul.f32 v14, v15;
	v16 =	vmul.f32 v9, v2  }
0x2d7: {  	v11 =	vshrl.u32 v12, $0x1;
	v10 =	vmul.f32 v10, v8;
	v7 =	vmul.f32 v5, v7  }
0x2d8: {  	v15 =	vsub.f32 $1.500000000e+00, v15;
	v11 =	vsub.s32 $0x5F3759DF, v11;
	v17 =	vmul.f32 v16, v9  }
0x2d9: {  	v16 =	vmul.f32 v11, v6;
	v12 =	vsub.f32 $1.500000000e+00, v10;
	v10 =	vmul.f32 v7, v5  }
0x2da: {  	s12 =	simm.s32 $0x180;
	v14 =	vmul.f32 v14, v15;
	v7 =	vmul.f32 $5.000000000e-01, v13;
	v15 =	vsub.f32 $1.500000000e+00, v17  }
.LBB2_20:
0x2db: {  	s13 =	sshra.s32 s12, $0x2;
	p1 =	sne.s32 s12, $0xFC0;
	v16 =	vmul.f32 v11, v16;
	v12 =	vmul.f32 v12, v8;
	v10 =	vsub.f32 $1.500000000e+00, v10  }
0x2dc: {  	v17 =	vld [tilespmem:s13+$0x8D00];
	v18 =	vmul.f32 v14, v4;
	v15 =	vmul.f32 v15, v9;
	v8 =	vmov v14  }
.Ltmp11:
0x2dd: {  	v14 =	vmul.f32 v12, v3;
	v10 =	vmul.f32 v10, v5;
	v9 =	vmov v12;
	(pc) =	sbr.rel @p1 .LBB2_20-.Ltmp11, $4  }
0x2de: {  	v12 =	vshrl.u32 v13, $0x1;
	v21 =	vmul.f32 v18, v8;
	v18 =	vmul.f32 v15, v2;
	v5 =	vmovc v15;
	v2 =	vmovc v3  }
0x2df: {  	v19 =	vsub.s32 $0x5F3759DF, v12;
	v15 =	vsub.f32 $1.500000000e+00, v16;
	v3 =	vmovc v4;
	v4 =	vmovc v6;
	v20 =	vmul.f32 v14, v9;
	[tilespmem:s6+$0xA900] =	vst v10;
	s6 =	smov.u32 s0;
	s0 =	smov.u32 s8;
	s8 =	smov.u32 s7  }
0x2e0: {  	v6 =	vmovc v7;
	v16 =	vmul.f32 v19, v7;
	s7 =	smov.u32 s5;
	s5 =	smov.u32 s31;
	s31 =	smov.u32 s13;
	v12 =	vsub.f32 $1.500000000e+00, v21;
	v10 =	vmul.f32 v18, v5  }
0x2e1: {  	s12 =	sadd.s32 $0x40, s12;
	v14 =	vmul.f32 v11, v15;
	v11 =	vmovc v19;
	v7 =	vmul.f32 $5.000000000e-01, v17;
	v15 =	vsub.f32 $1.500000000e+00, v20;
	v13 =	vmovc v17  }
0x2e2: {  	v13 =	vshrl.u32 v13, $0x1  }
0x2e3: {  	v13 =	vsub.s32 $0x5F3759DF, v13  }
0x2e4: {  	v17 =	vmul.f32 v13, v7  }
0x2e5: {  	v16 =	vmul.f32 v11, v16  }
0x2e6: {  	v17 =	vmul.f32 v13, v17  }
0x2e7: {  	v16 =	vsub.f32 $1.500000000e+00, v16  }
0x2e8: {  	v17 =	vsub.f32 $1.500000000e+00, v17  }
0x2e9: {  	v11 =	vmul.f32 v11, v16  }
0x2ea: {  	v16 =	vmul.f32 v14, v4;
	v13 =	vmul.f32 v13, v17  }
0x2eb: {  	v17 =	vmul.f32 v11, v6  }
0x2ec: {  	v16 =	vmul.f32 v16, v14;
	v18 =	vmul.f32 v13, v7  }
0x2ed: {  	v17 =	vmul.f32 v17, v11  }
0x2ee: {  	v16 =	vsub.f32 $1.500000000e+00, v16;
	v18 =	vmul.f32 v18, v13  }
0x2ef: {  	v8 =	vmul.f32 v12, v8;
	v12 =	vsub.f32 $1.500000000e+00, v17  }
0x2f0: {  	v9 =	vmul.f32 v15, v9;
	v14 =	vmul.f32 v16, v14;
	v15 =	vsub.f32 $1.500000000e+00, v18  }
0x2f1: {  	v16 =	vmul.f32 v8, v3;
	v11 =	vmul.f32 v12, v11  }
0x2f2: {  	v12 =	vmul.f32 v14, v4;
	v13 =	vmul.f32 v15, v13  }
0x2f3: {  	v15 =	vmul.f32 v16, v8;
	v16 =	vmul.f32 v11, v6  }
0x2f4: {  	v12 =	vmul.f32 v12, v14;
	v17 =	vmul.f32 v13, v7  }
0x2f5: {  	v15 =	vsub.f32 $1.500000000e+00, v15;
	v16 =	vmul.f32 v16, v11  }
0x2f6: {  	v2 =	vmul.f32 v9, v2;
	v12 =	vsub.f32 $1.500000000e+00, v12;
	v17 =	vmul.f32 v17, v13  }
0x2f7: {  	v8 =	vmul.f32 v15, v8;
	v15 =	vsub.f32 $1.500000000e+00, v16  }
0x2f8: {  	v2 =	vmul.f32 v2, v9;
	v12 =	vmul.f32 v12, v14;
	v14 =	vsub.f32 $1.500000000e+00, v17  }
0x2f9: {  	v3 =	vmul.f32 v8, v3;
	v11 =	vmul.f32 v15, v11  }
0x2fa: {  	v4 =	vmul.f32 v12, v4;
	v13 =	vmul.f32 v14, v13  }
0x2fb: {  	v10 =	vsub.f32 $1.500000000e+00, v10;
	v3 =	vmul.f32 v3, v8;
	v6 =	vmul.f32 v11, v6  }
0x2fc: {  	v2 =	vsub.f32 $1.500000000e+00, v2;
	v4 =	vmul.f32 v4, v12;
	v7 =	vmul.f32 v13, v7  }
0x2fd: {  	v5 =	vmul.f32 v10, v5;
	v3 =	vsub.f32 $1.500000000e+00, v3;
	v6 =	vmul.f32 v6, v11  }
0x2fe: {  	v2 =	vmul.f32 v2, v9;
	v4 =	vsub.f32 $1.500000000e+00, v4;
	v7 =	vmul.f32 v7, v13  }
0x2ff: {  	[tilespmem:s6+$0xA900] =	vst v5;
	v3 =	vmul.f32 v3, v8;
	v5 =	vsub.f32 $1.500000000e+00, v6  }
0x300: {  	[tilespmem:s0+$0xA900] =	vst v2;
	v2 =	vmul.f32 v4, v12;
	v4 =	vsub.f32 $1.500000000e+00, v7  }
0x301: {  	[tilespmem:s8+$0xA900] =	vst v3;
	v3 =	vmul.f32 v5, v11  }
0x302: {  	[tilespmem:s7+$0xA900] =	vst v2;
	v2 =	vmul.f32 v4, v13  }
0x303: {  	[tilespmem:s5+$0xA900] =	vst v3  }
0x304: {  	s12 =	rddreg [dreg:$0x1c];
	s13 =	simm.s32 $0x8D00;
	[tilespmem:s31+$0xA900] =	vst v2  }
0x305: {  	[tilespmem:s13], [sflag:$0x4] =	stream.linear.gather [spmem:s12], $0x400, $0x38;
	[tilespmem:$0x1FB80] =	vst v63  }
0x306: {  	_ =	swait.ge [sflag:s4], $0x400  }
0x307: {  	[sflag:s4] =	ssyncset.done $0x0  }
0x308: {  	s6 =	simm.s32 $0x0;
	[sflag:s4] =	ssyncadd.s32 $0xFFFFFC00  }
0x309: {  	v2 =	vld [tilespmem:s6+$0x8D00];
	_ =	sdelay $0x4  }
0x30a: {  	v7 =	vmul.f32 $5.000000000e-01, v2;
	v2 =	vshrl.u32 v2, $0x1  }
0x30b: {  	s0 =	simm.s32 $0x10;
	v3 =	vsub.s32 $0x5F3759DF, v2  }
0x30c: {  	v4 =	vld [tilespmem:s0+$0x8D00];
	v2 =	vmul.f32 v3, v7;
	_ =	sdelay $0x1  }
0x30d: {  	v2 =	vmul.f32 v3, v2;
	_ =	sdelay $0x1  }
0x30e: {  	v5 =	vsub.f32 $1.500000000e+00, v2  }
0x30f: {  	v2 =	vmul.f32 $5.000000000e-01, v4;
	v4 =	vshrl.u32 v4, $0x1  }
0x310: {  	s8 =	simm.s32 $0x20;
	v4 =	vsub.s32 $0x5F3759DF, v4;
	v5 =	vmul.f32 v3, v5  }
0x311: {  	v6 =	vld [tilespmem:s8+$0x8D00];
	v3 =	vmul.f32 v4, v2  }
0x312: {  	v8 =	vmul.f32 v5, v7  }
0x313: {  	v3 =	vmul.f32 v4, v3  }
0x314: {  	v8 =	vmul.f32 v8, v5  }
0x315: {  	s7 =	simm.s32 $0x30;
	v9 =	vsub.f32 $1.500000000e+00, v3  }
0x316: {  	v10 =	vld [tilespmem:s7+$0x8D00];
	v3 =	vmul.f32 $5.000000000e-01, v6;
	v6 =	vshrl.u32 v6, $0x1;
	v8 =	vsub.f32 $1.500000000e+00, v8  }
0x317: {  	v6 =	vsub.s32 $0x5F3759DF, v6;
	v9 =	vmul.f32 v4, v9  }
0x318: {  	v4 =	vmul.f32 v6, v3;
	v5 =	vmul.f32 v8, v5  }
0x319: {  	s5 =	simm.s32 $0x40;
	v8 =	vmul.f32 v9, v2  }
0x31a: {  	v12 =	vld [tilespmem:s5+$0x8D00];
	v11 =	vmul.f32 v6, v4;
	v13 =	vmul.f32 v5, v7  }
0x31b: {  	v4 =	vmul.f32 $5.000000000e-01, v10;
	v8 =	vmul.f32 v8, v9  }
0x31c: {  	v10 =	vshrl.u32 v10, $0x1;
	v11 =	vsub.f32 $1.500000000e+00, v11;
	v13 =	vmul.f32 v13, v5  }
0x31d: {  	v14 =	vsub.s32 $0x5F3759DF, v10;
	v10 =	vsub.f32 $1.500000000e+00, v8  }
0x31e: {  	v15 =	vmul.f32 v14, v4;
	v8 =	vmul.f32 v6, v11;
	v11 =	vsub.f32 $1.500000000e+00, v13  }
0x31f: {  	s31 =	simm.s32 $0x50;
	v6 =	vmul.f32 $5.000000000e-01, v12;
	v9 =	vmul.f32 v10, v9  }
0x320: {  	v13 =	vld [tilespmem:s31+$0x8D00];
	v10 =	vmul.f32 v8, v3;
	v5 =	vmul.f32 v11, v5  }
0x321: {  	v15 =	vmul.f32 v14, v15;
	v16 =	vmul.f32 v9, v2  }
0x322: {  	v11 =	vshrl.u32 v12, $0x1;
	v10 =	vmul.f32 v10, v8;
	v7 =	vmul.f32 v5, v7  }
0x323: {  	v15 =	vsub.f32 $1.500000000e+00, v15;
	v11 =	vsub.s32 $0x5F3759DF, v11;
	v17 =	vmul.f32 v16, v9  }
0x324: {  	v16 =	vmul.f32 v11, v6;
	v12 =	vsub.f32 $1.500000000e+00, v10;
	v10 =	vmul.f32 v7, v5  }
0x325: {  	s12 =	simm.s32 $0x180;
	v14 =	vmul.f32 v14, v15;
	v7 =	vmul.f32 $5.000000000e-01, v13;
	v15 =	vsub.f32 $1.500000000e+00, v17  }
.LBB2_22:
0x326: {  	s13 =	sshra.s32 s12, $0x2;
	p1 =	sne.s32 s12, $0xFC0;
	v16 =	vmul.f32 v11, v16;
	v12 =	vmul.f32 v12, v8;
	v10 =	vsub.f32 $1.500000000e+00, v10  }
0x327: {  	v17 =	vld [tilespmem:s13+$0x8D00];
	v18 =	vmul.f32 v14, v4;
	v15 =	vmul.f32 v15, v9;
	v8 =	vmov v14  }
.Ltmp12:
0x328: {  	v14 =	vmul.f32 v12, v3;
	v10 =	vmul.f32 v10, v5;
	v9 =	vmov v12;
	(pc) =	sbr.rel @p1 .LBB2_22-.Ltmp12, $4  }
0x329: {  	v12 =	vshrl.u32 v13, $0x1;
	v21 =	vmul.f32 v18, v8;
	v18 =	vmul.f32 v15, v2;
	v5 =	vmovc v15;
	v2 =	vmovc v3  }
0x32a: {  	v19 =	vsub.s32 $0x5F3759DF, v12;
	v15 =	vsub.f32 $1.500000000e+00, v16;
	v3 =	vmovc v4;
	v4 =	vmovc v6;
	v20 =	vmul.f32 v14, v9;
	[tilespmem:s6+$0xAD00] =	vst v10;
	s6 =	smov.u32 s0;
	s0 =	smov.u32 s8;
	s8 =	smov.u32 s7  }
0x32b: {  	v6 =	vmovc v7;
	v16 =	vmul.f32 v19, v7;
	s7 =	smov.u32 s5;
	s5 =	smov.u32 s31;
	s31 =	smov.u32 s13;
	v12 =	vsub.f32 $1.500000000e+00, v21;
	v10 =	vmul.f32 v18, v5  }
0x32c: {  	s12 =	sadd.s32 $0x40, s12;
	v14 =	vmul.f32 v11, v15;
	v11 =	vmovc v19;
	v7 =	vmul.f32 $5.000000000e-01, v17;
	v15 =	vsub.f32 $1.500000000e+00, v20;
	v13 =	vmovc v17  }
0x32d: {  	v13 =	vshrl.u32 v13, $0x1  }
0x32e: {  	v13 =	vsub.s32 $0x5F3759DF, v13  }
0x32f: {  	v17 =	vmul.f32 v13, v7  }
0x330: {  	v16 =	vmul.f32 v11, v16  }
0x331: {  	v17 =	vmul.f32 v13, v17  }
0x332: {  	v16 =	vsub.f32 $1.500000000e+00, v16  }
0x333: {  	v17 =	vsub.f32 $1.500000000e+00, v17  }
0x334: {  	v11 =	vmul.f32 v11, v16  }
0x335: {  	v16 =	vmul.f32 v14, v4;
	v13 =	vmul.f32 v13, v17  }
0x336: {  	v17 =	vmul.f32 v11, v6  }
0x337: {  	v16 =	vmul.f32 v16, v14;
	v18 =	vmul.f32 v13, v7  }
0x338: {  	v17 =	vmul.f32 v17, v11  }
0x339: {  	v16 =	vsub.f32 $1.500000000e+00, v16;
	v18 =	vmul.f32 v18, v13  }
0x33a: {  	v8 =	vmul.f32 v12, v8;
	v12 =	vsub.f32 $1.500000000e+00, v17  }
0x33b: {  	v9 =	vmul.f32 v15, v9;
	v14 =	vmul.f32 v16, v14;
	v15 =	vsub.f32 $1.500000000e+00, v18  }
0x33c: {  	v16 =	vmul.f32 v8, v3;
	v11 =	vmul.f32 v12, v11  }
0x33d: {  	v12 =	vmul.f32 v14, v4;
	v13 =	vmul.f32 v15, v13  }
0x33e: {  	v15 =	vmul.f32 v16, v8;
	v16 =	vmul.f32 v11, v6  }
0x33f: {  	v12 =	vmul.f32 v12, v14;
	v17 =	vmul.f32 v13, v7  }
0x340: {  	v15 =	vsub.f32 $1.500000000e+00, v15;
	v16 =	vmul.f32 v16, v11  }
0x341: {  	v2 =	vmul.f32 v9, v2;
	v12 =	vsub.f32 $1.500000000e+00, v12;
	v17 =	vmul.f32 v17, v13  }
0x342: {  	v8 =	vmul.f32 v15, v8;
	v15 =	vsub.f32 $1.500000000e+00, v16  }
0x343: {  	v2 =	vmul.f32 v2, v9;
	v12 =	vmul.f32 v12, v14;
	v14 =	vsub.f32 $1.500000000e+00, v17  }
0x344: {  	v3 =	vmul.f32 v8, v3;
	v11 =	vmul.f32 v15, v11  }
0x345: {  	v4 =	vmul.f32 v12, v4;
	v13 =	vmul.f32 v14, v13  }
0x346: {  	v10 =	vsub.f32 $1.500000000e+00, v10;
	v3 =	vmul.f32 v3, v8;
	v6 =	vmul.f32 v11, v6  }
0x347: {  	v2 =	vsub.f32 $1.500000000e+00, v2;
	v4 =	vmul.f32 v4, v12;
	v7 =	vmul.f32 v13, v7  }
0x348: {  	v5 =	vmul.f32 v10, v5;
	v3 =	vsub.f32 $1.500000000e+00, v3;
	v6 =	vmul.f32 v6, v11  }
0x349: {  	v2 =	vmul.f32 v2, v9;
	v4 =	vsub.f32 $1.500000000e+00, v4;
	v7 =	vmul.f32 v7, v13  }
0x34a: {  	[tilespmem:s6+$0xAD00] =	vst v5;
	v3 =	vmul.f32 v3, v8;
	v5 =	vsub.f32 $1.500000000e+00, v6  }
0x34b: {  	[tilespmem:s0+$0xAD00] =	vst v2;
	v2 =	vmul.f32 v4, v12;
	v4 =	vsub.f32 $1.500000000e+00, v7  }
0x34c: {  	[tilespmem:s8+$0xAD00] =	vst v3;
	v3 =	vmul.f32 v5, v11  }
0x34d: {  	[tilespmem:s7+$0xAD00] =	vst v2;
	v2 =	vmul.f32 v4, v13  }
0x34e: {  	[tilespmem:s5+$0xAD00] =	vst v3  }
0x34f: {  	s12 =	rddreg [dreg:$0x1d];
	s13 =	simm.s32 $0x8D00;
	[tilespmem:s31+$0xAD00] =	vst v2  }
0x350: {  	[tilespmem:s13], [sflag:$0x4] =	stream.linear.gather [spmem:s12], $0x400, $0x38;
	[tilespmem:$0x1FB80] =	vst v63  }
0x351: {  	_ =	swait.ge [sflag:s4], $0x400  }
0x352: {  	[sflag:s4] =	ssyncset.done $0x0  }
0x353: {  	s6 =	simm.s32 $0x0;
	[sflag:s4] =	ssyncadd.s32 $0xFFFFFC00  }
0x354: {  	v2 =	vld [tilespmem:s6+$0x8D00];
	_ =	sdelay $0x4  }
0x355: {  	v7 =	vmul.f32 $5.000000000e-01, v2;
	v2 =	vshrl.u32 v2, $0x1  }
0x356: {  	s0 =	simm.s32 $0x10;
	v3 =	vsub.s32 $0x5F3759DF, v2  }
0x357: {  	v4 =	vld [tilespmem:s0+$0x8D00];
	v2 =	vmul.f32 v3, v7;
	_ =	sdelay $0x1  }
0x358: {  	v2 =	vmul.f32 v3, v2;
	_ =	sdelay $0x1  }
0x359: {  	v5 =	vsub.f32 $1.500000000e+00, v2  }
0x35a: {  	v2 =	vmul.f32 $5.000000000e-01, v4;
	v4 =	vshrl.u32 v4, $0x1  }
0x35b: {  	s8 =	simm.s32 $0x20;
	v4 =	vsub.s32 $0x5F3759DF, v4;
	v5 =	vmul.f32 v3, v5  }
0x35c: {  	v6 =	vld [tilespmem:s8+$0x8D00];
	v3 =	vmul.f32 v4, v2  }
0x35d: {  	v8 =	vmul.f32 v5, v7  }
0x35e: {  	v3 =	vmul.f32 v4, v3  }
0x35f: {  	v8 =	vmul.f32 v8, v5  }
0x360: {  	s7 =	simm.s32 $0x30;
	v9 =	vsub.f32 $1.500000000e+00, v3  }
0x361: {  	v10 =	vld [tilespmem:s7+$0x8D00];
	v3 =	vmul.f32 $5.000000000e-01, v6;
	v6 =	vshrl.u32 v6, $0x1;
	v8 =	vsub.f32 $1.500000000e+00, v8  }
0x362: {  	v6 =	vsub.s32 $0x5F3759DF, v6;
	v9 =	vmul.f32 v4, v9  }
0x363: {  	v4 =	vmul.f32 v6, v3;
	v5 =	vmul.f32 v8, v5  }
0x364: {  	s5 =	simm.s32 $0x40;
	v8 =	vmul.f32 v9, v2  }
0x365: {  	v12 =	vld [tilespmem:s5+$0x8D00];
	v11 =	vmul.f32 v6, v4;
	v13 =	vmul.f32 v5, v7  }
0x366: {  	v4 =	vmul.f32 $5.000000000e-01, v10;
	v8 =	vmul.f32 v8, v9  }
0x367: {  	v10 =	vshrl.u32 v10, $0x1;
	v11 =	vsub.f32 $1.500000000e+00, v11;
	v13 =	vmul.f32 v13, v5  }
0x368: {  	v14 =	vsub.s32 $0x5F3759DF, v10;
	v10 =	vsub.f32 $1.500000000e+00, v8  }
0x369: {  	v15 =	vmul.f32 v14, v4;
	v8 =	vmul.f32 v6, v11;
	v11 =	vsub.f32 $1.500000000e+00, v13  }
0x36a: {  	s31 =	simm.s32 $0x50;
	v6 =	vmul.f32 $5.000000000e-01, v12;
	v9 =	vmul.f32 v10, v9  }
0x36b: {  	v13 =	vld [tilespmem:s31+$0x8D00];
	v10 =	vmul.f32 v8, v3;
	v5 =	vmul.f32 v11, v5  }
0x36c: {  	v15 =	vmul.f32 v14, v15;
	v16 =	vmul.f32 v9, v2  }
0x36d: {  	v11 =	vshrl.u32 v12, $0x1;
	v10 =	vmul.f32 v10, v8;
	v7 =	vmul.f32 v5, v7  }
0x36e: {  	v15 =	vsub.f32 $1.500000000e+00, v15;
	v11 =	vsub.s32 $0x5F3759DF, v11;
	v17 =	vmul.f32 v16, v9  }
0x36f: {  	v16 =	vmul.f32 v11, v6;
	v12 =	vsub.f32 $1.500000000e+00, v10;
	v10 =	vmul.f32 v7, v5  }
0x370: {  	s12 =	simm.s32 $0x180;
	v14 =	vmul.f32 v14, v15;
	v7 =	vmul.f32 $5.000000000e-01, v13;
	v15 =	vsub.f32 $1.500000000e+00, v17  }
.LBB2_24:
0x371: {  	s13 =	sshra.s32 s12, $0x2;
	p1 =	sne.s32 s12, $0xFC0;
	v16 =	vmul.f32 v11, v16;
	v12 =	vmul.f32 v12, v8;
	v10 =	vsub.f32 $1.500000000e+00, v10  }
0x372: {  	v17 =	vld [tilespmem:s13+$0x8D00];
	v18 =	vmul.f32 v14, v4;
	v15 =	vmul.f32 v15, v9;
	v8 =	vmov v14  }
.Ltmp13:
0x373: {  	v14 =	vmul.f32 v12, v3;
	v10 =	vmul.f32 v10, v5;
	v9 =	vmov v12;
	(pc) =	sbr.rel @p1 .LBB2_24-.Ltmp13, $4  }
0x374: {  	v12 =	vshrl.u32 v13, $0x1;
	v21 =	vmul.f32 v18, v8;
	v18 =	vmul.f32 v15, v2;
	v5 =	vmovc v15;
	v2 =	vmovc v3  }
0x375: {  	v19 =	vsub.s32 $0x5F3759DF, v12;
	v15 =	vsub.f32 $1.500000000e+00, v16;
	v3 =	vmovc v4;
	v4 =	vmovc v6;
	v20 =	vmul.f32 v14, v9;
	[tilespmem:s6+$0xB100] =	vst v10;
	s6 =	smov.u32 s0;
	s0 =	smov.u32 s8;
	s8 =	smov.u32 s7  }
0x376: {  	v6 =	vmovc v7;
	v16 =	vmul.f32 v19, v7;
	s7 =	smov.u32 s5;
	s5 =	smov.u32 s31;
	s31 =	smov.u32 s13;
	v12 =	vsub.f32 $1.500000000e+00, v21;
	v10 =	vmul.f32 v18, v5  }
0x377: {  	s12 =	sadd.s32 $0x40, s12;
	v14 =	vmul.f32 v11, v15;
	v11 =	vmovc v19;
	v7 =	vmul.f32 $5.000000000e-01, v17;
	v15 =	vsub.f32 $1.500000000e+00, v20;
	v13 =	vmovc v17  }
0x378: {  	v13 =	vshrl.u32 v13, $0x1  }
0x379: {  	v13 =	vsub.s32 $0x5F3759DF, v13  }
0x37a: {  	v17 =	vmul.f32 v13, v7  }
0x37b: {  	v16 =	vmul.f32 v11, v16  }
0x37c: {  	v17 =	vmul.f32 v13, v17  }
0x37d: {  	v16 =	vsub.f32 $1.500000000e+00, v16  }
0x37e: {  	v17 =	vsub.f32 $1.500000000e+00, v17  }
0x37f: {  	v11 =	vmul.f32 v11, v16  }
0x380: {  	v16 =	vmul.f32 v14, v4;
	v13 =	vmul.f32 v13, v17  }
0x381: {  	v17 =	vmul.f32 v11, v6  }
0x382: {  	v16 =	vmul.f32 v16, v14;
	v18 =	vmul.f32 v13, v7  }
0x383: {  	v17 =	vmul.f32 v17, v11  }
0x384: {  	v16 =	vsub.f32 $1.500000000e+00, v16;
	v18 =	vmul.f32 v18, v13  }
0x385: {  	v8 =	vmul.f32 v12, v8;
	v12 =	vsub.f32 $1.500000000e+00, v17  }
0x386: {  	v9 =	vmul.f32 v15, v9;
	v14 =	vmul.f32 v16, v14;
	v15 =	vsub.f32 $1.500000000e+00, v18  }
0x387: {  	v16 =	vmul.f32 v8, v3;
	v11 =	vmul.f32 v12, v11  }
0x388: {  	v12 =	vmul.f32 v14, v4;
	v13 =	vmul.f32 v15, v13  }
0x389: {  	v15 =	vmul.f32 v16, v8;
	v16 =	vmul.f32 v11, v6  }
0x38a: {  	v12 =	vmul.f32 v12, v14;
	v17 =	vmul.f32 v13, v7  }
0x38b: {  	v15 =	vsub.f32 $1.500000000e+00, v15;
	v16 =	vmul.f32 v16, v11  }
0x38c: {  	v2 =	vmul.f32 v9, v2;
	v12 =	vsub.f32 $1.500000000e+00, v12;
	v17 =	vmul.f32 v17, v13  }
0x38d: {  	v8 =	vmul.f32 v15, v8;
	v15 =	vsub.f32 $1.500000000e+00, v16  }
0x38e: {  	v2 =	vmul.f32 v2, v9;
	v12 =	vmul.f32 v12, v14;
	v14 =	vsub.f32 $1.500000000e+00, v17  }
0x38f: {  	v3 =	vmul.f32 v8, v3;
	v11 =	vmul.f32 v15, v11  }
0x390: {  	v4 =	vmul.f32 v12, v4;
	v13 =	vmul.f32 v14, v13  }
0x391: {  	v10 =	vsub.f32 $1.500000000e+00, v10;
	v3 =	vmul.f32 v3, v8;
	v6 =	vmul.f32 v11, v6  }
0x392: {  	v2 =	vsub.f32 $1.500000000e+00, v2;
	v4 =	vmul.f32 v4, v12;
	v7 =	vmul.f32 v13, v7  }
0x393: {  	v5 =	vmul.f32 v10, v5;
	v3 =	vsub.f32 $1.500000000e+00, v3;
	v6 =	vmul.f32 v6, v11  }
0x394: {  	v2 =	vmul.f32 v2, v9;
	v4 =	vsub.f32 $1.500000000e+00, v4;
	v7 =	vmul.f32 v7, v13  }
0x395: {  	[tilespmem:s6+$0xB100] =	vst v5;
	v3 =	vmul.f32 v3, v8;
	v5 =	vsub.f32 $1.500000000e+00, v6  }
0x396: {  	[tilespmem:s0+$0xB100] =	vst v2;
	v2 =	vmul.f32 v4, v12;
	v4 =	vsub.f32 $1.500000000e+00, v7  }
0x397: {  	[tilespmem:s8+$0xB100] =	vst v3;
	v3 =	vmul.f32 v5, v11  }
0x398: {  	[tilespmem:s7+$0xB100] =	vst v2;
	v2 =	vmul.f32 v4, v13  }
0x399: {  	[tilespmem:s5+$0xB100] =	vst v3  }
0x39a: {  	s12 =	rddreg [dreg:$0x1e];
	s13 =	simm.s32 $0x8D00;
	[tilespmem:s31+$0xB100] =	vst v2  }
0x39b: {  	[tilespmem:s13], [sflag:$0x4] =	stream.linear.gather [spmem:s12], $0x400, $0x38;
	[tilespmem:$0x1FB80] =	vst v63  }
0x39c: {  	_ =	swait.ge [sflag:s4], $0x400  }
0x39d: {  	[sflag:s4] =	ssyncset.done $0x0  }
0x39e: {  	s6 =	simm.s32 $0x0;
	[sflag:s4] =	ssyncadd.s32 $0xFFFFFC00  }
0x39f: {  	v2 =	vld [tilespmem:s6+$0x8D00];
	_ =	sdelay $0x4  }
0x3a0: {  	v7 =	vmul.f32 $5.000000000e-01, v2;
	v2 =	vshrl.u32 v2, $0x1  }
0x3a1: {  	s0 =	simm.s32 $0x10;
	v3 =	vsub.s32 $0x5F3759DF, v2  }
0x3a2: {  	v4 =	vld [tilespmem:s0+$0x8D00];
	v2 =	vmul.f32 v3, v7;
	_ =	sdelay $0x1  }
0x3a3: {  	v2 =	vmul.f32 v3, v2;
	_ =	sdelay $0x1  }
0x3a4: {  	v5 =	vsub.f32 $1.500000000e+00, v2  }
0x3a5: {  	v2 =	vmul.f32 $5.000000000e-01, v4;
	v4 =	vshrl.u32 v4, $0x1  }
0x3a6: {  	s8 =	simm.s32 $0x20;
	v4 =	vsub.s32 $0x5F3759DF, v4;
	v5 =	vmul.f32 v3, v5  }
0x3a7: {  	v6 =	vld [tilespmem:s8+$0x8D00];
	v3 =	vmul.f32 v4, v2  }
0x3a8: {  	v8 =	vmul.f32 v5, v7  }
0x3a9: {  	v3 =	vmul.f32 v4, v3  }
0x3aa: {  	v8 =	vmul.f32 v8, v5  }
0x3ab: {  	s7 =	simm.s32 $0x30;
	v9 =	vsub.f32 $1.500000000e+00, v3  }
0x3ac: {  	v10 =	vld [tilespmem:s7+$0x8D00];
	v3 =	vmul.f32 $5.000000000e-01, v6;
	v6 =	vshrl.u32 v6, $0x1;
	v8 =	vsub.f32 $1.500000000e+00, v8  }
0x3ad: {  	v6 =	vsub.s32 $0x5F3759DF, v6;
	v9 =	vmul.f32 v4, v9  }
0x3ae: {  	v4 =	vmul.f32 v6, v3;
	v5 =	vmul.f32 v8, v5  }
0x3af: {  	s5 =	simm.s32 $0x40;
	v8 =	vmul.f32 v9, v2  }
0x3b0: {  	v12 =	vld [tilespmem:s5+$0x8D00];
	v11 =	vmul.f32 v6, v4;
	v13 =	vmul.f32 v5, v7  }
0x3b1: {  	v4 =	vmul.f32 $5.000000000e-01, v10;
	v8 =	vmul.f32 v8, v9  }
0x3b2: {  	v10 =	vshrl.u32 v10, $0x1;
	v11 =	vsub.f32 $1.500000000e+00, v11;
	v13 =	vmul.f32 v13, v5  }
0x3b3: {  	v14 =	vsub.s32 $0x5F3759DF, v10;
	v10 =	vsub.f32 $1.500000000e+00, v8  }
0x3b4: {  	v15 =	vmul.f32 v14, v4;
	v8 =	vmul.f32 v6, v11;
	v11 =	vsub.f32 $1.500000000e+00, v13  }
0x3b5: {  	s31 =	simm.s32 $0x50;
	v6 =	vmul.f32 $5.000000000e-01, v12;
	v9 =	vmul.f32 v10, v9  }
0x3b6: {  	v13 =	vld [tilespmem:s31+$0x8D00];
	v10 =	vmul.f32 v8, v3;
	v5 =	vmul.f32 v11, v5  }
0x3b7: {  	v15 =	vmul.f32 v14, v15;
	v16 =	vmul.f32 v9, v2  }
0x3b8: {  	v11 =	vshrl.u32 v12, $0x1;
	v10 =	vmul.f32 v10, v8;
	v7 =	vmul.f32 v5, v7  }
0x3b9: {  	v15 =	vsub.f32 $1.500000000e+00, v15;
	v11 =	vsub.s32 $0x5F3759DF, v11;
	v17 =	vmul.f32 v16, v9  }
0x3ba: {  	v16 =	vmul.f32 v11, v6;
	v12 =	vsub.f32 $1.500000000e+00, v10;
	v10 =	vmul.f32 v7, v5  }
0x3bb: {  	s12 =	simm.s32 $0x180;
	v14 =	vmul.f32 v14, v15;
	v7 =	vmul.f32 $5.000000000e-01, v13;
	v15 =	vsub.f32 $1.500000000e+00, v17  }
.LBB2_26:
0x3bc: {  	s13 =	sshra.s32 s12, $0x2;
	p1 =	sne.s32 s12, $0xFC0;
	v16 =	vmul.f32 v11, v16;
	v12 =	vmul.f32 v12, v8;
	v10 =	vsub.f32 $1.500000000e+00, v10  }
0x3bd: {  	v17 =	vld [tilespmem:s13+$0x8D00];
	v18 =	vmul.f32 v14, v4;
	v15 =	vmul.f32 v15, v9;
	v8 =	vmov v14  }
.Ltmp14:
0x3be: {  	v14 =	vmul.f32 v12, v3;
	v10 =	vmul.f32 v10, v5;
	v9 =	vmov v12;
	(pc) =	sbr.rel @p1 .LBB2_26-.Ltmp14, $4  }
0x3bf: {  	v12 =	vshrl.u32 v13, $0x1;
	v21 =	vmul.f32 v18, v8;
	v18 =	vmul.f32 v15, v2;
	v5 =	vmovc v15;
	v2 =	vmovc v3  }
0x3c0: {  	v19 =	vsub.s32 $0x5F3759DF, v12;
	v15 =	vsub.f32 $1.500000000e+00, v16;
	v3 =	vmovc v4;
	v4 =	vmovc v6;
	v20 =	vmul.f32 v14, v9;
	[tilespmem:s6+$0xB500] =	vst v10;
	s6 =	smov.u32 s0;
	s0 =	smov.u32 s8;
	s8 =	smov.u32 s7  }
0x3c1: {  	v6 =	vmovc v7;
	v16 =	vmul.f32 v19, v7;
	s7 =	smov.u32 s5;
	s5 =	smov.u32 s31;
	s31 =	smov.u32 s13;
	v12 =	vsub.f32 $1.500000000e+00, v21;
	v10 =	vmul.f32 v18, v5  }
0x3c2: {  	s12 =	sadd.s32 $0x40, s12;
	v14 =	vmul.f32 v11, v15;
	v11 =	vmovc v19;
	v7 =	vmul.f32 $5.000000000e-01, v17;
	v15 =	vsub.f32 $1.500000000e+00, v20;
	v13 =	vmovc v17  }
0x3c3: {  	v13 =	vshrl.u32 v13, $0x1  }
0x3c4: {  	v13 =	vsub.s32 $0x5F3759DF, v13  }
0x3c5: {  	v17 =	vmul.f32 v13, v7  }
0x3c6: {  	v16 =	vmul.f32 v11, v16  }
0x3c7: {  	v17 =	vmul.f32 v13, v17  }
0x3c8: {  	v16 =	vsub.f32 $1.500000000e+00, v16  }
0x3c9: {  	v17 =	vsub.f32 $1.500000000e+00, v17  }
0x3ca: {  	v52 =	vmul.f32 v11, v16  }
0x3cb: {  	v53 =	vmul.f32 v14, v4;
	v13 =	vmul.f32 v13, v17  }
0x3cc: {  	v54 =	vmul.f32 v52, v6  }
0x3cd: {  	v16 =	vmul.f32 v53, v14;
	v18 =	vmul.f32 v13, v7  }
0x3ce: {  	v17 =	vmul.f32 v54, v52  }
0x3cf: {  	v16 =	vsub.f32 $1.500000000e+00, v16;
	v18 =	vmul.f32 v18, v13  }
0x3d0: {  	v8 =	vmul.f32 v12, v8;
	v55 =	vsub.f32 $1.500000000e+00, v17  }
0x3d1: {  	v9 =	vmul.f32 v15, v9;
	v56 =	vmul.f32 v16, v14;
	v57 =	vsub.f32 $1.500000000e+00, v18  }
0x3d2: {  	v58 =	vmul.f32 v8, v3;
	v11 =	vmul.f32 v55, v52  }
0x3d3: {  	v59 =	vmul.f32 v56, v4;
	v13 =	vmul.f32 v57, v13  }
0x3d4: {  	v60 =	vmul.f32 v58, v8;
	v61 =	vmul.f32 v11, v6  }
0x3d5: {  	v12 =	vmul.f32 v59, v56;
	v62 =	vmul.f32 v13, v7  }
0x3d6: {  	v15 =	vsub.f32 $1.500000000e+00, v60;
	v16 =	vmul.f32 v61, v11  }
0x3d7: {  	v2 =	vmul.f32 v9, v2;
	v12 =	vsub.f32 $1.500000000e+00, v12;
	v17 =	vmul.f32 v62, v13  }
0x3d8: {  	v8 =	vmul.f32 v15, v8;
	v63 =	vsub.f32 $1.500000000e+00, v16  }
0x3d9: {  	v2 =	vmul.f32 v2, v9;
	v12 =	vmul.f32 v12, v56;
	v18 =	vsub.f32 $1.500000000e+00, v17  }
0x3da: {  	v3 =	vmul.f32 v8, v3;
	v11 =	vmul.f32 v63, v11  }
0x3db: {  	v19 =	vmul.f32 v12, v4;
	v13 =	vmul.f32 v18, v13  }
0x3dc: {  	v10 =	vsub.f32 $1.500000000e+00, v10;
	v3 =	vmul.f32 v3, v8;
	v20 =	vmul.f32 v11, v6  }
0x3dd: {  	v2 =	vsub.f32 $1.500000000e+00, v2;
	v4 =	vmul.f32 v19, v12;
	v21 =	vmul.f32 v13, v7  }
0x3de: {  	v5 =	vmul.f32 v10, v5;
	v3 =	vsub.f32 $1.500000000e+00, v3;
	v6 =	vmul.f32 v20, v11  }
0x3df: {  	v2 =	vmul.f32 v2, v9;
	v4 =	vsub.f32 $1.500000000e+00, v4;
	v7 =	vmul.f32 v21, v13  }
0x3e0: {  	[tilespmem:s6+$0xB500] =	vst v5;
	v3 =	vmul.f32 v3, v8;
	v22 =	vsub.f32 $1.500000000e+00, v6  }
0x3e1: {  	[tilespmem:s0+$0xB500] =	vst v2;
	v2 =	vmul.f32 v4, v12;
	v23 =	vsub.f32 $1.500000000e+00, v7  }
0x3e2: {  	[tilespmem:s8+$0xB500] =	vst v3;
	v3 =	vmul.f32 v22, v11  }
0x3e3: {  	[tilespmem:s7+$0xB500] =	vst v2;
	v2 =	vmul.f32 v23, v13  }
0x3e4: {  	[tilespmem:s5+$0xB500] =	vst v3  }
0x3e5: {  	s0 =	simm.s32 $0x0;
	s7 =	rddreg [dreg:$0x13];
	[tilespmem:s31+$0xB500] =	vst v2  }
0x3e6: {  	[tilespmem:s0], [sflag:$0x4] =	stream.linear.gather [hbm4b:s7+s0], $0x300, $0x38;
	[tilespmem:$0x1FB80] =	vst v63  }
0x3e7: {  	_ =	swait.ge [sflag:s4], $0x300  }
0x3e8: {  	[sflag:s4] =	ssyncset.done $0x0  }
0x3e9: {  	[sflag:s4] =	ssyncadd.s32 $0xFFFFFD00  }
0x3ea: {  	v2 =	vld [tilespmem:$0x0];
	_ =	sdelay $0x1  }
0x3eb: {  	v3 =	vld [tilespmem:$0x80];
	_ =	sdelay $0x4  }
0x3ec: {  	s8 =	simm.s32 $0x9100;
	v24 =	vld [tilespmem:$0x100]  }
0x3ed: {  	v25 =	vld.idx.msk [tilespmem:v2+s8+$0x0], $0xffff  }
0x3ee: {  	v27 =	vld [tilespmem:$0x10]  }
0x3ef: {  	v26 =	vld.idx.msk [tilespmem:v3+s8+$0x0], $0xffff;
	_ =	sdelay $0x1  }
0x3f0: {  	v28 =	vld [tilespmem:$0x90]  }
0x3f1: {  	v4 =	vmul.f32 v25, v24;
	_ =	sdelay $0x1  }
0x3f2: {  	[tilespmem:$0x300] =	vst v3;
	v2 =	vadd.s32 v0, v2;
	v4 =	vmul.f32 v26, v4  }
0x3f3: {  	[tilespmem:$0x0] =	vst v2  }
0x3f4: {  	v2 =	vld [tilespmem:$0x110];
	[tilespmem:$0x400] =	vst v4  }
0x3f5: {  	v3 =	vld.idx.msk [tilespmem:v27+s8+$0x0], $0xffff;
	_ =	sdelay $0x1  }
0x3f6: {  	v4 =	vld.idx.msk [tilespmem:v28+s8+$0x0], $0xffff  }
0x3f7: {  	v29 =	vld [tilespmem:$0x20];
	_ =	sdelay $0x1  }
0x3f8: {  	v2 =	vmul.f32 v3, v2;
	v3 =	vld [tilespmem:$0xA0];
	_ =	sdelay $0x1  }
0x3f9: {  	v2 =	vmul.f32 v4, v2  }
0x3fa: {  	[tilespmem:$0x310] =	vst v28  }
0x3fb: {  	[tilespmem:$0x410] =	vst v2;
	v2 =	vadd.s32 v0, v27  }
0x3fc: {  	[tilespmem:$0x10] =	vst v2;
	v2 =	vld [tilespmem:$0x120]  }
0x3fd: {  	v30 =	vld.idx.msk [tilespmem:v29+s8+$0x0], $0xffff;
	_ =	sdelay $0x1  }
0x3fe: {  	v5 =	vld.idx.msk [tilespmem:v3+s8+$0x0], $0xffff  }
0x3ff: {  	v31 =	vld [tilespmem:$0x30];
	_ =	sdelay $0x1  }
0x400: {  	v32 =	vld [tilespmem:$0xB0];
	v2 =	vmul.f32 v30, v2;
	_ =	sdelay $0x1  }
0x401: {  	v2 =	vmul.f32 v5, v2  }
0x402: {  	[tilespmem:$0x320] =	vst v3  }
0x403: {  	[tilespmem:$0x420] =	vst v2;
	v2 =	vadd.s32 v0, v29  }
0x404: {  	[tilespmem:$0x20] =	vst v2;
	v2 =	vld [tilespmem:$0x130]  }
0x405: {  	v3 =	vld.idx.msk [tilespmem:v31+s8+$0x0], $0xffff;
	_ =	sdelay $0x1  }
0x406: {  	v33 =	vld.idx.msk [tilespmem:v32+s8+$0x0], $0xffff  }
0x407: {  	v34 =	vld [tilespmem:$0x40];
	_ =	sdelay $0x1  }
0x408: {  	v2 =	vmul.f32 v3, v2;
	v3 =	vld [tilespmem:$0xC0];
	_ =	sdelay $0x1  }
0x409: {  	v2 =	vmul.f32 v33, v2  }
0x40a: {  	[tilespmem:$0x330] =	vst v32  }
0x40b: {  	[tilespmem:$0x430] =	vst v2;
	v2 =	vadd.s32 v0, v31  }
0x40c: {  	[tilespmem:$0x30] =	vst v2;
	v2 =	vld [tilespmem:$0x140]  }
0x40d: {  	v4 =	vld.idx.msk [tilespmem:v34+s8+$0x0], $0xffff;
	_ =	sdelay $0x1  }
0x40e: {  	v35 =	vld.idx.msk [tilespmem:v3+s8+$0x0], $0xffff  }
0x40f: {  	v36 =	vld [tilespmem:$0x50];
	_ =	sdelay $0x1  }
0x410: {  	v37 =	vld [tilespmem:$0xD0];
	v2 =	vmul.f32 v4, v2;
	_ =	sdelay $0x1  }
0x411: {  	v2 =	vmul.f32 v35, v2  }
0x412: {  	[tilespmem:$0x340] =	vst v3  }
0x413: {  	[tilespmem:$0x440] =	vst v2;
	v2 =	vadd.s32 v0, v34  }
0x414: {  	[tilespmem:$0x40] =	vst v2;
	v2 =	vld [tilespmem:$0x150]  }
0x415: {  	v3 =	vld.idx.msk [tilespmem:v36+s8+$0x0], $0xffff;
	_ =	sdelay $0x1  }
0x416: {  	v38 =	vld.idx.msk [tilespmem:v37+s8+$0x0], $0xffff  }
0x417: {  	v39 =	vld [tilespmem:$0x60];
	_ =	sdelay $0x1  }
0x418: {  	v2 =	vmul.f32 v3, v2;
	v3 =	vld [tilespmem:$0xE0];
	_ =	sdelay $0x1  }
0x419: {  	v2 =	vmul.f32 v38, v2  }
0x41a: {  	[tilespmem:$0x350] =	vst v37  }
0x41b: {  	[tilespmem:$0x450] =	vst v2;
	v2 =	vadd.s32 v0, v36  }
0x41c: {  	[tilespmem:$0x50] =	vst v2;
	v2 =	vld [tilespmem:$0x160]  }
0x41d: {  	v4 =	vld.idx.msk [tilespmem:v39+s8+$0x0], $0xffff;
	_ =	sdelay $0x1  }
0x41e: {  	v40 =	vld.idx.msk [tilespmem:v3+s8+$0x0], $0xffff  }
0x41f: {  	v41 =	vld [tilespmem:$0x70];
	_ =	sdelay $0x1  }
0x420: {  	v42 =	vld [tilespmem:$0xF0];
	v2 =	vmul.f32 v4, v2;
	_ =	sdelay $0x1  }
0x421: {  	v2 =	vmul.f32 v40, v2  }
0x422: {  	[tilespmem:$0x360] =	vst v3  }
0x423: {  	[tilespmem:$0x460] =	vst v2;
	v2 =	vadd.s32 v0, v39  }
0x424: {  	[tilespmem:$0x60] =	vst v2;
	v2 =	vld [tilespmem:$0x170]  }
0x425: {  	v3 =	vld.idx.msk [tilespmem:v41+s8+$0x0], $0xffff;
	_ =	sdelay $0x1  }
0x426: {  	v43 =	vld.idx.msk [tilespmem:v42+s8+$0x0], $0xffff;
	_ =	sdelay $0x2  }
0x427: {  	v2 =	vmul.f32 v3, v2;
	_ =	sdelay $0x1  }
0x428: {  	v2 =	vmul.f32 v43, v2  }
0x429: {  	[tilespmem:$0x370] =	vst v42  }
0x42a: {  	[tilespmem:$0x470] =	vst v2;
	v2 =	vadd.s32 v0, v41  }
0x42b: {  	s12 =	simm.s32 $0xD00;
	s6 =	simm.s32 $0x40;
	s13 =	rddreg [dreg:$0x7];
	[tilespmem:$0x70] =	vst v2  }
0x42c: {  	[tilespmem:s12], [sflag:$0x1] =	stream.indirect.gather [hbm4b:s13+s6], $0x40, s0, s6, $0xb8;
	[tilespmem:$0x1FB80] =	vst v63  }
0x42d: {  	s31 =	simm.s32 $0x1D00  }
0x42e: {  	[tilespmem:s31], [sflag:$0x1] =	stream.indirect.gather [hbm4b:s13+s6], $0x40, s6, s6, $0xb8;
	[tilespmem:$0x1FB80] =	vst v63  }
0x42f: {  	v2 =	vld [tilespmem:$0x180];
	_ =	sdelay $0x1  }
0x430: {  	v3 =	vld [tilespmem:$0x200];
	_ =	sdelay $0x4  }
0x431: {  	v44 =	vld [tilespmem:$0x280]  }
0x432: {  	v45 =	vld.idx.msk [tilespmem:v2+s8+$0x0], $0xffff  }
0x433: {  	v47 =	vld [tilespmem:$0x190]  }
0x434: {  	v46 =	vld.idx.msk [tilespmem:v3+s8+$0x0], $0xffff;
	_ =	sdelay $0x1  }
0x435: {  	v48 =	vld [tilespmem:$0x210]  }
0x436: {  	v4 =	vmul.f32 v45, v44;
	_ =	sdelay $0x1  }
0x437: {  	[tilespmem:$0x380] =	vst v3;
	v2 =	vadd.s32 v0, v2;
	v4 =	vmul.f32 v46, v4  }
0x438: {  	[tilespmem:$0x180] =	vst v2  }
0x439: {  	v2 =	vld [tilespmem:$0x290];
	[tilespmem:$0x480] =	vst v4  }
0x43a: {  	v3 =	vld.idx.msk [tilespmem:v47+s8+$0x0], $0xffff;
	_ =	sdelay $0x1  }
0x43b: {  	v4 =	vld.idx.msk [tilespmem:v48+s8+$0x0], $0xffff  }
0x43c: {  	v49 =	vld [tilespmem:$0x1A0];
	_ =	sdelay $0x1  }
0x43d: {  	v2 =	vmul.f32 v3, v2;
	v3 =	vld [tilespmem:$0x220];
	_ =	sdelay $0x1  }
0x43e: {  	v2 =	vmul.f32 v4, v2  }
0x43f: {  	[tilespmem:$0x390] =	vst v48  }
0x440: {  	[tilespmem:$0x490] =	vst v2;
	v2 =	vadd.s32 v0, v47  }
0x441: {  	[tilespmem:$0x190] =	vst v2;
	v2 =	vld [tilespmem:$0x2A0]  }
0x442: {  	v50 =	vld.idx.msk [tilespmem:v49+s8+$0x0], $0xffff;
	_ =	sdelay $0x1  }
0x443: {  	v5 =	vld.idx.msk [tilespmem:v3+s8+$0x0], $0xffff  }
0x444: {  	v51 =	vld [tilespmem:$0x1B0];
	_ =	sdelay $0x1  }
0x445: {  	v52 =	vld [tilespmem:$0x230];
	v2 =	vmul.f32 v50, v2;
	_ =	sdelay $0x1  }
0x446: {  	v2 =	vmul.f32 v5, v2  }
0x447: {  	[tilespmem:$0x3A0] =	vst v3  }
0x448: {  	[tilespmem:$0x4A0] =	vst v2;
	v2 =	vadd.s32 v0, v49  }
0x449: {  	[tilespmem:$0x1A0] =	vst v2;
	v2 =	vld [tilespmem:$0x2B0]  }
0x44a: {  	v3 =	vld.idx.msk [tilespmem:v51+s8+$0x0], $0xffff;
	_ =	sdelay $0x1  }
0x44b: {  	v53 =	vld.idx.msk [tilespmem:v52+s8+$0x0], $0xffff  }
0x44c: {  	v54 =	vld [tilespmem:$0x1C0];
	_ =	sdelay $0x1  }
0x44d: {  	v2 =	vmul.f32 v3, v2;
	v3 =	vld [tilespmem:$0x240];
	_ =	sdelay $0x1  }
0x44e: {  	v2 =	vmul.f32 v53, v2  }
0x44f: {  	[tilespmem:$0x3B0] =	vst v52  }
0x450: {  	[tilespmem:$0x4B0] =	vst v2;
	v2 =	vadd.s32 v0, v51  }
0x451: {  	[tilespmem:$0x1B0] =	vst v2;
	v2 =	vld [tilespmem:$0x2C0]  }
0x452: {  	v4 =	vld.idx.msk [tilespmem:v54+s8+$0x0], $0xffff;
	_ =	sdelay $0x1  }
0x453: {  	v55 =	vld.idx.msk [tilespmem:v3+s8+$0x0], $0xffff  }
0x454: {  	v56 =	vld [tilespmem:$0x1D0];
	_ =	sdelay $0x1  }
0x455: {  	v57 =	vld [tilespmem:$0x250];
	v2 =	vmul.f32 v4, v2;
	_ =	sdelay $0x1  }
0x456: {  	v2 =	vmul.f32 v55, v2  }
0x457: {  	[tilespmem:$0x3C0] =	vst v3  }
0x458: {  	[tilespmem:$0x4C0] =	vst v2;
	v2 =	vadd.s32 v0, v54  }
0x459: {  	[tilespmem:$0x1C0] =	vst v2;
	v2 =	vld [tilespmem:$0x2D0]  }
0x45a: {  	v3 =	vld.idx.msk [tilespmem:v56+s8+$0x0], $0xffff;
	_ =	sdelay $0x1  }
0x45b: {  	v58 =	vld.idx.msk [tilespmem:v57+s8+$0x0], $0xffff  }
0x45c: {  	v59 =	vld [tilespmem:$0x1E0];
	_ =	sdelay $0x1  }
0x45d: {  	v2 =	vmul.f32 v3, v2;
	v3 =	vld [tilespmem:$0x260];
	_ =	sdelay $0x1  }
0x45e: {  	v2 =	vmul.f32 v58, v2  }
0x45f: {  	[tilespmem:$0x3D0] =	vst v57  }
0x460: {  	[tilespmem:$0x4D0] =	vst v2;
	v2 =	vadd.s32 v0, v56  }
0x461: {  	[tilespmem:$0x1D0] =	vst v2;
	v2 =	vld [tilespmem:$0x2E0]  }
0x462: {  	v4 =	vld.idx.msk [tilespmem:v59+s8+$0x0], $0xffff;
	_ =	sdelay $0x1  }
0x463: {  	v60 =	vld.idx.msk [tilespmem:v3+s8+$0x0], $0xffff  }
0x464: {  	v61 =	vld [tilespmem:$0x1F0];
	_ =	sdelay $0x1  }
0x465: {  	v62 =	vld [tilespmem:$0x270];
	v2 =	vmul.f32 v4, v2;
	_ =	sdelay $0x1  }
0x466: {  	v2 =	vmul.f32 v60, v2  }
0x467: {  	[tilespmem:$0x3E0] =	vst v3  }
0x468: {  	[tilespmem:$0x4E0] =	vst v2;
	v2 =	vadd.s32 v0, v59  }
0x469: {  	[tilespmem:$0x1E0] =	vst v2;
	v2 =	vld [tilespmem:$0x2F0]  }
0x46a: {  	v3 =	vld.idx.msk [tilespmem:v61+s8+$0x0], $0xffff;
	_ =	sdelay $0x1  }
0x46b: {  	v63 =	vld.idx.msk [tilespmem:v62+s8+$0x0], $0xffff;
	_ =	sdelay $0x2  }
0x46c: {  	v2 =	vmul.f32 v3, v2;
	_ =	sdelay $0x1  }
0x46d: {  	v2 =	vmul.f32 v63, v2  }
0x46e: {  	[tilespmem:$0x3F0] =	vst v62  }
0x46f: {  	[tilespmem:$0x4F0] =	vst v2;
	v2 =	vadd.s32 v0, v61  }
0x470: {  	s7 =	simm.s32 $0x180;
	s8 =	simm.s32 $0x2D00;
	[tilespmem:$0x1F0] =	vst v2  }
0x471: {  	[tilespmem:s8], [sflag:$0x2] =	stream.indirect.gather [hbm4b:s13+s6], $0x40, s7, s6, $0xb8;
	[tilespmem:$0x1FB80] =	vst v63  }
0x472: {  	s12 =	simm.s32 $0x1C0;
	s31 =	simm.s32 $0x3D00  }
0x473: {  	[tilespmem:s31], [sflag:$0x2] =	stream.indirect.gather [hbm4b:s13+s6], $0x40, s12, s6, $0xb8;
	[tilespmem:$0x1FB80] =	vst v63  }
0x474: {  	s6 =	simm.s32 $0x0;
	s12 =	rddreg [dreg:$0x4]  }
.LBB2_28:
0x475: {  	v2 =	vmov s0;
	s5 =	simm.s32 $0x1  }
0x476: {  	_ =	swait.ge [sflag:s5], $0x2000  }
0x477: {  	[sflag:s5] =	ssyncset.done $0x0  }
0x478: {  	[sflag:s5] =	ssyncadd.s32 $0xFFFFE000;
	s5 =	simm.s32 $0xD20  }
0x479: {  	v3 =	vld [tilespmem:s5+$0xFFFFFFE0]  }
0x47a: {  	v2 =	vld.idx.msk [tilespmem:v2+s18+$0x0], $0xffff;
	_ =	sdelay $0x3  }
0x47b: {  	v4 =	vshll.u32 v3, $0x10  }
0x47c: {  	v3 =	vand.u32 $0xFFFF0000, v3;
	v4 =	vmul.f32 v4, v2  }
0x47d: {  	s7 =	simm.s32 $0x4D40;
	v3 =	vmul.f32 v3, v2  }
0x47e: {  	[tilespmem:s7+$0xFFFFFFC0] =	vst v4  }
0x47f: {  	[tilespmem:s7+$0x0] =	vst v3  }
0x480: {  	v3 =	vld [tilespmem:s5+$0xFFFFFFF0];
	_ =	sdelay $0x4  }
0x481: {  	v4 =	vshll.u32 v3, $0x10  }
0x482: {  	v3 =	vand.u32 $0xFFFF0000, v3;
	v4 =	vmul.f32 v4, v2  }
0x483: {  	v3 =	vmul.f32 v3, v2  }
0x484: {  	[tilespmem:s7+$0xFFFFFFD0] =	vst v4  }
0x485: {  	[tilespmem:s7+$0x10] =	vst v3  }
0x486: {  	v3 =	vld [tilespmem:s5+$0x0];
	_ =	sdelay $0x4  }
0x487: {  	v4 =	vshll.u32 v3, $0x10  }
0x488: {  	v3 =	vand.u32 $0xFFFF0000, v3;
	v4 =	vmul.f32 v4, v2  }
0x489: {  	v3 =	vmul.f32 v3, v2  }
0x48a: {  	[tilespmem:s7+$0xFFFFFFE0] =	vst v4  }
0x48b: {  	[tilespmem:s7+$0x20] =	vst v3  }
0x48c: {  	s31 =	simm.s32 $0x1;
	s8 =	simm.s32 $0x4D40;
	v3 =	vld [tilespmem:s5+$0x10]  }
.LBB2_29:
0x48d: {  	_ =	sdelay $0x3  }
0x48e: {  	p1 =	sne.s32 s31, $0x7F;
	s7 =	sadd.s32 $0x80, s7;
	s5 =	sadd.s32 $0x40, s5;
	v4 =	vshll.u32 v3, $0x10;
	v3 =	vand.u32 $0xFFFF0000, v3  }
0x48f: {  	v5 =	vmov s31;
	s31 =	sadd.s32 $0x1, s31;
	v4 =	vmul.f32 v4, v2;
	v2 =	vmul.f32 v3, v2;
	_ =	sdelay $0x1  }
0x490: {  	[tilespmem:s8+$0xFFFFFFF0] =	vst v4  }
0x491: {  	[tilespmem:s8+$0x30] =	vst v2;
	s8 =	smov.u32 s7  }
0x492: {  	v3 =	vld [tilespmem:s5+$0xFFFFFFE0]  }
0x493: {  	v2 =	vld.idx.msk [tilespmem:v5+s18+$0x0], $0xffff;
	_ =	sdelay $0x4  }
0x494: {  	v4 =	vshll.u32 v3, $0x10;
	v3 =	vand.u32 $0xFFFF0000, v3  }
0x495: {  	v4 =	vmul.f32 v4, v2;
	v3 =	vmul.f32 v3, v2;
	_ =	sdelay $0x1  }
0x496: {  	[tilespmem:s7+$0xFFFFFFC0] =	vst v4  }
0x497: {  	[tilespmem:s7+$0x0] =	vst v3  }
0x498: {  	v3 =	vld [tilespmem:s5+$0xFFFFFFF0];
	_ =	sdelay $0x4  }
0x499: {  	v4 =	vshll.u32 v3, $0x10;
	v3 =	vand.u32 $0xFFFF0000, v3  }
0x49a: {  	v4 =	vmul.f32 v4, v2;
	v3 =	vmul.f32 v3, v2;
	_ =	sdelay $0x1  }
0x49b: {  	[tilespmem:s7+$0xFFFFFFD0] =	vst v4  }
0x49c: {  	[tilespmem:s7+$0x10] =	vst v3  }
0x49d: {  	v3 =	vld [tilespmem:s5+$0x0];
	_ =	sdelay $0x4  }
0x49e: {  	v4 =	vshll.u32 v3, $0x10;
	v3 =	vand.u32 $0xFFFF0000, v3  }
.Ltmp15:
0x49f: {  	v4 =	vmul.f32 v4, v2;
	v3 =	vmul.f32 v3, v2;
	(pc) =	sbr.rel @p1 .LBB2_29-.Ltmp15, $4  }
0x4a0: {  	_ = 	snop  }
0x4a1: {  	[tilespmem:s7+$0xFFFFFFE0] =	vst v4  }
0x4a2: {  	[tilespmem:s7+$0x20] =	vst v3  }
0x4a3: {  	v3 =	vld [tilespmem:s5+$0x10]  }
0x4a4: {  	_ =	sdelay $0x3  }
0x4a5: {  	v4 =	vshll.u32 v3, $0x10  }
0x4a6: {  	v3 =	vand.u32 $0xFFFF0000, v3;
	v4 =	vmul.f32 v4, v2  }
0x4a7: {  	v2 =	vmul.f32 v3, v2  }
0x4a8: {  	p1 =	seq.s32 s6, $0x53;
	[tilespmem:s8+$0xFFFFFFF0] =	vst v4  }
.Ltmp16:
0x4a9: {  	s5 =	simm.s32 $0x4D00;
	s7 =	simm.s32 $0x300;
	[tilespmem:s8+$0x30] =	vst v2;
	(pc) =	sbr.rel @p1 .LBB2_32-.Ltmp16, $4  }
0x4aa: {  	[spmem:s12] =	stream.indirect.scatter.add.f32 [tilespmem:s5], [sflag:$0x4], $0x80, s7, s11, $0xb8;
	[tilespmem:$0x1FB80] =	vst v63  }
0x4ab: {  	_ =	swait.ge [sflag:s4], $0x4000  }
0x4ac: {  	[sflag:s4] =	ssyncset.done $0x0  }
0x4ad: {  	[sflag:s4] =	ssyncadd.s32 $0xFFFFC000  }
0x4ae: {  	s5 =	sshll.u32 s6, $0x1;
	s7 =	rddreg [dreg:$0x14]  }
0x4af: {  	s5 =	sadd.s32 s5, s7  }
0x4b0: {  	s5 =	smul.u32 $0x30, s5  }
0x4b1: {  	s31 =	rddreg [dreg:$0x8]  }
0x4b2: {  	s5 =	sadd.s32 s31, s5  }
0x4b3: {  	[tilespmem:s3], [sflag:$0x4] =	stream.linear.gather [hbm4b:s5+s3], $0x300, $0x38;
	[tilespmem:$0x1FB80] =	vst v63  }
0x4b4: {  	_ =	swait.ge [sflag:s4], $0x300  }
0x4b5: {  	[sflag:s4] =	ssyncset.done $0x0  }
0x4b6: {  	[sflag:s4] =	ssyncadd.s32 $0xFFFFFD00  }
0x4b7: {  	v2 =	vld [tilespmem:$0x0];
	_ =	sdelay $0x1  }
0x4b8: {  	v3 =	vld [tilespmem:$0x80];
	_ =	sdelay $0x4  }
0x4b9: {  	s7 =	simm.s32 $0x9100;
	v4 =	vld [tilespmem:$0x100]  }
0x4ba: {  	v5 =	vld.idx.msk [tilespmem:v2+s7+$0x0], $0xffff  }
0x4bb: {  	v7 =	vld [tilespmem:$0x10]  }
0x4bc: {  	v6 =	vld.idx.msk [tilespmem:v3+s7+$0x0], $0xffff;
	_ =	sdelay $0x1  }
0x4bd: {  	v48 =	vld [tilespmem:$0x90]  }
0x4be: {  	v4 =	vmul.f32 v5, v4;
	_ =	sdelay $0x1  }
0x4bf: {  	[tilespmem:$0x300] =	vst v3;
	v2 =	vadd.s32 v0, v2;
	v4 =	vmul.f32 v6, v4  }
0x4c0: {  	[tilespmem:$0x0] =	vst v2  }
0x4c1: {  	v2 =	vld [tilespmem:$0x110];
	[tilespmem:$0x400] =	vst v4  }
0x4c2: {  	v3 =	vld.idx.msk [tilespmem:v7+s7+$0x0], $0xffff;
	_ =	sdelay $0x1  }
0x4c3: {  	v4 =	vld.idx.msk [tilespmem:v48+s7+$0x0], $0xffff  }
0x4c4: {  	v49 =	vld [tilespmem:$0x20];
	_ =	sdelay $0x1  }
0x4c5: {  	v2 =	vmul.f32 v3, v2;
	v3 =	vld [tilespmem:$0xA0];
	_ =	sdelay $0x1  }
0x4c6: {  	v2 =	vmul.f32 v4, v2  }
0x4c7: {  	[tilespmem:$0x310] =	vst v48  }
0x4c8: {  	[tilespmem:$0x410] =	vst v2;
	v2 =	vadd.s32 v0, v7  }
0x4c9: {  	[tilespmem:$0x10] =	vst v2;
	v2 =	vld [tilespmem:$0x120]  }
0x4ca: {  	v50 =	vld.idx.msk [tilespmem:v49+s7+$0x0], $0xffff;
	_ =	sdelay $0x1  }
0x4cb: {  	v5 =	vld.idx.msk [tilespmem:v3+s7+$0x0], $0xffff  }
0x4cc: {  	v51 =	vld [tilespmem:$0x30];
	_ =	sdelay $0x1  }
0x4cd: {  	v52 =	vld [tilespmem:$0xB0];
	v2 =	vmul.f32 v50, v2;
	_ =	sdelay $0x1  }
0x4ce: {  	v2 =	vmul.f32 v5, v2  }
0x4cf: {  	[tilespmem:$0x320] =	vst v3  }
0x4d0: {  	[tilespmem:$0x420] =	vst v2;
	v2 =	vadd.s32 v0, v49  }
0x4d1: {  	[tilespmem:$0x20] =	vst v2;
	v2 =	vld [tilespmem:$0x130]  }
0x4d2: {  	v3 =	vld.idx.msk [tilespmem:v51+s7+$0x0], $0xffff;
	_ =	sdelay $0x1  }
0x4d3: {  	v53 =	vld.idx.msk [tilespmem:v52+s7+$0x0], $0xffff  }
0x4d4: {  	v54 =	vld [tilespmem:$0x40];
	_ =	sdelay $0x1  }
0x4d5: {  	v2 =	vmul.f32 v3, v2;
	v3 =	vld [tilespmem:$0xC0];
	_ =	sdelay $0x1  }
0x4d6: {  	v2 =	vmul.f32 v53, v2  }
0x4d7: {  	[tilespmem:$0x330] =	vst v52  }
0x4d8: {  	[tilespmem:$0x430] =	vst v2;
	v2 =	vadd.s32 v0, v51  }
0x4d9: {  	[tilespmem:$0x30] =	vst v2;
	v2 =	vld [tilespmem:$0x140]  }
0x4da: {  	v4 =	vld.idx.msk [tilespmem:v54+s7+$0x0], $0xffff;
	_ =	sdelay $0x1  }
0x4db: {  	v55 =	vld.idx.msk [tilespmem:v3+s7+$0x0], $0xffff  }
0x4dc: {  	v56 =	vld [tilespmem:$0x50];
	_ =	sdelay $0x1  }
0x4dd: {  	v57 =	vld [tilespmem:$0xD0];
	v2 =	vmul.f32 v4, v2;
	_ =	sdelay $0x1  }
0x4de: {  	v2 =	vmul.f32 v55, v2  }
0x4df: {  	[tilespmem:$0x340] =	vst v3  }
0x4e0: {  	[tilespmem:$0x440] =	vst v2;
	v2 =	vadd.s32 v0, v54  }
0x4e1: {  	[tilespmem:$0x40] =	vst v2;
	v2 =	vld [tilespmem:$0x150]  }
0x4e2: {  	v3 =	vld.idx.msk [tilespmem:v56+s7+$0x0], $0xffff;
	_ =	sdelay $0x1  }
0x4e3: {  	v58 =	vld.idx.msk [tilespmem:v57+s7+$0x0], $0xffff  }
0x4e4: {  	v59 =	vld [tilespmem:$0x60];
	_ =	sdelay $0x1  }
0x4e5: {  	v2 =	vmul.f32 v3, v2;
	v3 =	vld [tilespmem:$0xE0];
	_ =	sdelay $0x1  }
0x4e6: {  	v2 =	vmul.f32 v58, v2  }
0x4e7: {  	[tilespmem:$0x350] =	vst v57  }
0x4e8: {  	[tilespmem:$0x450] =	vst v2;
	v2 =	vadd.s32 v0, v56  }
0x4e9: {  	[tilespmem:$0x50] =	vst v2;
	v2 =	vld [tilespmem:$0x160]  }
0x4ea: {  	v4 =	vld.idx.msk [tilespmem:v59+s7+$0x0], $0xffff;
	_ =	sdelay $0x1  }
0x4eb: {  	v60 =	vld.idx.msk [tilespmem:v3+s7+$0x0], $0xffff  }
0x4ec: {  	v61 =	vld [tilespmem:$0x70];
	_ =	sdelay $0x1  }
0x4ed: {  	v62 =	vld [tilespmem:$0xF0];
	v2 =	vmul.f32 v4, v2;
	_ =	sdelay $0x1  }
0x4ee: {  	v2 =	vmul.f32 v60, v2  }
0x4ef: {  	[tilespmem:$0x360] =	vst v3  }
0x4f0: {  	[tilespmem:$0x460] =	vst v2;
	v2 =	vadd.s32 v0, v59  }
0x4f1: {  	[tilespmem:$0x60] =	vst v2;
	v2 =	vld [tilespmem:$0x170]  }
0x4f2: {  	v3 =	vld.idx.msk [tilespmem:v61+s7+$0x0], $0xffff;
	_ =	sdelay $0x1  }
0x4f3: {  	v63 =	vld.idx.msk [tilespmem:v62+s7+$0x0], $0xffff;
	_ =	sdelay $0x2  }
0x4f4: {  	v2 =	vmul.f32 v3, v2;
	_ =	sdelay $0x1  }
0x4f5: {  	v2 =	vmul.f32 v63, v2  }
0x4f6: {  	[tilespmem:$0x370] =	vst v62  }
0x4f7: {  	[tilespmem:$0x470] =	vst v2;
	v2 =	vadd.s32 v0, v61  }
0x4f8: {  	s8 =	simm.s32 $0xD00;
	s5 =	simm.s32 $0x40;
	[tilespmem:$0x70] =	vst v2  }
0x4f9: {  	[tilespmem:s8], [sflag:$0x1] =	stream.indirect.gather [hbm4b:s13+s5], $0x40, s3, s5, $0xb8;
	[tilespmem:$0x1FB80] =	vst v63  }
0x4fa: {  	s31 =	simm.s32 $0x1D00  }
0x4fb: {  	[tilespmem:s31], [sflag:$0x1] =	stream.indirect.gather [hbm4b:s13+s5], $0x40, s5, s5, $0xb8;
	[tilespmem:$0x1FB80] =	vst v63  }
.LBB2_32:
0x4fc: {  	s5 =	simm.s32 $0x0  }
0x4fd: {  	s8 =	simm.s32 $0x2;
	v2 =	vmov s5  }
0x4fe: {  	_ =	swait.ge [sflag:s8], $0x2000  }
0x4ff: {  	[sflag:s8] =	ssyncset.done $0x0  }
0x500: {  	s5 =	simm.s32 $0x2D20;
	[sflag:s8] =	ssyncadd.s32 $0xFFFFE000  }
0x501: {  	v3 =	vld [tilespmem:s5+$0xFFFFFFE0]  }
0x502: {  	v2 =	vld.idx.msk [tilespmem:v2+s1+$0x0], $0xffff;
	_ =	sdelay $0x3  }
0x503: {  	v4 =	vshll.u32 v3, $0x10  }
0x504: {  	v3 =	vand.u32 $0xFFFF0000, v3;
	v4 =	vmul.f32 v4, v2  }
0x505: {  	s7 =	simm.s32 $0x4D40;
	v3 =	vmul.f32 v3, v2  }
0x506: {  	[tilespmem:s7+$0xFFFFFFC0] =	vst v4  }
0x507: {  	[tilespmem:s7+$0x0] =	vst v3  }
0x508: {  	v3 =	vld [tilespmem:s5+$0xFFFFFFF0];
	_ =	sdelay $0x4  }
0x509: {  	v4 =	vshll.u32 v3, $0x10  }
0x50a: {  	v3 =	vand.u32 $0xFFFF0000, v3;
	v4 =	vmul.f32 v4, v2  }
0x50b: {  	v3 =	vmul.f32 v3, v2  }
0x50c: {  	[tilespmem:s7+$0xFFFFFFD0] =	vst v4  }
0x50d: {  	[tilespmem:s7+$0x10] =	vst v3  }
0x50e: {  	v3 =	vld [tilespmem:s5+$0x0];
	_ =	sdelay $0x4  }
0x50f: {  	v4 =	vshll.u32 v3, $0x10  }
0x510: {  	v3 =	vand.u32 $0xFFFF0000, v3;
	v4 =	vmul.f32 v4, v2  }
0x511: {  	v3 =	vmul.f32 v3, v2  }
0x512: {  	[tilespmem:s7+$0xFFFFFFE0] =	vst v4  }
0x513: {  	[tilespmem:s7+$0x20] =	vst v3  }
0x514: {  	s31 =	simm.s32 $0x1;
	s8 =	simm.s32 $0x4D40;
	v3 =	vld [tilespmem:s5+$0x10]  }
.LBB2_33:
0x515: {  	_ =	sdelay $0x3  }
0x516: {  	p2 =	sne.s32 s31, $0x7F;
	s7 =	sadd.s32 $0x80, s7;
	s5 =	sadd.s32 $0x40, s5;
	v4 =	vshll.u32 v3, $0x10;
	v3 =	vand.u32 $0xFFFF0000, v3  }
0x517: {  	v5 =	vmov s31;
	s31 =	sadd.s32 $0x1, s31;
	v4 =	vmul.f32 v4, v2;
	v2 =	vmul.f32 v3, v2;
	_ =	sdelay $0x1  }
0x518: {  	[tilespmem:s8+$0xFFFFFFF0] =	vst v4  }
0x519: {  	[tilespmem:s8+$0x30] =	vst v2;
	s8 =	smov.u32 s7  }
0x51a: {  	v3 =	vld [tilespmem:s5+$0xFFFFFFE0]  }
0x51b: {  	v2 =	vld.idx.msk [tilespmem:v5+s1+$0x0], $0xffff;
	_ =	sdelay $0x4  }
0x51c: {  	v4 =	vshll.u32 v3, $0x10;
	v3 =	vand.u32 $0xFFFF0000, v3  }
0x51d: {  	v4 =	vmul.f32 v4, v2;
	v3 =	vmul.f32 v3, v2;
	_ =	sdelay $0x1  }
0x51e: {  	[tilespmem:s7+$0xFFFFFFC0] =	vst v4  }
0x51f: {  	[tilespmem:s7+$0x0] =	vst v3  }
0x520: {  	v3 =	vld [tilespmem:s5+$0xFFFFFFF0];
	_ =	sdelay $0x4  }
0x521: {  	v4 =	vshll.u32 v3, $0x10;
	v3 =	vand.u32 $0xFFFF0000, v3  }
0x522: {  	v4 =	vmul.f32 v4, v2;
	v3 =	vmul.f32 v3, v2;
	_ =	sdelay $0x1  }
0x523: {  	[tilespmem:s7+$0xFFFFFFD0] =	vst v4  }
0x524: {  	[tilespmem:s7+$0x10] =	vst v3  }
0x525: {  	v3 =	vld [tilespmem:s5+$0x0];
	_ =	sdelay $0x4  }
0x526: {  	v4 =	vshll.u32 v3, $0x10;
	v3 =	vand.u32 $0xFFFF0000, v3  }
.Ltmp17:
0x527: {  	v4 =	vmul.f32 v4, v2;
	v3 =	vmul.f32 v3, v2;
	(pc) =	sbr.rel @p2 .LBB2_33-.Ltmp17, $4  }
0x528: {  	_ = 	snop  }
0x529: {  	[tilespmem:s7+$0xFFFFFFE0] =	vst v4  }
0x52a: {  	[tilespmem:s7+$0x20] =	vst v3  }
0x52b: {  	v3 =	vld [tilespmem:s5+$0x10]  }
0x52c: {  	_ =	sdelay $0x3  }
0x52d: {  	v4 =	vshll.u32 v3, $0x10  }
0x52e: {  	v3 =	vand.u32 $0xFFFF0000, v3;
	v4 =	vmul.f32 v4, v2  }
0x52f: {  	v2 =	vmul.f32 v3, v2  }
0x530: {  	[tilespmem:s8+$0xFFFFFFF0] =	vst v4  }
.Ltmp18:
0x531: {  	s5 =	simm.s32 $0x4D00;
	s7 =	simm.s32 $0x380;
	[tilespmem:s8+$0x30] =	vst v2;
	(pc) =	sbr.rel @p1 .LBB2_36-.Ltmp18, $4  }
0x532: {  	[spmem:s12] =	stream.indirect.scatter.add.f32 [tilespmem:s5], [sflag:$0x4], $0x80, s7, s11, $0xb8;
	[tilespmem:$0x1FB80] =	vst v63  }
0x533: {  	_ =	swait.ge [sflag:s4], $0x4000  }
0x534: {  	[sflag:s4] =	ssyncset.done $0x0  }
0x535: {  	[sflag:s4] =	ssyncadd.s32 $0xFFFFC000  }
0x536: {  	v2 =	vld [tilespmem:$0x180];
	_ =	sdelay $0x1  }
0x537: {  	v3 =	vld [tilespmem:$0x200];
	_ =	sdelay $0x4  }
0x538: {  	v4 =	vld [tilespmem:$0x280];
	s5 =	simm.s32 $0x9100  }
0x539: {  	v5 =	vld.idx.msk [tilespmem:v2+s5+$0x0], $0xffff  }
0x53a: {  	v7 =	vld [tilespmem:$0x190]  }
0x53b: {  	v6 =	vld.idx.msk [tilespmem:v3+s5+$0x0], $0xffff;
	_ =	sdelay $0x1  }
0x53c: {  	v48 =	vld [tilespmem:$0x210]  }
0x53d: {  	v4 =	vmul.f32 v5, v4;
	_ =	sdelay $0x1  }
0x53e: {  	[tilespmem:$0x380] =	vst v3;
	v2 =	vadd.s32 v0, v2;
	v4 =	vmul.f32 v6, v4  }
0x53f: {  	[tilespmem:$0x180] =	vst v2  }
0x540: {  	v2 =	vld [tilespmem:$0x290];
	[tilespmem:$0x480] =	vst v4  }
0x541: {  	v3 =	vld.idx.msk [tilespmem:v7+s5+$0x0], $0xffff;
	_ =	sdelay $0x1  }
0x542: {  	v4 =	vld.idx.msk [tilespmem:v48+s5+$0x0], $0xffff  }
0x543: {  	v49 =	vld [tilespmem:$0x1A0];
	_ =	sdelay $0x1  }
0x544: {  	v2 =	vmul.f32 v3, v2;
	v3 =	vld [tilespmem:$0x220];
	_ =	sdelay $0x1  }
0x545: {  	v2 =	vmul.f32 v4, v2  }
0x546: {  	[tilespmem:$0x390] =	vst v48  }
0x547: {  	[tilespmem:$0x490] =	vst v2;
	v2 =	vadd.s32 v0, v7  }
0x548: {  	[tilespmem:$0x190] =	vst v2;
	v2 =	vld [tilespmem:$0x2A0]  }
0x549: {  	v50 =	vld.idx.msk [tilespmem:v49+s5+$0x0], $0xffff;
	_ =	sdelay $0x1  }
0x54a: {  	v5 =	vld.idx.msk [tilespmem:v3+s5+$0x0], $0xffff  }
0x54b: {  	v51 =	vld [tilespmem:$0x1B0];
	_ =	sdelay $0x1  }
0x54c: {  	v52 =	vld [tilespmem:$0x230];
	v2 =	vmul.f32 v50, v2;
	_ =	sdelay $0x1  }
0x54d: {  	v2 =	vmul.f32 v5, v2  }
0x54e: {  	[tilespmem:$0x3A0] =	vst v3  }
0x54f: {  	[tilespmem:$0x4A0] =	vst v2;
	v2 =	vadd.s32 v0, v49  }
0x550: {  	[tilespmem:$0x1A0] =	vst v2;
	v2 =	vld [tilespmem:$0x2B0]  }
0x551: {  	v3 =	vld.idx.msk [tilespmem:v51+s5+$0x0], $0xffff;
	_ =	sdelay $0x1  }
0x552: {  	v53 =	vld.idx.msk [tilespmem:v52+s5+$0x0], $0xffff  }
0x553: {  	v54 =	vld [tilespmem:$0x1C0];
	_ =	sdelay $0x1  }
0x554: {  	v2 =	vmul.f32 v3, v2;
	v3 =	vld [tilespmem:$0x240];
	_ =	sdelay $0x1  }
0x555: {  	v2 =	vmul.f32 v53, v2  }
0x556: {  	[tilespmem:$0x3B0] =	vst v52  }
0x557: {  	[tilespmem:$0x4B0] =	vst v2;
	v2 =	vadd.s32 v0, v51  }
0x558: {  	[tilespmem:$0x1B0] =	vst v2;
	v2 =	vld [tilespmem:$0x2C0]  }
0x559: {  	v4 =	vld.idx.msk [tilespmem:v54+s5+$0x0], $0xffff;
	_ =	sdelay $0x1  }
0x55a: {  	v55 =	vld.idx.msk [tilespmem:v3+s5+$0x0], $0xffff  }
0x55b: {  	v56 =	vld [tilespmem:$0x1D0];
	_ =	sdelay $0x1  }
0x55c: {  	v57 =	vld [tilespmem:$0x250];
	v2 =	vmul.f32 v4, v2;
	_ =	sdelay $0x1  }
0x55d: {  	v2 =	vmul.f32 v55, v2  }
0x55e: {  	[tilespmem:$0x3C0] =	vst v3  }
0x55f: {  	[tilespmem:$0x4C0] =	vst v2;
	v2 =	vadd.s32 v0, v54  }
0x560: {  	[tilespmem:$0x1C0] =	vst v2;
	v2 =	vld [tilespmem:$0x2D0]  }
0x561: {  	v3 =	vld.idx.msk [tilespmem:v56+s5+$0x0], $0xffff;
	_ =	sdelay $0x1  }
0x562: {  	v58 =	vld.idx.msk [tilespmem:v57+s5+$0x0], $0xffff  }
0x563: {  	v59 =	vld [tilespmem:$0x1E0];
	_ =	sdelay $0x1  }
0x564: {  	v2 =	vmul.f32 v3, v2;
	v3 =	vld [tilespmem:$0x260];
	_ =	sdelay $0x1  }
0x565: {  	v2 =	vmul.f32 v58, v2  }
0x566: {  	[tilespmem:$0x3D0] =	vst v57  }
0x567: {  	[tilespmem:$0x4D0] =	vst v2;
	v2 =	vadd.s32 v0, v56  }
0x568: {  	[tilespmem:$0x1D0] =	vst v2;
	v2 =	vld [tilespmem:$0x2E0]  }
0x569: {  	v4 =	vld.idx.msk [tilespmem:v59+s5+$0x0], $0xffff;
	_ =	sdelay $0x1  }
0x56a: {  	v60 =	vld.idx.msk [tilespmem:v3+s5+$0x0], $0xffff  }
0x56b: {  	v61 =	vld [tilespmem:$0x1F0];
	_ =	sdelay $0x1  }
0x56c: {  	v62 =	vld [tilespmem:$0x270];
	v2 =	vmul.f32 v4, v2;
	_ =	sdelay $0x1  }
0x56d: {  	v2 =	vmul.f32 v60, v2  }
0x56e: {  	[tilespmem:$0x3E0] =	vst v3  }
0x56f: {  	[tilespmem:$0x4E0] =	vst v2;
	v2 =	vadd.s32 v0, v59  }
0x570: {  	[tilespmem:$0x1E0] =	vst v2;
	v2 =	vld [tilespmem:$0x2F0]  }
0x571: {  	v3 =	vld.idx.msk [tilespmem:v61+s5+$0x0], $0xffff;
	_ =	sdelay $0x1  }
0x572: {  	v63 =	vld.idx.msk [tilespmem:v62+s5+$0x0], $0xffff;
	_ =	sdelay $0x2  }
0x573: {  	v2 =	vmul.f32 v3, v2;
	_ =	sdelay $0x1  }
0x574: {  	v2 =	vmul.f32 v63, v2  }
0x575: {  	[tilespmem:$0x3F0] =	vst v62  }
.Ltmp19:
0x576: {  	[tilespmem:$0x4F0] =	vst v2;
	v2 =	vadd.s32 v0, v61;
	(pc) =	sbr.rel .LBB2_28-.Ltmp19, $4  }
0x577: {  	s7 =	simm.s32 $0x180;
	s8 =	simm.s32 $0x2D00;
	s5 =	simm.s32 $0x40;
	[tilespmem:$0x1F0] =	vst v2  }
0x578: {  	[tilespmem:s8], [sflag:$0x2] =	stream.indirect.gather [hbm4b:s13+s5], $0x40, s7, s5, $0xb8;
	[tilespmem:$0x1FB80] =	vst v63  }
0x579: {  	s31 =	simm.s32 $0x3D00;
	s6 =	sadd.s32 $0x1, s6;
	s8 =	simm.s32 $0x1C0  }
0x57a: {  	[tilespmem:s31], [sflag:$0x2] =	stream.indirect.gather [hbm4b:s13+s5], $0x40, s8, s5, $0xb8;
	[tilespmem:$0x1FB80] =	vst v63  }
.LBB2_37:
0x57b: {  	_ =	sfence.sel $0x180000  }
0x57c: {  	[bflag:$0x0] =	sbarrier.arrive $0xFFFF  }
0x57d: {  	_ =	strace $0x90000047  }
0x57e: {  	[bflag:$0x2] =	sbarrier.arrive $0xFFFF  }
0x57f: {  	s0 =	rddreg [dreg:$0x6]  }
0x580: {  	s0 =	sadd.s32 @!p0 $0x100000, s0  }
0x581: {  	[sflag:s0] =	ssyncadd.tile.s32 @!p0 $0x1;
	_ =	shalt  }
.Lfunc_end2:
_tile_overlayer_lowered:
.L_overlay_start_2:
0x582: {  	(tag) =	ssettag $0x2  }
0x583: {  	s0 =	rddreg [dreg:$0x0];
	s2 =	stileid.u32  }
0x584: {  	s1 =	rddreg [dreg:$0x1];
	p0 =	sne.s32 s2, $0x0  }
0x585: {  	s3 =	rddreg [dreg:$0x2];
	[bflag:$0x3] =	sbarrier.arrive $0xFFFF;
	s2 =	simm.s32 @!p0 $0x1C04  }
0x586: {  	[timem:s3], [sflag:s2] =	dma.local @!p0 [hbm:s0], s1  }
0x587: {  	s0 =	simm.s32 @!p0 $0x4  }
0x588: {  	_ =	swait.ge @!p0 [sflag:s0], s1  }
0x589: {  	s1 =	ssub.s32 @!p0 $0x0, s1;
	[sflag:s0] =	ssyncset.done @!p0 $0x0  }
0x58a: {  	[sflag:s0] =	ssyncadd.s32 @!p0 s1  }
0x58b: {  	[bflag:$0x3] =	sbarrier.arrive $0xFFFF  }
0x58c: {  	_ =	shalt  }

</sc_bundles>
